<compile_context>
chip_gen: v7x
topology: tpu7x:2x2x1
jax: 0.10.2.dev20260603
libtpu: 0.0.44.dev20260713+nightly
codegen_flags: <defaults>
</compile_context>

<pallas_src>
import functools

import jax
import jax.numpy as jnp
from jax import lax
from jax.experimental import pallas as pl
from jax.experimental.pallas import tpu as pltpu
from jax.experimental.pallas import tpu_sc as plsc

NC, NS = 2, 16
NW = NC * NS

B, L, V, D = 4096, 200, 1000000, 64
F = 4
BB = B // NW
NFIX = BB * F
HALF = L // 2
NBUF = 4


def _sc_body(ids_hbm, table_hbm, offs_hbm, words_hbm, we_hbm, out_hbm,
             idx_v, rows_v, fvecs_v, fwords_v, loffs_v, gsem, ssem, fsem):
    c = lax.axis_index("c")
    s = lax.axis_index("s")
    w = s * NC + c

    pltpu.sync_copy(ids_hbm.at[w], idx_v)
    pltpu.sync_copy(words_hbm.at[w], fwords_v)
    pltpu.sync_copy(offs_hbm.at[w], loffs_v)
    for j in range(F):
        pltpu.async_copy(we_hbm.at[fwords_v.at[j]],
                         fvecs_v.at[pl.ds(j * BB, BB)], fsem)
    for j in range(F):
        pltpu.make_async_copy(we_hbm.at[fwords_v.at[0]],
                              fvecs_v.at[pl.ds(0, BB)], fsem).wait()

    def fire_gather(bl, slot):
        for j in range(2):
            pltpu.async_copy(table_hbm.at[idx_v.at[bl, j]],
                             rows_v.at[slot, pl.ds(j * HALF, HALF)],
                             gsem.at[slot])

    def wait_gather(slot):
        for j in range(2):
            pltpu.make_async_copy(table_hbm.at[idx_v.at[0, 0]],
                                  rows_v.at[slot, pl.ds(0, HALF)],
                                  gsem.at[slot]).wait()

    def fire_store(bl, slot):
        pltpu.async_copy(rows_v.at[slot], out_hbm.at[w * BB + bl],
                         ssem.at[slot])

    def wait_store(slot):
        pltpu.make_async_copy(rows_v.at[slot], out_hbm.at[0], ssem.at[slot]
                              ).wait()

    for slot in range(NBUF):
        fire_gather(slot, slot)

    @pl.loop(0, BB, step=NBUF)
    def _group(g0):
        for slot in range(NBUF):
            bl = g0 + slot
            wait_gather(slot)
            fire_store(bl, slot)

            @pl.when(bl + NBUF < BB)
            def _refill():
                wait_store(slot)
                fire_gather(bl + NBUF, slot)

    for slot in range(NBUF):
        wait_store(slot)

    @pl.loop(0, NFIX // 16)
    def _fix_group(k16):
        lv = loffs_v[pl.ds(k16 * 16, 16)]
        for i in range(16):
            k = k16 * 16 + i
            l_k = lv[i]
            pltpu.async_copy(fvecs_v.at[k],
                             out_hbm.at[w * BB + k // F, l_k], fsem)
        for i in range(16):
            pltpu.make_async_copy(fvecs_v.at[0], out_hbm.at[0, 0], fsem
                                  ).wait()


@jax.jit
def _embed_with_fixes(ids4, table, offs2, words3, word_embeddings):
    mesh = plsc.VectorSubcoreMesh(
        core_axis_name="c", subcore_axis_name="s",
        num_cores=NC, num_subcores=NS)
    return pl.kernel(
        _sc_body,
        out_type=jax.ShapeDtypeStruct((B, L, D), jnp.float32),
        mesh=mesh,
        compiler_params=pltpu.CompilerParams(
            use_tc_tiling_on_sc=False, needs_layout_passes=False),
        scratch_types=[
            pltpu.VMEM((BB, 2, HALF), jnp.int32),
            pltpu.VMEM((NBUF, L, D), jnp.float32),
            pltpu.VMEM((NFIX, D), jnp.float32),
            pltpu.VMEM((F, 128), jnp.int32),
            pltpu.VMEM((NFIX,), jnp.int32),
            pltpu.SemaphoreType.DMA((NBUF,)),
            pltpu.SemaphoreType.DMA((NBUF,)),
            pltpu.SemaphoreType.DMA,
        ],
    )(ids4, table, offs2, words3, word_embeddings)


def kernel(input_ids, fix_offsets, fix_words, table, word_embeddings):
    ids4 = input_ids.reshape(NW, BB, 2, HALF)

    f_ids = jnp.arange(F, dtype=jnp.int32)
    eq = fix_offsets[:, :, None] == fix_offsets[:, None, :]
    last = jnp.max(jnp.where(eq, f_ids[None, None, :], -1), axis=2)
    win_words = jnp.take_along_axis(fix_words, last, axis=1)

    offs2 = fix_offsets.reshape(NW, NFIX)
    words3 = win_words.reshape(NW, F, 128)

    return _embed_with_fixes(ids4, table, offs2, words3, word_embeddings)

# --- scband reference (transcript-rebuilt; emitter-appended) ---
"""Pipeline reference for scband-embeddings-with-fixes-44564580663518 (READ-ONLY COPY).

The authoritative reference and input builder live on the scoring server;
editing this copy changes nothing except your own understanding.
"""

import jax, jax.numpy as jnp
import numpy as np

B, L, V, D = 4096, 200, 1000000, 64
F, W = 4, 1000

def setup_inputs(seed: int = 0) -> dict:
    key = jax.random.key(seed)
    k1, k2, k3, k4, k5 = jax.random.split(key, 5)
    input_ids = jax.random.randint(k1, (B, L), 0, V, dtype=jnp.int32)
    fix_offsets = jax.random.randint(k2, (B, F), 0, L, dtype=jnp.int32)
    fix_words = jax.random.randint(k3, (B, F), 0, W, dtype=jnp.int32)
    table = jax.random.normal(k4, (V, D), dtype=jnp.float32) * 0.02
    word_embeddings = jax.random.normal(k5, (W, D), dtype=jnp.float32) * 0.02
    return {"input_ids": input_ids, "fix_offsets": fix_offsets, "fix_words": fix_words, "table": table, "word_embeddings": word_embeddings}

def reference(input_ids, fix_offsets, fix_words, table, word_embeddings):
    # inputs_embeds = self.wrapped(input_ids)
    inputs_embeds = jnp.take(table, input_ids, axis=0)  # [B, L, D]
    # for fixes, tensor in zip(batch_fixes, inputs_embeds):
    #     for offset, word in fixes: tensor[offset] = word_embeddings[word]
    fix_vecs = jnp.take(word_embeddings, fix_words, axis=0)  # [B, F, D]
    def apply_fixes(emb_row, offs, vecs):
        return emb_row.at[offs].set(vecs)
    out = jax.vmap(apply_fixes)(inputs_embeds, fix_offsets, fix_vecs)
    return out

if __name__ == "__main__":
    import jax
    _d = setup_inputs()
    print(jax.jit(kernel)(*tuple(_d.values())))

</pallas_src>

<mosaic_0001>
#map = affine_map<(d0, d1) -> (0, 0, 0, 0)>
#map1 = affine_map<(d0, d1) -> (0, 0)>
#map2 = affine_map<(d0, d1) -> (0, 0, 0)>
module attributes {stable_mosaic.version = 14 : i64} {
  func.func @_sc_body(%arg0: i32, %arg1: i32, %arg2: memref<32x128x2x100xi32, #tpu.memory_space<hbm>>, %arg3: memref<1000000x64xf32, #tpu.memory_space<hbm>>, %arg4: memref<32x512xi32, #tpu.memory_space<hbm>>, %arg5: memref<32x4x128xi32, #tpu.memory_space<hbm>>, %arg6: memref<1000x64xf32, #tpu.memory_space<hbm>>, %arg7: memref<4096x200x64xf32, #tpu.memory_space<hbm>>, %arg8: memref<128x2x100xi32, #tpu.memory_space<vmem>>, %arg9: memref<4x200x64xf32, #tpu.memory_space<vmem>>, %arg10: memref<512x64xf32, #tpu.memory_space<vmem>>, %arg11: memref<4x128xi32, #tpu.memory_space<vmem>>, %arg12: memref<512xi32, #tpu.memory_space<vmem>>, %arg13: memref<4x!tpu.dma_semaphore, #tpu.memory_space<semaphore_mem>>, %arg14: memref<4x!tpu.dma_semaphore, #tpu.memory_space<semaphore_mem>>, %arg15: memref<!tpu.dma_semaphore, #tpu.memory_space<semaphore_mem>>) attributes {dimension_semantics = [#tpu.dimension_semantics<core_parallel>, #tpu.dimension_semantics<subcore_parallel>], iteration_bounds = array<i64: 2, 16>, scalar_prefetch = 0 : i64, scratch_operands = 8 : i64, tpu.core_type = #tpu.core_type<sc_vector_subcore>, window_params = [{transform_indices = #map}, {transform_indices = #map1}, {transform_indices = #map1}, {transform_indices = #map2}, {transform_indices = #map1}, {transform_indices = #map2}]} {
    %mul3A = arith.constant 2 : i32
    %mul3A_0 = arith.muli %arg1, %mul3A : i32
    %add3A = arith.addi %mul3A_0, %arg0 : i32
    "tpu.region"() ({
      %run_scoped3A = tpu.sem_alloc : memref<!tpu.dma_semaphore, #tpu.memory_space<semaphore_mem>>
      %dma_start3A_300 = arith.constant 0 : i32
      %dma_start3A_301 = arith.constant 0 : i32
      %dma_start3A_302 = arith.constant 0 : i32
      %dma_start3A_303 = tpu.memref_slice %arg2[%add3A, %dma_start3A_300, %dma_start3A_301, %dma_start3A_302] : memref<32x128x2x100xi32, #tpu.memory_space<hbm>> -> memref<1x128x2x100xi32, #tpu.memory_space<hbm>>
      %dma_start3A_304 = tpu.memref_squeeze %dma_start3A_303 : memref<1x128x2x100xi32, #tpu.memory_space<hbm>> -> memref<128x2x100xi32, #tpu.memory_space<hbm>>
      %dma_start3A_305 = arith.constant 0 : i32
      %dma_start3A_306 = arith.constant 0 : i32
      %dma_start3A_307 = arith.constant 0 : i32
      %dma_start3A_308 = tpu.memref_slice %arg2[%add3A, %dma_start3A_305, %dma_start3A_306, %dma_start3A_307] : memref<32x128x2x100xi32, #tpu.memory_space<hbm>> -> memref<1x128x2x100xi32, #tpu.memory_space<hbm>>
      %dma_start3A_309 = tpu.memref_squeeze %dma_start3A_308 : memref<1x128x2x100xi32, #tpu.memory_space<hbm>> -> memref<128x2x100xi32, #tpu.memory_space<hbm>>
      tpu.enqueue_dma source(%dma_start3A_309 : memref<128x2x100xi32, #tpu.memory_space<hbm>>) target(%arg8 : memref<128x2x100xi32, #tpu.memory_space<vmem>>) target_semaphore(%run_scoped3A : memref<!tpu.dma_semaphore, #tpu.memory_space<semaphore_mem>>)
      %dma_wait3A_310 = arith.constant 0 : i32
      %dma_wait3A_311 = arith.constant 0 : i32
      %dma_wait3A_312 = arith.constant 0 : i32
      %dma_wait3A_313 = tpu.memref_slice %arg2[%add3A, %dma_wait3A_310, %dma_wait3A_311, %dma_wait3A_312] : memref<32x128x2x100xi32, #tpu.memory_space<hbm>> -> memref<1x128x2x100xi32, #tpu.memory_space<hbm>>
      %dma_wait3A_314 = tpu.memref_squeeze %dma_wait3A_313 : memref<1x128x2x100xi32, #tpu.memory_space<hbm>> -> memref<128x2x100xi32, #tpu.memory_space<hbm>>
      %dma_wait3A_315 = arith.constant 0 : i32
      %dma_wait3A_316 = arith.constant 0 : i32
      %dma_wait3A_317 = arith.constant 0 : i32
      %dma_wait3A_318 = tpu.memref_slice %arg2[%add3A, %dma_wait3A_315, %dma_wait3A_316, %dma_wait3A_317] : memref<32x128x2x100xi32, #tpu.memory_space<hbm>> -> memref<1x128x2x100xi32, #tpu.memory_space<hbm>>
      %dma_wait3A_319 = tpu.memref_squeeze %dma_wait3A_318 : memref<1x128x2x100xi32, #tpu.memory_space<hbm>> -> memref<128x2x100xi32, #tpu.memory_space<hbm>>
      tpu.wait_dma2 semaphore(%run_scoped3A : memref<!tpu.dma_semaphore, #tpu.memory_space<semaphore_mem>>) src(%dma_wait3A_319 : memref<128x2x100xi32, #tpu.memory_space<hbm>>) dst(%arg8 : memref<128x2x100xi32, #tpu.memory_space<vmem>>)
      tpu.yield
    }) : () -> ()
    "tpu.region"() ({
      %run_scoped3A = tpu.sem_alloc : memref<!tpu.dma_semaphore, #tpu.memory_space<semaphore_mem>>
      %dma_start3A_300 = arith.constant 0 : i32
      %dma_start3A_301 = arith.constant 0 : i32
      %dma_start3A_302 = tpu.memref_slice %arg5[%add3A, %dma_start3A_300, %dma_start3A_301] : memref<32x4x128xi32, #tpu.memory_space<hbm>> -> memref<1x4x128xi32, #tpu.memory_space<hbm>>
      %dma_start3A_303 = tpu.memref_squeeze %dma_start3A_302 : memref<1x4x128xi32, #tpu.memory_space<hbm>> -> memref<4x128xi32, #tpu.memory_space<hbm>>
      %dma_start3A_304 = arith.constant 0 : i32
      %dma_start3A_305 = arith.constant 0 : i32
      %dma_start3A_306 = tpu.memref_slice %arg5[%add3A, %dma_start3A_304, %dma_start3A_305] : memref<32x4x128xi32, #tpu.memory_space<hbm>> -> memref<1x4x128xi32, #tpu.memory_space<hbm>>
      %dma_start3A_307 = tpu.memref_squeeze %dma_start3A_306 : memref<1x4x128xi32, #tpu.memory_space<hbm>> -> memref<4x128xi32, #tpu.memory_space<hbm>>
      tpu.enqueue_dma source(%dma_start3A_307 : memref<4x128xi32, #tpu.memory_space<hbm>>) target(%arg11 : memref<4x128xi32, #tpu.memory_space<vmem>>) target_semaphore(%run_scoped3A : memref<!tpu.dma_semaphore, #tpu.memory_space<semaphore_mem>>)
      %dma_wait3A_308 = arith.constant 0 : i32
      %dma_wait3A_309 = arith.constant 0 : i32
      %dma_wait3A_310 = tpu.memref_slice %arg5[%add3A, %dma_wait3A_308, %dma_wait3A_309] : memref<32x4x128xi32, #tpu.memory_space<hbm>> -> memref<1x4x128xi32, #tpu.memory_space<hbm>>
      %dma_wait3A_311 = tpu.memref_squeeze %dma_wait3A_310 : memref<1x4x128xi32, #tpu.memory_space<hbm>> -> memref<4x128xi32, #tpu.memory_space<hbm>>
      %dma_wait3A_312 = arith.constant 0 : i32
      %dma_wait3A_313 = arith.constant 0 : i32
      %dma_wait3A_314 = tpu.memref_slice %arg5[%add3A, %dma_wait3A_312, %dma_wait3A_313] : memref<32x4x128xi32, #tpu.memory_space<hbm>> -> memref<1x4x128xi32, #tpu.memory_space<hbm>>
      %dma_wait3A_315 = tpu.memref_squeeze %dma_wait3A_314 : memref<1x4x128xi32, #tpu.memory_space<hbm>> -> memref<4x128xi32, #tpu.memory_space<hbm>>
      tpu.wait_dma2 semaphore(%run_scoped3A : memref<!tpu.dma_semaphore, #tpu.memory_space<semaphore_mem>>) src(%dma_wait3A_315 : memref<4x128xi32, #tpu.memory_space<hbm>>) dst(%arg11 : memref<4x128xi32, #tpu.memory_space<vmem>>)
      tpu.yield
    }) : () -> ()
    "tpu.region"() ({
      %run_scoped3A = tpu.sem_alloc : memref<!tpu.dma_semaphore, #tpu.memory_space<semaphore_mem>>
      %dma_start3A_300 = arith.constant 0 : i32
      %dma_start3A_301 = tpu.memref_slice %arg4[%add3A, %dma_start3A_300] : memref<32x512xi32, #tpu.memory_space<hbm>> -> memref<1x512xi32, #tpu.memory_space<hbm>>
      %dma_start3A_302 = tpu.memref_squeeze %dma_start3A_301 : memref<1x512xi32, #tpu.memory_space<hbm>> -> memref<512xi32, #tpu.memory_space<hbm>>
      %dma_start3A_303 = arith.constant 0 : i32
      %dma_start3A_304 = tpu.memref_slice %arg4[%add3A, %dma_start3A_303] : memref<32x512xi32, #tpu.memory_space<hbm>> -> memref<1x512xi32, #tpu.memory_space<hbm>>
      %dma_start3A_305 = tpu.memref_squeeze %dma_start3A_304 : memref<1x512xi32, #tpu.memory_space<hbm>> -> memref<512xi32, #tpu.memory_space<hbm>>
      tpu.enqueue_dma source(%dma_start3A_305 : memref<512xi32, #tpu.memory_space<hbm>>) target(%arg12 : memref<512xi32, #tpu.memory_space<vmem>>) target_semaphore(%run_scoped3A : memref<!tpu.dma_semaphore, #tpu.memory_space<semaphore_mem>>)
      %dma_wait3A_306 = arith.constant 0 : i32
      %dma_wait3A_307 = tpu.memref_slice %arg4[%add3A, %dma_wait3A_306] : memref<32x512xi32, #tpu.memory_space<hbm>> -> memref<1x512xi32, #tpu.memory_space<hbm>>
      %dma_wait3A_308 = tpu.memref_squeeze %dma_wait3A_307 : memref<1x512xi32, #tpu.memory_space<hbm>> -> memref<512xi32, #tpu.memory_space<hbm>>
      %dma_wait3A_309 = arith.constant 0 : i32
      %dma_wait3A_310 = tpu.memref_slice %arg4[%add3A, %dma_wait3A_309] : memref<32x512xi32, #tpu.memory_space<hbm>> -> memref<1x512xi32, #tpu.memory_space<hbm>>
      %dma_wait3A_311 = tpu.memref_squeeze %dma_wait3A_310 : memref<1x512xi32, #tpu.memory_space<hbm>> -> memref<512xi32, #tpu.memory_space<hbm>>
      tpu.wait_dma2 semaphore(%run_scoped3A : memref<!tpu.dma_semaphore, #tpu.memory_space<semaphore_mem>>) src(%dma_wait3A_311 : memref<512xi32, #tpu.memory_space<hbm>>) dst(%arg12 : memref<512xi32, #tpu.memory_space<vmem>>)
      tpu.yield
    }) : () -> ()
    %dma_start3A = arith.constant 0 : i32
    %dma_start3A_1 = arith.constant 0 : i32
    %dma_start3A_2 = arith.constant 0 : i32
    %dma_start3A_3 = tpu.memref_slice %arg10[%dma_start3A_1, %dma_start3A_2] : memref<512x64xf32, #tpu.memory_space<vmem>> -> memref<128x64xf32, #tpu.memory_space<vmem>>
    %dma_start3A_4 = arith.constant 0 : i32
    %dma_start3A_5 = tpu.memref_slice %arg11[%dma_start3A, %dma_start3A_4] : memref<4x128xi32, #tpu.memory_space<vmem>> -> memref<1x128xi32, #tpu.memory_space<vmem>>
    %dma_start3A_6 = tpu.memref_squeeze %dma_start3A_5 : memref<1x128xi32, #tpu.memory_space<vmem>> -> memref<128xi32, #tpu.memory_space<vmem>>
    %dma_start3A_7 = arith.constant 0 : i32
    %dma_start3A_8 = arith.constant 0 : i32
    %dma_start3A_9 = tpu.memref_slice %arg6[%dma_start3A_7, %dma_start3A_8] : memref<1000x64xf32, #tpu.memory_space<hbm>> -> memref<1000x64xf32, #tpu.memory_space<hbm>>
    tpu.enqueue_indirect_dma source(%dma_start3A_9 : memref<1000x64xf32, #tpu.memory_space<hbm>>) target(%dma_start3A_3 : memref<128x64xf32, #tpu.memory_space<vmem>>) offsets(%dma_start3A_6 : memref<128xi32, #tpu.memory_space<vmem>>) semaphore(%arg15 : memref<!tpu.dma_semaphore, #tpu.memory_space<semaphore_mem>>)
    %dma_start3A_10 = arith.constant 1 : i32
    %dma_start3A_11 = arith.constant 128 : i32
    %dma_start3A_12 = arith.constant 0 : i32
    %dma_start3A_13 = tpu.memref_slice %arg10[%dma_start3A_11, %dma_start3A_12] : memref<512x64xf32, #tpu.memory_space<vmem>> -> memref<128x64xf32, #tpu.memory_space<vmem>>
    %dma_start3A_14 = arith.constant 0 : i32
    %dma_start3A_15 = tpu.memref_slice %arg11[%dma_start3A_10, %dma_start3A_14] : memref<4x128xi32, #tpu.memory_space<vmem>> -> memref<1x128xi32, #tpu.memory_space<vmem>>
    %dma_start3A_16 = tpu.memref_squeeze %dma_start3A_15 : memref<1x128xi32, #tpu.memory_space<vmem>> -> memref<128xi32, #tpu.memory_space<vmem>>
    %dma_start3A_17 = arith.constant 0 : i32
    %dma_start3A_18 = arith.constant 0 : i32
    %dma_start3A_19 = tpu.memref_slice %arg6[%dma_start3A_17, %dma_start3A_18] : memref<1000x64xf32, #tpu.memory_space<hbm>> -> memref<1000x64xf32, #tpu.memory_space<hbm>>
    tpu.enqueue_indirect_dma source(%dma_start3A_19 : memref<1000x64xf32, #tpu.memory_space<hbm>>) target(%dma_start3A_13 : memref<128x64xf32, #tpu.memory_space<vmem>>) offsets(%dma_start3A_16 : memref<128xi32, #tpu.memory_space<vmem>>) semaphore(%arg15 : memref<!tpu.dma_semaphore, #tpu.memory_space<semaphore_mem>>)
    %dma_start3A_20 = arith.constant 2 : i32
    %dma_start3A_21 = arith.constant 256 : i32
    %dma_start3A_22 = arith.constant 0 : i32
    %dma_start3A_23 = tpu.memref_slice %arg10[%dma_start3A_21, %dma_start3A_22] : memref<512x64xf32, #tpu.memory_space<vmem>> -> memref<128x64xf32, #tpu.memory_space<vmem>>
    %dma_start3A_24 = arith.constant 0 : i32
    %dma_start3A_25 = tpu.memref_slice %arg11[%dma_start3A_20, %dma_start3A_24] : memref<4x128xi32, #tpu.memory_space<vmem>> -> memref<1x128xi32, #tpu.memory_space<vmem>>
    %dma_start3A_26 = tpu.memref_squeeze %dma_start3A_25 : memref<1x128xi32, #tpu.memory_space<vmem>> -> memref<128xi32, #tpu.memory_space<vmem>>
    %dma_start3A_27 = arith.constant 0 : i32
    %dma_start3A_28 = arith.constant 0 : i32
    %dma_start3A_29 = tpu.memref_slice %arg6[%dma_start3A_27, %dma_start3A_28] : memref<1000x64xf32, #tpu.memory_space<hbm>> -> memref<1000x64xf32, #tpu.memory_space<hbm>>
    tpu.enqueue_indirect_dma source(%dma_start3A_29 : memref<1000x64xf32, #tpu.memory_space<hbm>>) target(%dma_start3A_23 : memref<128x64xf32, #tpu.memory_space<vmem>>) offsets(%dma_start3A_26 : memref<128xi32, #tpu.memory_space<vmem>>) semaphore(%arg15 : memref<!tpu.dma_semaphore, #tpu.memory_space<semaphore_mem>>)
    %dma_start3A_30 = arith.constant 3 : i32
    %dma_start3A_31 = arith.constant 384 : i32
    %dma_start3A_32 = arith.constant 0 : i32
    %dma_start3A_33 = tpu.memref_slice %arg10[%dma_start3A_31, %dma_start3A_32] : memref<512x64xf32, #tpu.memory_space<vmem>> -> memref<128x64xf32, #tpu.memory_space<vmem>>
    %dma_start3A_34 = arith.constant 0 : i32
    %dma_start3A_35 = tpu.memref_slice %arg11[%dma_start3A_30, %dma_start3A_34] : memref<4x128xi32, #tpu.memory_space<vmem>> -> memref<1x128xi32, #tpu.memory_space<vmem>>
    %dma_start3A_36 = tpu.memref_squeeze %dma_start3A_35 : memref<1x128xi32, #tpu.memory_space<vmem>> -> memref<128xi32, #tpu.memory_space<vmem>>
    %dma_start3A_37 = arith.constant 0 : i32
    %dma_start3A_38 = arith.constant 0 : i32
    %dma_start3A_39 = tpu.memref_slice %arg6[%dma_start3A_37, %dma_start3A_38] : memref<1000x64xf32, #tpu.memory_space<hbm>> -> memref<1000x64xf32, #tpu.memory_space<hbm>>
    tpu.enqueue_indirect_dma source(%dma_start3A_39 : memref<1000x64xf32, #tpu.memory_space<hbm>>) target(%dma_start3A_33 : memref<128x64xf32, #tpu.memory_space<vmem>>) offsets(%dma_start3A_36 : memref<128xi32, #tpu.memory_space<vmem>>) semaphore(%arg15 : memref<!tpu.dma_semaphore, #tpu.memory_space<semaphore_mem>>)
    %dma_wait3A = arith.constant 0 : i32
    %dma_wait3A_40 = arith.constant 0 : i32
    %dma_wait3A_41 = arith.constant 0 : i32
    %dma_wait3A_42 = tpu.memref_slice %arg10[%dma_wait3A_40, %dma_wait3A_41] : memref<512x64xf32, #tpu.memory_space<vmem>> -> memref<128x64xf32, #tpu.memory_space<vmem>>
    %dma_wait3A_43 = arith.constant 0 : i32
    %dma_wait3A_44 = tpu.memref_slice %arg11[%dma_wait3A, %dma_wait3A_43] : memref<4x128xi32, #tpu.memory_space<vmem>> -> memref<1x128xi32, #tpu.memory_space<vmem>>
    %dma_wait3A_45 = tpu.memref_squeeze %dma_wait3A_44 : memref<1x128xi32, #tpu.memory_space<vmem>> -> memref<128xi32, #tpu.memory_space<vmem>>
    %dma_wait3A_46 = arith.constant 0 : i32
    %dma_wait3A_47 = arith.constant 0 : i32
    %dma_wait3A_48 = tpu.memref_slice %arg6[%dma_wait3A_46, %dma_wait3A_47] : memref<1000x64xf32, #tpu.memory_space<hbm>> -> memref<1000x64xf32, #tpu.memory_space<hbm>>
    tpu.wait_indirect_dma semaphore(%arg15 : memref<!tpu.dma_semaphore, #tpu.memory_space<semaphore_mem>>) src(%dma_wait3A_48 : memref<1000x64xf32, #tpu.memory_space<hbm>>) dst(%dma_wait3A_42 : memref<128x64xf32, #tpu.memory_space<vmem>>)
    %dma_wait3A_49 = arith.constant 0 : i32
    %dma_wait3A_50 = arith.constant 0 : i32
    %dma_wait3A_51 = arith.constant 0 : i32
    %dma_wait3A_52 = tpu.memref_slice %arg10[%dma_wait3A_50, %dma_wait3A_51] : memref<512x64xf32, #tpu.memory_space<vmem>> -> memref<128x64xf32, #tpu.memory_space<vmem>>
    %dma_wait3A_53 = arith.constant 0 : i32
    %dma_wait3A_54 = tpu.memref_slice %arg11[%dma_wait3A_49, %dma_wait3A_53] : memref<4x128xi32, #tpu.memory_space<vmem>> -> memref<1x128xi32, #tpu.memory_space<vmem>>
    %dma_wait3A_55 = tpu.memref_squeeze %dma_wait3A_54 : memref<1x128xi32, #tpu.memory_space<vmem>> -> memref<128xi32, #tpu.memory_space<vmem>>
    %dma_wait3A_56 = arith.constant 0 : i32
    %dma_wait3A_57 = arith.constant 0 : i32
    %dma_wait3A_58 = tpu.memref_slice %arg6[%dma_wait3A_56, %dma_wait3A_57] : memref<1000x64xf32, #tpu.memory_space<hbm>> -> memref<1000x64xf32, #tpu.memory_space<hbm>>
    tpu.wait_indirect_dma semaphore(%arg15 : memref<!tpu.dma_semaphore, #tpu.memory_space<semaphore_mem>>) src(%dma_wait3A_58 : memref<1000x64xf32, #tpu.memory_space<hbm>>) dst(%dma_wait3A_52 : memref<128x64xf32, #tpu.memory_space<vmem>>)
    %dma_wait3A_59 = arith.constant 0 : i32
    %dma_wait3A_60 = arith.constant 0 : i32
    %dma_wait3A_61 = arith.constant 0 : i32
    %dma_wait3A_62 = tpu.memref_slice %arg10[%dma_wait3A_60, %dma_wait3A_61] : memref<512x64xf32, #tpu.memory_space<vmem>> -> memref<128x64xf32, #tpu.memory_space<vmem>>
    %dma_wait3A_63 = arith.constant 0 : i32
    %dma_wait3A_64 = tpu.memref_slice %arg11[%dma_wait3A_59, %dma_wait3A_63] : memref<4x128xi32, #tpu.memory_space<vmem>> -> memref<1x128xi32, #tpu.memory_space<vmem>>
    %dma_wait3A_65 = tpu.memref_squeeze %dma_wait3A_64 : memref<1x128xi32, #tpu.memory_space<vmem>> -> memref<128xi32, #tpu.memory_space<vmem>>
    %dma_wait3A_66 = arith.constant 0 : i32
    %dma_wait3A_67 = arith.constant 0 : i32
    %dma_wait3A_68 = tpu.memref_slice %arg6[%dma_wait3A_66, %dma_wait3A_67] : memref<1000x64xf32, #tpu.memory_space<hbm>> -> memref<1000x64xf32, #tpu.memory_space<hbm>>
    tpu.wait_indirect_dma semaphore(%arg15 : memref<!tpu.dma_semaphore, #tpu.memory_space<semaphore_mem>>) src(%dma_wait3A_68 : memref<1000x64xf32, #tpu.memory_space<hbm>>) dst(%dma_wait3A_62 : memref<128x64xf32, #tpu.memory_space<vmem>>)
    %dma_wait3A_69 = arith.constant 0 : i32
    %dma_wait3A_70 = arith.constant 0 : i32
    %dma_wait3A_71 = arith.constant 0 : i32
    %dma_wait3A_72 = tpu.memref_slice %arg10[%dma_wait3A_70, %dma_wait3A_71] : memref<512x64xf32, #tpu.memory_space<vmem>> -> memref<128x64xf32, #tpu.memory_space<vmem>>
    %dma_wait3A_73 = arith.constant 0 : i32
    %dma_wait3A_74 = tpu.memref_slice %arg11[%dma_wait3A_69, %dma_wait3A_73] : memref<4x128xi32, #tpu.memory_space<vmem>> -> memref<1x128xi32, #tpu.memory_space<vmem>>
    %dma_wait3A_75 = tpu.memref_squeeze %dma_wait3A_74 : memref<1x128xi32, #tpu.memory_space<vmem>> -> memref<128xi32, #tpu.memory_space<vmem>>
    %dma_wait3A_76 = arith.constant 0 : i32
    %dma_wait3A_77 = arith.constant 0 : i32
    %dma_wait3A_78 = tpu.memref_slice %arg6[%dma_wait3A_76, %dma_wait3A_77] : memref<1000x64xf32, #tpu.memory_space<hbm>> -> memref<1000x64xf32, #tpu.memory_space<hbm>>
    tpu.wait_indirect_dma semaphore(%arg15 : memref<!tpu.dma_semaphore, #tpu.memory_space<semaphore_mem>>) src(%dma_wait3A_78 : memref<1000x64xf32, #tpu.memory_space<hbm>>) dst(%dma_wait3A_72 : memref<128x64xf32, #tpu.memory_space<vmem>>)
    %dma_start3A_79 = arith.constant 0 : i32
    %dma_start3A_80 = arith.constant 0 : i32
    %dma_start3A_81 = arith.constant 0 : i32
    %dma_start3A_82 = arith.constant 0 : i32
    %dma_start3A_83 = arith.constant 0 : i32
    %dma_start3A_84 = arith.constant 0 : i32
    %dma_start3A_85 = tpu.memref_slice %arg9[%dma_start3A_81, %dma_start3A_83, %dma_start3A_84] : memref<4x200x64xf32, #tpu.memory_space<vmem>> -> memref<1x100x64xf32, #tpu.memory_space<vmem>>
    %dma_start3A_86 = tpu.memref_squeeze %dma_start3A_85 : memref<1x100x64xf32, #tpu.memory_space<vmem>> -> memref<100x64xf32, #tpu.memory_space<vmem>>
    %dma_start3A_87 = arith.constant 0 : i32
    %dma_start3A_88 = tpu.memref_slice %arg8[%dma_start3A_79, %dma_start3A_80, %dma_start3A_87] : memref<128x2x100xi32, #tpu.memory_space<vmem>> -> memref<1x1x100xi32, #tpu.memory_space<vmem>>
    %dma_start3A_89 = tpu.memref_squeeze %dma_start3A_88 : memref<1x1x100xi32, #tpu.memory_space<vmem>> -> memref<100xi32, #tpu.memory_space<vmem>>
    %dma_start3A_90 = arith.constant 0 : i32
    %dma_start3A_91 = arith.constant 0 : i32
    %dma_start3A_92 = tpu.memref_slice %arg3[%dma_start3A_90, %dma_start3A_91] : memref<1000000x64xf32, #tpu.memory_space<hbm>> -> memref<1000000x64xf32, #tpu.memory_space<hbm>>
    %dma_start3A_93 = tpu.memref_slice %arg13[%dma_start3A_82] : memref<4x!tpu.dma_semaphore, #tpu.memory_space<semaphore_mem>> -> memref<1x!tpu.dma_semaphore, #tpu.memory_space<semaphore_mem>>
    %dma_start3A_94 = tpu.memref_squeeze %dma_start3A_93 : memref<1x!tpu.dma_semaphore, #tpu.memory_space<semaphore_mem>> -> memref<!tpu.dma_semaphore, #tpu.memory_space<semaphore_mem>>
    tpu.enqueue_indirect_dma source(%dma_start3A_92 : memref<1000000x64xf32, #tpu.memory_space<hbm>>) target(%dma_start3A_86 : memref<100x64xf32, #tpu.memory_space<vmem>>) offsets(%dma_start3A_89 : memref<100xi32, #tpu.memory_space<vmem>>) semaphore(%dma_start3A_94 : memref<!tpu.dma_semaphore, #tpu.memory_space<semaphore_mem>>)
    %dma_start3A_95 = arith.constant 0 : i32
    %dma_start3A_96 = arith.constant 1 : i32
    %dma_start3A_97 = arith.constant 0 : i32
    %dma_start3A_98 = arith.constant 0 : i32
    %dma_start3A_99 = arith.constant 100 : i32
    %dma_start3A_100 = arith.constant 0 : i32
    %dma_start3A_101 = tpu.memref_slice %arg9[%dma_start3A_97, %dma_start3A_99, %dma_start3A_100] : memref<4x200x64xf32, #tpu.memory_space<vmem>> -> memref<1x100x64xf32, #tpu.memory_space<vmem>>
    %dma_start3A_102 = tpu.memref_squeeze %dma_start3A_101 : memref<1x100x64xf32, #tpu.memory_space<vmem>> -> memref<100x64xf32, #tpu.memory_space<vmem>>
    %dma_start3A_103 = arith.constant 0 : i32
    %dma_start3A_104 = tpu.memref_slice %arg8[%dma_start3A_95, %dma_start3A_96, %dma_start3A_103] : memref<128x2x100xi32, #tpu.memory_space<vmem>> -> memref<1x1x100xi32, #tpu.memory_space<vmem>>
    %dma_start3A_105 = tpu.memref_squeeze %dma_start3A_104 : memref<1x1x100xi32, #tpu.memory_space<vmem>> -> memref<100xi32, #tpu.memory_space<vmem>>
    %dma_start3A_106 = arith.constant 0 : i32
    %dma_start3A_107 = arith.constant 0 : i32
    %dma_start3A_108 = tpu.memref_slice %arg3[%dma_start3A_106, %dma_start3A_107] : memref<1000000x64xf32, #tpu.memory_space<hbm>> -> memref<1000000x64xf32, #tpu.memory_space<hbm>>
    %dma_start3A_109 = tpu.memref_slice %arg13[%dma_start3A_98] : memref<4x!tpu.dma_semaphore, #tpu.memory_space<semaphore_mem>> -> memref<1x!tpu.dma_semaphore, #tpu.memory_space<semaphore_mem>>
    %dma_start3A_110 = tpu.memref_squeeze %dma_start3A_109 : memref<1x!tpu.dma_semaphore, #tpu.memory_space<semaphore_mem>> -> memref<!tpu.dma_semaphore, #tpu.memory_space<semaphore_mem>>
    tpu.enqueue_indirect_dma source(%dma_start3A_108 : memref<1000000x64xf32, #tpu.memory_space<hbm>>) target(%dma_start3A_102 : memref<100x64xf32, #tpu.memory_space<vmem>>) offsets(%dma_start3A_105 : memref<100xi32, #tpu.memory_space<vmem>>) semaphore(%dma_start3A_110 : memref<!tpu.dma_semaphore, #tpu.memory_space<semaphore_mem>>)
    %dma_start3A_111 = arith.constant 1 : i32
    %dma_start3A_112 = arith.constant 0 : i32
    %dma_start3A_113 = arith.constant 1 : i32
    %dma_start3A_114 = arith.constant 1 : i32
    %dma_start3A_115 = arith.constant 0 : i32
    %dma_start3A_116 = arith.constant 0 : i32
    %dma_start3A_117 = tpu.memref_slice %arg9[%dma_start3A_113, %dma_start3A_115, %dma_start3A_116] : memref<4x200x64xf32, #tpu.memory_space<vmem>> -> memref<1x100x64xf32, #tpu.memory_space<vmem>>
    %dma_start3A_118 = tpu.memref_squeeze %dma_start3A_117 : memref<1x100x64xf32, #tpu.memory_space<vmem>> -> memref<100x64xf32, #tpu.memory_space<vmem>>
    %dma_start3A_119 = arith.constant 0 : i32
    %dma_start3A_120 = tpu.memref_slice %arg8[%dma_start3A_111, %dma_start3A_112, %dma_start3A_119] : memref<128x2x100xi32, #tpu.memory_space<vmem>> -> memref<1x1x100xi32, #tpu.memory_space<vmem>>
    %dma_start3A_121 = tpu.memref_squeeze %dma_start3A_120 : memref<1x1x100xi32, #tpu.memory_space<vmem>> -> memref<100xi32, #tpu.memory_space<vmem>>
    %dma_start3A_122 = arith.constant 0 : i32
    %dma_start3A_123 = arith.constant 0 : i32
    %dma_start3A_124 = tpu.memref_slice %arg3[%dma_start3A_122, %dma_start3A_123] : memref<1000000x64xf32, #tpu.memory_space<hbm>> -> memref<1000000x64xf32, #tpu.memory_space<hbm>>
    %dma_start3A_125 = tpu.memref_slice %arg13[%dma_start3A_114] : memref<4x!tpu.dma_semaphore, #tpu.memory_space<semaphore_mem>> -> memref<1x!tpu.dma_semaphore, #tpu.memory_space<semaphore_mem>>
    %dma_start3A_126 = tpu.memref_squeeze %dma_start3A_125 : memref<1x!tpu.dma_semaphore, #tpu.memory_space<semaphore_mem>> -> memref<!tpu.dma_semaphore, #tpu.memory_space<semaphore_mem>>
    tpu.enqueue_indirect_dma source(%dma_start3A_124 : memref<1000000x64xf32, #tpu.memory_space<hbm>>) target(%dma_start3A_118 : memref<100x64xf32, #tpu.memory_space<vmem>>) offsets(%dma_start3A_121 : memref<100xi32, #tpu.memory_space<vmem>>) semaphore(%dma_start3A_126 : memref<!tpu.dma_semaphore, #tpu.memory_space<semaphore_mem>>)
    %dma_start3A_127 = arith.constant 1 : i32
    %dma_start3A_128 = arith.constant 1 : i32
    %dma_start3A_129 = arith.constant 1 : i32
    %dma_start3A_130 = arith.constant 1 : i32
    %dma_start3A_131 = arith.constant 100 : i32
    %dma_start3A_132 = arith.constant 0 : i32
    %dma_start3A_133 = tpu.memref_slice %arg9[%dma_start3A_129, %dma_start3A_131, %dma_start3A_132] : memref<4x200x64xf32, #tpu.memory_space<vmem>> -> memref<1x100x64xf32, #tpu.memory_space<vmem>>
    %dma_start3A_134 = tpu.memref_squeeze %dma_start3A_133 : memref<1x100x64xf32, #tpu.memory_space<vmem>> -> memref<100x64xf32, #tpu.memory_space<vmem>>
    %dma_start3A_135 = arith.constant 0 : i32
    %dma_start3A_136 = tpu.memref_slice %arg8[%dma_start3A_127, %dma_start3A_128, %dma_start3A_135] : memref<128x2x100xi32, #tpu.memory_space<vmem>> -> memref<1x1x100xi32, #tpu.memory_space<vmem>>
    %dma_start3A_137 = tpu.memref_squeeze %dma_start3A_136 : memref<1x1x100xi32, #tpu.memory_space<vmem>> -> memref<100xi32, #tpu.memory_space<vmem>>
    %dma_start3A_138 = arith.constant 0 : i32
    %dma_start3A_139 = arith.constant 0 : i32
    %dma_start3A_140 = tpu.memref_slice %arg3[%dma_start3A_138, %dma_start3A_139] : memref<1000000x64xf32, #tpu.memory_space<hbm>> -> memref<1000000x64xf32, #tpu.memory_space<hbm>>
    %dma_start3A_141 = tpu.memref_slice %arg13[%dma_start3A_130] : memref<4x!tpu.dma_semaphore, #tpu.memory_space<semaphore_mem>> -> memref<1x!tpu.dma_semaphore, #tpu.memory_space<semaphore_mem>>
    %dma_start3A_142 = tpu.memref_squeeze %dma_start3A_141 : memref<1x!tpu.dma_semaphore, #tpu.memory_space<semaphore_mem>> -> memref<!tpu.dma_semaphore, #tpu.memory_space<semaphore_mem>>
    tpu.enqueue_indirect_dma source(%dma_start3A_140 : memref<1000000x64xf32, #tpu.memory_space<hbm>>) target(%dma_start3A_134 : memref<100x64xf32, #tpu.memory_space<vmem>>) offsets(%dma_start3A_137 : memref<100xi32, #tpu.memory_space<vmem>>) semaphore(%dma_start3A_142 : memref<!tpu.dma_semaphore, #tpu.memory_space<semaphore_mem>>)
    %dma_start3A_143 = arith.constant 2 : i32
    %dma_start3A_144 = arith.constant 0 : i32
    %dma_start3A_145 = arith.constant 2 : i32
    %dma_start3A_146 = arith.constant 2 : i32
    %dma_start3A_147 = arith.constant 0 : i32
    %dma_start3A_148 = arith.constant 0 : i32
    %dma_start3A_149 = tpu.memref_slice %arg9[%dma_start3A_145, %dma_start3A_147, %dma_start3A_148] : memref<4x200x64xf32, #tpu.memory_space<vmem>> -> memref<1x100x64xf32, #tpu.memory_space<vmem>>
    %dma_start3A_150 = tpu.memref_squeeze %dma_start3A_149 : memref<1x100x64xf32, #tpu.memory_space<vmem>> -> memref<100x64xf32, #tpu.memory_space<vmem>>
    %dma_start3A_151 = arith.constant 0 : i32
    %dma_start3A_152 = tpu.memref_slice %arg8[%dma_start3A_143, %dma_start3A_144, %dma_start3A_151] : memref<128x2x100xi32, #tpu.memory_space<vmem>> -> memref<1x1x100xi32, #tpu.memory_space<vmem>>
    %dma_start3A_153 = tpu.memref_squeeze %dma_start3A_152 : memref<1x1x100xi32, #tpu.memory_space<vmem>> -> memref<100xi32, #tpu.memory_space<vmem>>
    %dma_start3A_154 = arith.constant 0 : i32
    %dma_start3A_155 = arith.constant 0 : i32
    %dma_start3A_156 = tpu.memref_slice %arg3[%dma_start3A_154, %dma_start3A_155] : memref<1000000x64xf32, #tpu.memory_space<hbm>> -> memref<1000000x64xf32, #tpu.memory_space<hbm>>
    %dma_start3A_157 = tpu.memref_slice %arg13[%dma_start3A_146] : memref<4x!tpu.dma_semaphore, #tpu.memory_space<semaphore_mem>> -> memref<1x!tpu.dma_semaphore, #tpu.memory_space<semaphore_mem>>
    %dma_start3A_158 = tpu.memref_squeeze %dma_start3A_157 : memref<1x!tpu.dma_semaphore, #tpu.memory_space<semaphore_mem>> -> memref<!tpu.dma_semaphore, #tpu.memory_space<semaphore_mem>>
    tpu.enqueue_indirect_dma source(%dma_start3A_156 : memref<1000000x64xf32, #tpu.memory_space<hbm>>) target(%dma_start3A_150 : memref<100x64xf32, #tpu.memory_space<vmem>>) offsets(%dma_start3A_153 : memref<100xi32, #tpu.memory_space<vmem>>) semaphore(%dma_start3A_158 : memref<!tpu.dma_semaphore, #tpu.memory_space<semaphore_mem>>)
    %dma_start3A_159 = arith.constant 2 : i32
    %dma_start3A_160 = arith.constant 1 : i32
    %dma_start3A_161 = arith.constant 2 : i32
    %dma_start3A_162 = arith.constant 2 : i32
    %dma_start3A_163 = arith.constant 100 : i32
    %dma_start3A_164 = arith.constant 0 : i32
    %dma_start3A_165 = tpu.memref_slice %arg9[%dma_start3A_161, %dma_start3A_163, %dma_start3A_164] : memref<4x200x64xf32, #tpu.memory_space<vmem>> -> memref<1x100x64xf32, #tpu.memory_space<vmem>>
    %dma_start3A_166 = tpu.memref_squeeze %dma_start3A_165 : memref<1x100x64xf32, #tpu.memory_space<vmem>> -> memref<100x64xf32, #tpu.memory_space<vmem>>
    %dma_start3A_167 = arith.constant 0 : i32
    %dma_start3A_168 = tpu.memref_slice %arg8[%dma_start3A_159, %dma_start3A_160, %dma_start3A_167] : memref<128x2x100xi32, #tpu.memory_space<vmem>> -> memref<1x1x100xi32, #tpu.memory_space<vmem>>
    %dma_start3A_169 = tpu.memref_squeeze %dma_start3A_168 : memref<1x1x100xi32, #tpu.memory_space<vmem>> -> memref<100xi32, #tpu.memory_space<vmem>>
    %dma_start3A_170 = arith.constant 0 : i32
    %dma_start3A_171 = arith.constant 0 : i32
    %dma_start3A_172 = tpu.memref_slice %arg3[%dma_start3A_170, %dma_start3A_171] : memref<1000000x64xf32, #tpu.memory_space<hbm>> -> memref<1000000x64xf32, #tpu.memory_space<hbm>>
    %dma_start3A_173 = tpu.memref_slice %arg13[%dma_start3A_162] : memref<4x!tpu.dma_semaphore, #tpu.memory_space<semaphore_mem>> -> memref<1x!tpu.dma_semaphore, #tpu.memory_space<semaphore_mem>>
    %dma_start3A_174 = tpu.memref_squeeze %dma_start3A_173 : memref<1x!tpu.dma_semaphore, #tpu.memory_space<semaphore_mem>> -> memref<!tpu.dma_semaphore, #tpu.memory_space<semaphore_mem>>
    tpu.enqueue_indirect_dma source(%dma_start3A_172 : memref<1000000x64xf32, #tpu.memory_space<hbm>>) target(%dma_start3A_166 : memref<100x64xf32, #tpu.memory_space<vmem>>) offsets(%dma_start3A_169 : memref<100xi32, #tpu.memory_space<vmem>>) semaphore(%dma_start3A_174 : memref<!tpu.dma_semaphore, #tpu.memory_space<semaphore_mem>>)
    %dma_start3A_175 = arith.constant 3 : i32
    %dma_start3A_176 = arith.constant 0 : i32
    %dma_start3A_177 = arith.constant 3 : i32
    %dma_start3A_178 = arith.constant 3 : i32
    %dma_start3A_179 = arith.constant 0 : i32
    %dma_start3A_180 = arith.constant 0 : i32
    %dma_start3A_181 = tpu.memref_slice %arg9[%dma_start3A_177, %dma_start3A_179, %dma_start3A_180] : memref<4x200x64xf32, #tpu.memory_space<vmem>> -> memref<1x100x64xf32, #tpu.memory_space<vmem>>
    %dma_start3A_182 = tpu.memref_squeeze %dma_start3A_181 : memref<1x100x64xf32, #tpu.memory_space<vmem>> -> memref<100x64xf32, #tpu.memory_space<vmem>>
    %dma_start3A_183 = arith.constant 0 : i32
    %dma_start3A_184 = tpu.memref_slice %arg8[%dma_start3A_175, %dma_start3A_176, %dma_start3A_183] : memref<128x2x100xi32, #tpu.memory_space<vmem>> -> memref<1x1x100xi32, #tpu.memory_space<vmem>>
    %dma_start3A_185 = tpu.memref_squeeze %dma_start3A_184 : memref<1x1x100xi32, #tpu.memory_space<vmem>> -> memref<100xi32, #tpu.memory_space<vmem>>
    %dma_start3A_186 = arith.constant 0 : i32
    %dma_start3A_187 = arith.constant 0 : i32
    %dma_start3A_188 = tpu.memref_slice %arg3[%dma_start3A_186, %dma_start3A_187] : memref<1000000x64xf32, #tpu.memory_space<hbm>> -> memref<1000000x64xf32, #tpu.memory_space<hbm>>
    %dma_start3A_189 = tpu.memref_slice %arg13[%dma_start3A_178] : memref<4x!tpu.dma_semaphore, #tpu.memory_space<semaphore_mem>> -> memref<1x!tpu.dma_semaphore, #tpu.memory_space<semaphore_mem>>
    %dma_start3A_190 = tpu.memref_squeeze %dma_start3A_189 : memref<1x!tpu.dma_semaphore, #tpu.memory_space<semaphore_mem>> -> memref<!tpu.dma_semaphore, #tpu.memory_space<semaphore_mem>>
    tpu.enqueue_indirect_dma source(%dma_start3A_188 : memref<1000000x64xf32, #tpu.memory_space<hbm>>) target(%dma_start3A_182 : memref<100x64xf32, #tpu.memory_space<vmem>>) offsets(%dma_start3A_185 : memref<100xi32, #tpu.memory_space<vmem>>) semaphore(%dma_start3A_190 : memref<!tpu.dma_semaphore, #tpu.memory_space<semaphore_mem>>)
    %dma_start3A_191 = arith.constant 3 : i32
    %dma_start3A_192 = arith.constant 1 : i32
    %dma_start3A_193 = arith.constant 3 : i32
    %dma_start3A_194 = arith.constant 3 : i32
    %dma_start3A_195 = arith.constant 100 : i32
    %dma_start3A_196 = arith.constant 0 : i32
    %dma_start3A_197 = tpu.memref_slice %arg9[%dma_start3A_193, %dma_start3A_195, %dma_start3A_196] : memref<4x200x64xf32, #tpu.memory_space<vmem>> -> memref<1x100x64xf32, #tpu.memory_space<vmem>>
    %dma_start3A_198 = tpu.memref_squeeze %dma_start3A_197 : memref<1x100x64xf32, #tpu.memory_space<vmem>> -> memref<100x64xf32, #tpu.memory_space<vmem>>
    %dma_start3A_199 = arith.constant 0 : i32
    %dma_start3A_200 = tpu.memref_slice %arg8[%dma_start3A_191, %dma_start3A_192, %dma_start3A_199] : memref<128x2x100xi32, #tpu.memory_space<vmem>> -> memref<1x1x100xi32, #tpu.memory_space<vmem>>
    %dma_start3A_201 = tpu.memref_squeeze %dma_start3A_200 : memref<1x1x100xi32, #tpu.memory_space<vmem>> -> memref<100xi32, #tpu.memory_space<vmem>>
    %dma_start3A_202 = arith.constant 0 : i32
    %dma_start3A_203 = arith.constant 0 : i32
    %dma_start3A_204 = tpu.memref_slice %arg3[%dma_start3A_202, %dma_start3A_203] : memref<1000000x64xf32, #tpu.memory_space<hbm>> -> memref<1000000x64xf32, #tpu.memory_space<hbm>>
    %dma_start3A_205 = tpu.memref_slice %arg13[%dma_start3A_194] : memref<4x!tpu.dma_semaphore, #tpu.memory_space<semaphore_mem>> -> memref<1x!tpu.dma_semaphore, #tpu.memory_space<semaphore_mem>>
    %dma_start3A_206 = tpu.memref_squeeze %dma_start3A_205 : memref<1x!tpu.dma_semaphore, #tpu.memory_space<semaphore_mem>> -> memref<!tpu.dma_semaphore, #tpu.memory_space<semaphore_mem>>
    tpu.enqueue_indirect_dma source(%dma_start3A_204 : memref<1000000x64xf32, #tpu.memory_space<hbm>>) target(%dma_start3A_198 : memref<100x64xf32, #tpu.memory_space<vmem>>) offsets(%dma_start3A_201 : memref<100xi32, #tpu.memory_space<vmem>>) semaphore(%dma_start3A_206 : memref<!tpu.dma_semaphore, #tpu.memory_space<semaphore_mem>>)
    %scan3A = arith.constant 0 : i32
    %scan3A_207 = arith.constant 32 : i32
    %scan3A_208 = arith.addi %scan3A, %scan3A_207 : i32
    %scan3A_209 = arith.constant 1 : i32
    scf.for %scan3A_300 = %scan3A to %scan3A_208 step %scan3A_209  : i32 {
      %mul3A_301 = arith.constant 4 : i32
      %mul3A_302 = arith.muli %scan3A_300, %mul3A_301 : i32
      %add3A_303 = arith.constant 0 : i32
      %add3A_304 = arith.addi %add3A_303, %mul3A_302 : i32
      %add3A_305 = arith.constant 0 : i32
      %add3A_306 = arith.addi %add3A_304, %add3A_305 : i32
      %dma_wait3A_307 = arith.constant 0 : i32
      %dma_wait3A_308 = arith.constant 0 : i32
      %dma_wait3A_309 = arith.constant 0 : i32
      %dma_wait3A_310 = arith.constant 0 : i32
      %dma_wait3A_311 = arith.constant 0 : i32
      %dma_wait3A_312 = arith.constant 0 : i32
      %dma_wait3A_313 = tpu.memref_slice %arg9[%dma_wait3A_309, %dma_wait3A_311, %dma_wait3A_312] : memref<4x200x64xf32, #tpu.memory_space<vmem>> -> memref<1x100x64xf32, #tpu.memory_space<vmem>>
      %dma_wait3A_314 = tpu.memref_squeeze %dma_wait3A_313 : memref<1x100x64xf32, #tpu.memory_space<vmem>> -> memref<100x64xf32, #tpu.memory_space<vmem>>
      %dma_wait3A_315 = arith.constant 0 : i32
      %dma_wait3A_316 = tpu.memref_slice %arg8[%dma_wait3A_307, %dma_wait3A_308, %dma_wait3A_315] : memref<128x2x100xi32, #tpu.memory_space<vmem>> -> memref<1x1x100xi32, #tpu.memory_space<vmem>>
      %dma_wait3A_317 = tpu.memref_squeeze %dma_wait3A_316 : memref<1x1x100xi32, #tpu.memory_space<vmem>> -> memref<100xi32, #tpu.memory_space<vmem>>
      %dma_wait3A_318 = arith.constant 0 : i32
      %dma_wait3A_319 = arith.constant 0 : i32
      %dma_wait3A_320 = tpu.memref_slice %arg3[%dma_wait3A_318, %dma_wait3A_319] : memref<1000000x64xf32, #tpu.memory_space<hbm>> -> memref<1000000x64xf32, #tpu.memory_space<hbm>>
      %dma_wait3A_321 = tpu.memref_slice %arg13[%dma_wait3A_310] : memref<4x!tpu.dma_semaphore, #tpu.memory_space<semaphore_mem>> -> memref<1x!tpu.dma_semaphore, #tpu.memory_space<semaphore_mem>>
      %dma_wait3A_322 = tpu.memref_squeeze %dma_wait3A_321 : memref<1x!tpu.dma_semaphore, #tpu.memory_space<semaphore_mem>> -> memref<!tpu.dma_semaphore, #tpu.memory_space<semaphore_mem>>
      tpu.wait_indirect_dma semaphore(%dma_wait3A_322 : memref<!tpu.dma_semaphore, #tpu.memory_space<semaphore_mem>>) src(%dma_wait3A_320 : memref<1000000x64xf32, #tpu.memory_space<hbm>>) dst(%dma_wait3A_314 : memref<100x64xf32, #tpu.memory_space<vmem>>)
      %dma_wait3A_323 = arith.constant 0 : i32
      %dma_wait3A_324 = arith.constant 0 : i32
      %dma_wait3A_325 = arith.constant 0 : i32
      %dma_wait3A_326 = arith.constant 0 : i32
      %dma_wait3A_327 = arith.constant 0 : i32
      %dma_wait3A_328 = arith.constant 0 : i32
      %dma_wait3A_329 = tpu.memref_slice %arg9[%dma_wait3A_325, %dma_wait3A_327, %dma_wait3A_328] : memref<4x200x64xf32, #tpu.memory_space<vmem>> -> memref<1x100x64xf32, #tpu.memory_space<vmem>>
      %dma_wait3A_330 = tpu.memref_squeeze %dma_wait3A_329 : memref<1x100x64xf32, #tpu.memory_space<vmem>> -> memref<100x64xf32, #tpu.memory_space<vmem>>
      %dma_wait3A_331 = arith.constant 0 : i32
      %dma_wait3A_332 = tpu.memref_slice %arg8[%dma_wait3A_323, %dma_wait3A_324, %dma_wait3A_331] : memref<128x2x100xi32, #tpu.memory_space<vmem>> -> memref<1x1x100xi32, #tpu.memory_space<vmem>>
      %dma_wait3A_333 = tpu.memref_squeeze %dma_wait3A_332 : memref<1x1x100xi32, #tpu.memory_space<vmem>> -> memref<100xi32, #tpu.memory_space<vmem>>
      %dma_wait3A_334 = arith.constant 0 : i32
      %dma_wait3A_335 = arith.constant 0 : i32
      %dma_wait3A_336 = tpu.memref_slice %arg3[%dma_wait3A_334, %dma_wait3A_335] : memref<1000000x64xf32, #tpu.memory_space<hbm>> -> memref<1000000x64xf32, #tpu.memory_space<hbm>>
      %dma_wait3A_337 = tpu.memref_slice %arg13[%dma_wait3A_326] : memref<4x!tpu.dma_semaphore, #tpu.memory_space<semaphore_mem>> -> memref<1x!tpu.dma_semaphore, #tpu.memory_space<semaphore_mem>>
      %dma_wait3A_338 = tpu.memref_squeeze %dma_wait3A_337 : memref<1x!tpu.dma_semaphore, #tpu.memory_space<semaphore_mem>> -> memref<!tpu.dma_semaphore, #tpu.memory_space<semaphore_mem>>
      tpu.wait_indirect_dma semaphore(%dma_wait3A_338 : memref<!tpu.dma_semaphore, #tpu.memory_space<semaphore_mem>>) src(%dma_wait3A_336 : memref<1000000x64xf32, #tpu.memory_space<hbm>>) dst(%dma_wait3A_330 : memref<100x64xf32, #tpu.memory_space<vmem>>)
      %mul3A_339 = arith.constant 128 : i32
      %mul3A_340 = arith.muli %add3A, %mul3A_339 : i32
      %add3A_341 = arith.addi %mul3A_340, %add3A_306 : i32
      %dma_start3A_342 = arith.constant 0 : i32
      %dma_start3A_343 = arith.constant 0 : i32
      %dma_start3A_344 = arith.constant 0 : i32
      %dma_start3A_345 = arith.constant 0 : i32
      %dma_start3A_346 = tpu.memref_slice %arg9[%dma_start3A_342, %dma_start3A_344, %dma_start3A_345] : memref<4x200x64xf32, #tpu.memory_space<vmem>> -> memref<1x200x64xf32, #tpu.memory_space<vmem>>
      %dma_start3A_347 = tpu.memref_squeeze %dma_start3A_346 : memref<1x200x64xf32, #tpu.memory_space<vmem>> -> memref<200x64xf32, #tpu.memory_space<vmem>>
      %dma_start3A_348 = arith.constant 0 : i32
      %dma_start3A_349 = arith.constant 0 : i32
      %dma_start3A_350 = tpu.memref_slice %arg7[%add3A_341, %dma_start3A_348, %dma_start3A_349] : memref<4096x200x64xf32, #tpu.memory_space<hbm>> -> memref<1x200x64xf32, #tpu.memory_space<hbm>>
      %dma_start3A_351 = tpu.memref_squeeze %dma_start3A_350 : memref<1x200x64xf32, #tpu.memory_space<hbm>> -> memref<200x64xf32, #tpu.memory_space<hbm>>
      %dma_start3A_352 = tpu.memref_slice %arg14[%dma_start3A_343] : memref<4x!tpu.dma_semaphore, #tpu.memory_space<semaphore_mem>> -> memref<1x!tpu.dma_semaphore, #tpu.memory_space<semaphore_mem>>
      %dma_start3A_353 = tpu.memref_squeeze %dma_start3A_352 : memref<1x!tpu.dma_semaphore, #tpu.memory_space<semaphore_mem>> -> memref<!tpu.dma_semaphore, #tpu.memory_space<semaphore_mem>>
      %dma_start3A_354 = arith.constant 0 : i32
      %dma_start3A_355 = arith.constant 0 : i32
      %dma_start3A_356 = tpu.memref_slice %arg7[%add3A_341, %dma_start3A_354, %dma_start3A_355] : memref<4096x200x64xf32, #tpu.memory_space<hbm>> -> memref<1x200x64xf32, #tpu.memory_space<hbm>>
      %dma_start3A_357 = tpu.memref_squeeze %dma_start3A_356 : memref<1x200x64xf32, #tpu.memory_space<hbm>> -> memref<200x64xf32, #tpu.memory_space<hbm>>
      %dma_start3A_358 = arith.constant 0 : i32
      %dma_start3A_359 = arith.constant 0 : i32
      %dma_start3A_360 = tpu.memref_slice %arg9[%dma_start3A_342, %dma_start3A_358, %dma_start3A_359] : memref<4x200x64xf32, #tpu.memory_space<vmem>> -> memref<1x200x64xf32, #tpu.memory_space<vmem>>
      %dma_start3A_361 = tpu.memref_squeeze %dma_start3A_360 : memref<1x200x64xf32, #tpu.memory_space<vmem>> -> memref<200x64xf32, #tpu.memory_space<vmem>>
      tpu.enqueue_dma source(%dma_start3A_361 : memref<200x64xf32, #tpu.memory_space<vmem>>) target(%dma_start3A_357 : memref<200x64xf32, #tpu.memory_space<hbm>>) target_semaphore(%dma_start3A_353 : memref<!tpu.dma_semaphore, #tpu.memory_space<semaphore_mem>>)
      %add3A_362 = arith.constant 4 : i32
      %add3A_363 = arith.addi %add3A_306, %add3A_362 : i32
      %lt3A = arith.constant 128 : i32
      %lt3A_364 = arith.cmpi slt, %add3A_363, %lt3A : i32
      %convert_element_type3A = arith.extui %lt3A_364 : i1 to i32
      %cond3A = arith.constant 0 : i32
      %cond3A_365 = arith.cmpi ne, %convert_element_type3A, %cond3A : i32
      scf.if %cond3A_365 {
        %dma_wait3A_558 = arith.constant 0 : i32
        %dma_wait3A_559 = arith.constant 0 : i32
        %dma_wait3A_560 = arith.constant 0 : i32
        %dma_wait3A_561 = arith.constant 0 : i32
        %dma_wait3A_562 = arith.constant 0 : i32
        %dma_wait3A_563 = tpu.memref_slice %arg9[%dma_wait3A_558, %dma_wait3A_561, %dma_wait3A_562] : memref<4x200x64xf32, #tpu.memory_space<vmem>> -> memref<1x200x64xf32, #tpu.memory_space<vmem>>
        %dma_wait3A_564 = tpu.memref_squeeze %dma_wait3A_563 : memref<1x200x64xf32, #tpu.memory_space<vmem>> -> memref<200x64xf32, #tpu.memory_space<vmem>>
        %dma_wait3A_565 = arith.constant 0 : i32
        %dma_wait3A_566 = arith.constant 0 : i32
        %dma_wait3A_567 = tpu.memref_slice %arg7[%dma_wait3A_559, %dma_wait3A_565, %dma_wait3A_566] : memref<4096x200x64xf32, #tpu.memory_space<hbm>> -> memref<1x200x64xf32, #tpu.memory_space<hbm>>
        %dma_wait3A_568 = tpu.memref_squeeze %dma_wait3A_567 : memref<1x200x64xf32, #tpu.memory_space<hbm>> -> memref<200x64xf32, #tpu.memory_space<hbm>>
        %dma_wait3A_569 = tpu.memref_slice %arg14[%dma_wait3A_560] : memref<4x!tpu.dma_semaphore, #tpu.memory_space<semaphore_mem>> -> memref<1x!tpu.dma_semaphore, #tpu.memory_space<semaphore_mem>>
        %dma_wait3A_570 = tpu.memref_squeeze %dma_wait3A_569 : memref<1x!tpu.dma_semaphore, #tpu.memory_space<semaphore_mem>> -> memref<!tpu.dma_semaphore, #tpu.memory_space<semaphore_mem>>
        %dma_wait3A_571 = arith.constant 0 : i32
        %dma_wait3A_572 = arith.constant 0 : i32
        %dma_wait3A_573 = tpu.memref_slice %arg7[%dma_wait3A_559, %dma_wait3A_571, %dma_wait3A_572] : memref<4096x200x64xf32, #tpu.memory_space<hbm>> -> memref<1x200x64xf32, #tpu.memory_space<hbm>>
        %dma_wait3A_574 = tpu.memref_squeeze %dma_wait3A_573 : memref<1x200x64xf32, #tpu.memory_space<hbm>> -> memref<200x64xf32, #tpu.memory_space<hbm>>
        %dma_wait3A_575 = arith.constant 0 : i32
        %dma_wait3A_576 = arith.constant 0 : i32
        %dma_wait3A_577 = tpu.memref_slice %arg9[%dma_wait3A_558, %dma_wait3A_575, %dma_wait3A_576] : memref<4x200x64xf32, #tpu.memory_space<vmem>> -> memref<1x200x64xf32, #tpu.memory_space<vmem>>
        %dma_wait3A_578 = tpu.memref_squeeze %dma_wait3A_577 : memref<1x200x64xf32, #tpu.memory_space<vmem>> -> memref<200x64xf32, #tpu.memory_space<vmem>>
        tpu.wait_dma2 semaphore(%dma_wait3A_570 : memref<!tpu.dma_semaphore, #tpu.memory_space<semaphore_mem>>) src(%dma_wait3A_578 : memref<200x64xf32, #tpu.memory_space<vmem>>) dst(%dma_wait3A_574 : memref<200x64xf32, #tpu.memory_space<hbm>>)
        %add3A_579 = arith.constant 4 : i32
        %add3A_580 = arith.addi %add3A_306, %add3A_579 : i32
        %dma_start3A_581 = arith.constant 0 : i32
        %dma_start3A_582 = arith.constant 0 : i32
        %dma_start3A_583 = arith.constant 0 : i32
        %dma_start3A_584 = arith.constant 0 : i32
        %dma_start3A_585 = arith.constant 0 : i32
        %dma_start3A_586 = tpu.memref_slice %arg9[%dma_start3A_582, %dma_start3A_584, %dma_start3A_585] : memref<4x200x64xf32, #tpu.memory_space<vmem>> -> memref<1x100x64xf32, #tpu.memory_space<vmem>>
        %dma_start3A_587 = tpu.memref_squeeze %dma_start3A_586 : memref<1x100x64xf32, #tpu.memory_space<vmem>> -> memref<100x64xf32, #tpu.memory_space<vmem>>
        %dma_start3A_588 = arith.constant 0 : i32
        %dma_start3A_589 = tpu.memref_slice %arg8[%add3A_580, %dma_start3A_581, %dma_start3A_588] : memref<128x2x100xi32, #tpu.memory_space<vmem>> -> memref<1x1x100xi32, #tpu.memory_space<vmem>>
        %dma_start3A_590 = tpu.memref_squeeze %dma_start3A_589 : memref<1x1x100xi32, #tpu.memory_space<vmem>> -> memref<100xi32, #tpu.memory_space<vmem>>
        %dma_start3A_591 = arith.constant 0 : i32
        %dma_start3A_592 = arith.constant 0 : i32
        %dma_start3A_593 = tpu.memref_slice %arg3[%dma_start3A_591, %dma_start3A_592] : memref<1000000x64xf32, #tpu.memory_space<hbm>> -> memref<1000000x64xf32, #tpu.memory_space<hbm>>
        %dma_start3A_594 = tpu.memref_slice %arg13[%dma_start3A_583] : memref<4x!tpu.dma_semaphore, #tpu.memory_space<semaphore_mem>> -> memref<1x!tpu.dma_semaphore, #tpu.memory_space<semaphore_mem>>
        %dma_start3A_595 = tpu.memref_squeeze %dma_start3A_594 : memref<1x!tpu.dma_semaphore, #tpu.memory_space<semaphore_mem>> -> memref<!tpu.dma_semaphore, #tpu.memory_space<semaphore_mem>>
        tpu.enqueue_indirect_dma source(%dma_start3A_593 : memref<1000000x64xf32, #tpu.memory_space<hbm>>) target(%dma_start3A_587 : memref<100x64xf32, #tpu.memory_space<vmem>>) offsets(%dma_start3A_590 : memref<100xi32, #tpu.memory_space<vmem>>) semaphore(%dma_start3A_595 : memref<!tpu.dma_semaphore, #tpu.memory_space<semaphore_mem>>)
        %dma_start3A_596 = arith.constant 1 : i32
        %dma_start3A_597 = arith.constant 0 : i32
        %dma_start3A_598 = arith.constant 0 : i32
        %dma_start3A_599 = arith.constant 100 : i32
        %dma_start3A_600 = arith.constant 0 : i32
        %dma_start3A_601 = tpu.memref_slice %arg9[%dma_start3A_597, %dma_start3A_599, %dma_start3A_600] : memref<4x200x64xf32, #tpu.memory_space<vmem>> -> memref<1x100x64xf32, #tpu.memory_space<vmem>>
        %dma_start3A_602 = tpu.memref_squeeze %dma_start3A_601 : memref<1x100x64xf32, #tpu.memory_space<vmem>> -> memref<100x64xf32, #tpu.memory_space<vmem>>
        %dma_start3A_603 = arith.constant 0 : i32
        %dma_start3A_604 = tpu.memref_slice %arg8[%add3A_580, %dma_start3A_596, %dma_start3A_603] : memref<128x2x100xi32, #tpu.memory_space<vmem>> -> memref<1x1x100xi32, #tpu.memory_space<vmem>>
        %dma_start3A_605 = tpu.memref_squeeze %dma_start3A_604 : memref<1x1x100xi32, #tpu.memory_space<vmem>> -> memref<100xi32, #tpu.memory_space<vmem>>
        %dma_start3A_606 = arith.constant 0 : i32
        %dma_start3A_607 = arith.constant 0 : i32
        %dma_start3A_608 = tpu.memref_slice %arg3[%dma_start3A_606, %dma_start3A_607] : memref<1000000x64xf32, #tpu.memory_space<hbm>> -> memref<1000000x64xf32, #tpu.memory_space<hbm>>
        %dma_start3A_609 = tpu.memref_slice %arg13[%dma_start3A_598] : memref<4x!tpu.dma_semaphore, #tpu.memory_space<semaphore_mem>> -> memref<1x!tpu.dma_semaphore, #tpu.memory_space<semaphore_mem>>
        %dma_start3A_610 = tpu.memref_squeeze %dma_start3A_609 : memref<1x!tpu.dma_semaphore, #tpu.memory_space<semaphore_mem>> -> memref<!tpu.dma_semaphore, #tpu.memory_space<semaphore_mem>>
        tpu.enqueue_indirect_dma source(%dma_start3A_608 : memref<1000000x64xf32, #tpu.memory_space<hbm>>) target(%dma_start3A_602 : memref<100x64xf32, #tpu.memory_space<vmem>>) offsets(%dma_start3A_605 : memref<100xi32, #tpu.memory_space<vmem>>) semaphore(%dma_start3A_610 : memref<!tpu.dma_semaphore, #tpu.memory_space<semaphore_mem>>)
      } else {
      }
      %add3A_366 = arith.constant 1 : i32
      %add3A_367 = arith.addi %add3A_304, %add3A_366 : i32
      %dma_wait3A_368 = arith.constant 0 : i32
      %dma_wait3A_369 = arith.constant 0 : i32
      %dma_wait3A_370 = arith.constant 1 : i32
      %dma_wait3A_371 = arith.constant 1 : i32
      %dma_wait3A_372 = arith.constant 0 : i32
      %dma_wait3A_373 = arith.constant 0 : i32
      %dma_wait3A_374 = tpu.memref_slice %arg9[%dma_wait3A_370, %dma_wait3A_372, %dma_wait3A_373] : memref<4x200x64xf32, #tpu.memory_space<vmem>> -> memref<1x100x64xf32, #tpu.memory_space<vmem>>
      %dma_wait3A_375 = tpu.memref_squeeze %dma_wait3A_374 : memref<1x100x64xf32, #tpu.memory_space<vmem>> -> memref<100x64xf32, #tpu.memory_space<vmem>>
      %dma_wait3A_376 = arith.constant 0 : i32
      %dma_wait3A_377 = tpu.memref_slice %arg8[%dma_wait3A_368, %dma_wait3A_369, %dma_wait3A_376] : memref<128x2x100xi32, #tpu.memory_space<vmem>> -> memref<1x1x100xi32, #tpu.memory_space<vmem>>
      %dma_wait3A_378 = tpu.memref_squeeze %dma_wait3A_377 : memref<1x1x100xi32, #tpu.memory_space<vmem>> -> memref<100xi32, #tpu.memory_space<vmem>>
      %dma_wait3A_379 = arith.constant 0 : i32
      %dma_wait3A_380 = arith.constant 0 : i32
      %dma_wait3A_381 = tpu.memref_slice %arg3[%dma_wait3A_379, %dma_wait3A_380] : memref<1000000x64xf32, #tpu.memory_space<hbm>> -> memref<1000000x64xf32, #tpu.memory_space<hbm>>
      %dma_wait3A_382 = tpu.memref_slice %arg13[%dma_wait3A_371] : memref<4x!tpu.dma_semaphore, #tpu.memory_space<semaphore_mem>> -> memref<1x!tpu.dma_semaphore, #tpu.memory_space<semaphore_mem>>
      %dma_wait3A_383 = tpu.memref_squeeze %dma_wait3A_382 : memref<1x!tpu.dma_semaphore, #tpu.memory_space<semaphore_mem>> -> memref<!tpu.dma_semaphore, #tpu.memory_space<semaphore_mem>>
      tpu.wait_indirect_dma semaphore(%dma_wait3A_383 : memref<!tpu.dma_semaphore, #tpu.memory_space<semaphore_mem>>) src(%dma_wait3A_381 : memref<1000000x64xf32, #tpu.memory_space<hbm>>) dst(%dma_wait3A_375 : memref<100x64xf32, #tpu.memory_space<vmem>>)
      %dma_wait3A_384 = arith.constant 0 : i32
      %dma_wait3A_385 = arith.constant 0 : i32
      %dma_wait3A_386 = arith.constant 1 : i32
      %dma_wait3A_387 = arith.constant 1 : i32
      %dma_wait3A_388 = arith.constant 0 : i32
      %dma_wait3A_389 = arith.constant 0 : i32
      %dma_wait3A_390 = tpu.memref_slice %arg9[%dma_wait3A_386, %dma_wait3A_388, %dma_wait3A_389] : memref<4x200x64xf32, #tpu.memory_space<vmem>> -> memref<1x100x64xf32, #tpu.memory_space<vmem>>
      %dma_wait3A_391 = tpu.memref_squeeze %dma_wait3A_390 : memref<1x100x64xf32, #tpu.memory_space<vmem>> -> memref<100x64xf32, #tpu.memory_space<vmem>>
      %dma_wait3A_392 = arith.constant 0 : i32
      %dma_wait3A_393 = tpu.memref_slice %arg8[%dma_wait3A_384, %dma_wait3A_385, %dma_wait3A_392] : memref<128x2x100xi32, #tpu.memory_space<vmem>> -> memref<1x1x100xi32, #tpu.memory_space<vmem>>
      %dma_wait3A_394 = tpu.memref_squeeze %dma_wait3A_393 : memref<1x1x100xi32, #tpu.memory_space<vmem>> -> memref<100xi32, #tpu.memory_space<vmem>>
      %dma_wait3A_395 = arith.constant 0 : i32
      %dma_wait3A_396 = arith.constant 0 : i32
      %dma_wait3A_397 = tpu.memref_slice %arg3[%dma_wait3A_395, %dma_wait3A_396] : memref<1000000x64xf32, #tpu.memory_space<hbm>> -> memref<1000000x64xf32, #tpu.memory_space<hbm>>
      %dma_wait3A_398 = tpu.memref_slice %arg13[%dma_wait3A_387] : memref<4x!tpu.dma_semaphore, #tpu.memory_space<semaphore_mem>> -> memref<1x!tpu.dma_semaphore, #tpu.memory_space<semaphore_mem>>
      %dma_wait3A_399 = tpu.memref_squeeze %dma_wait3A_398 : memref<1x!tpu.dma_semaphore, #tpu.memory_space<semaphore_mem>> -> memref<!tpu.dma_semaphore, #tpu.memory_space<semaphore_mem>>
      tpu.wait_indirect_dma semaphore(%dma_wait3A_399 : memref<!tpu.dma_semaphore, #tpu.memory_space<semaphore_mem>>) src(%dma_wait3A_397 : memref<1000000x64xf32, #tpu.memory_space<hbm>>) dst(%dma_wait3A_391 : memref<100x64xf32, #tpu.memory_space<vmem>>)
      %mul3A_400 = arith.constant 128 : i32
      %mul3A_401 = arith.muli %add3A, %mul3A_400 : i32
      %add3A_402 = arith.addi %mul3A_401, %add3A_367 : i32
      %dma_start3A_403 = arith.constant 1 : i32
      %dma_start3A_404 = arith.constant 1 : i32
      %dma_start3A_405 = arith.constant 0 : i32
      %dma_start3A_406 = arith.constant 0 : i32
      %dma_start3A_407 = tpu.memref_slice %arg9[%dma_start3A_403, %dma_start3A_405, %dma_start3A_406] : memref<4x200x64xf32, #tpu.memory_space<vmem>> -> memref<1x200x64xf32, #tpu.memory_space<vmem>>
      %dma_start3A_408 = tpu.memref_squeeze %dma_start3A_407 : memref<1x200x64xf32, #tpu.memory_space<vmem>> -> memref<200x64xf32, #tpu.memory_space<vmem>>
      %dma_start3A_409 = arith.constant 0 : i32
      %dma_start3A_410 = arith.constant 0 : i32
      %dma_start3A_411 = tpu.memref_slice %arg7[%add3A_402, %dma_start3A_409, %dma_start3A_410] : memref<4096x200x64xf32, #tpu.memory_space<hbm>> -> memref<1x200x64xf32, #tpu.memory_space<hbm>>
      %dma_start3A_412 = tpu.memref_squeeze %dma_start3A_411 : memref<1x200x64xf32, #tpu.memory_space<hbm>> -> memref<200x64xf32, #tpu.memory_space<hbm>>
      %dma_start3A_413 = tpu.memref_slice %arg14[%dma_start3A_404] : memref<4x!tpu.dma_semaphore, #tpu.memory_space<semaphore_mem>> -> memref<1x!tpu.dma_semaphore, #tpu.memory_space<semaphore_mem>>
      %dma_start3A_414 = tpu.memref_squeeze %dma_start3A_413 : memref<1x!tpu.dma_semaphore, #tpu.memory_space<semaphore_mem>> -> memref<!tpu.dma_semaphore, #tpu.memory_space<semaphore_mem>>
      %dma_start3A_415 = arith.constant 0 : i32
      %dma_start3A_416 = arith.constant 0 : i32
      %dma_start3A_417 = tpu.memref_slice %arg7[%add3A_402, %dma_start3A_415, %dma_start3A_416] : memref<4096x200x64xf32, #tpu.memory_space<hbm>> -> memref<1x200x64xf32, #tpu.memory_space<hbm>>
      %dma_start3A_418 = tpu.memref_squeeze %dma_start3A_417 : memref<1x200x64xf32, #tpu.memory_space<hbm>> -> memref<200x64xf32, #tpu.memory_space<hbm>>
      %dma_start3A_419 = arith.constant 0 : i32
      %dma_start3A_420 = arith.constant 0 : i32
      %dma_start3A_421 = tpu.memref_slice %arg9[%dma_start3A_403, %dma_start3A_419, %dma_start3A_420] : memref<4x200x64xf32, #tpu.memory_space<vmem>> -> memref<1x200x64xf32, #tpu.memory_space<vmem>>
      %dma_start3A_422 = tpu.memref_squeeze %dma_start3A_421 : memref<1x200x64xf32, #tpu.memory_space<vmem>> -> memref<200x64xf32, #tpu.memory_space<vmem>>
      tpu.enqueue_dma source(%dma_start3A_422 : memref<200x64xf32, #tpu.memory_space<vmem>>) target(%dma_start3A_418 : memref<200x64xf32, #tpu.memory_space<hbm>>) target_semaphore(%dma_start3A_414 : memref<!tpu.dma_semaphore, #tpu.memory_space<semaphore_mem>>)
      %add3A_423 = arith.constant 4 : i32
      %add3A_424 = arith.addi %add3A_367, %add3A_423 : i32
      %lt3A_425 = arith.constant 128 : i32
      %lt3A_426 = arith.cmpi slt, %add3A_424, %lt3A_425 : i32
      %convert_element_type3A_427 = arith.extui %lt3A_426 : i1 to i32
      %cond3A_428 = arith.constant 0 : i32
      %cond3A_429 = arith.cmpi ne, %convert_element_type3A_427, %cond3A_428 : i32
      scf.if %cond3A_429 {
        %dma_wait3A_558 = arith.constant 1 : i32
        %dma_wait3A_559 = arith.constant 0 : i32
        %dma_wait3A_560 = arith.constant 1 : i32
        %dma_wait3A_561 = arith.constant 0 : i32
        %dma_wait3A_562 = arith.constant 0 : i32
        %dma_wait3A_563 = tpu.memref_slice %arg9[%dma_wait3A_558, %dma_wait3A_561, %dma_wait3A_562] : memref<4x200x64xf32, #tpu.memory_space<vmem>> -> memref<1x200x64xf32, #tpu.memory_space<vmem>>
        %dma_wait3A_564 = tpu.memref_squeeze %dma_wait3A_563 : memref<1x200x64xf32, #tpu.memory_space<vmem>> -> memref<200x64xf32, #tpu.memory_space<vmem>>
        %dma_wait3A_565 = arith.constant 0 : i32
        %dma_wait3A_566 = arith.constant 0 : i32
        %dma_wait3A_567 = tpu.memref_slice %arg7[%dma_wait3A_559, %dma_wait3A_565, %dma_wait3A_566] : memref<4096x200x64xf32, #tpu.memory_space<hbm>> -> memref<1x200x64xf32, #tpu.memory_space<hbm>>
        %dma_wait3A_568 = tpu.memref_squeeze %dma_wait3A_567 : memref<1x200x64xf32, #tpu.memory_space<hbm>> -> memref<200x64xf32, #tpu.memory_space<hbm>>
        %dma_wait3A_569 = tpu.memref_slice %arg14[%dma_wait3A_560] : memref<4x!tpu.dma_semaphore, #tpu.memory_space<semaphore_mem>> -> memref<1x!tpu.dma_semaphore, #tpu.memory_space<semaphore_mem>>
        %dma_wait3A_570 = tpu.memref_squeeze %dma_wait3A_569 : memref<1x!tpu.dma_semaphore, #tpu.memory_space<semaphore_mem>> -> memref<!tpu.dma_semaphore, #tpu.memory_space<semaphore_mem>>
        %dma_wait3A_571 = arith.constant 0 : i32
        %dma_wait3A_572 = arith.constant 0 : i32
        %dma_wait3A_573 = tpu.memref_slice %arg7[%dma_wait3A_559, %dma_wait3A_571, %dma_wait3A_572] : memref<4096x200x64xf32, #tpu.memory_space<hbm>> -> memref<1x200x64xf32, #tpu.memory_space<hbm>>
        %dma_wait3A_574 = tpu.memref_squeeze %dma_wait3A_573 : memref<1x200x64xf32, #tpu.memory_space<hbm>> -> memref<200x64xf32, #tpu.memory_space<hbm>>
        %dma_wait3A_575 = arith.constant 0 : i32
        %dma_wait3A_576 = arith.constant 0 : i32
        %dma_wait3A_577 = tpu.memref_slice %arg9[%dma_wait3A_558, %dma_wait3A_575, %dma_wait3A_576] : memref<4x200x64xf32, #tpu.memory_space<vmem>> -> memref<1x200x64xf32, #tpu.memory_space<vmem>>
        %dma_wait3A_578 = tpu.memref_squeeze %dma_wait3A_577 : memref<1x200x64xf32, #tpu.memory_space<vmem>> -> memref<200x64xf32, #tpu.memory_space<vmem>>
        tpu.wait_dma2 semaphore(%dma_wait3A_570 : memref<!tpu.dma_semaphore, #tpu.memory_space<semaphore_mem>>) src(%dma_wait3A_578 : memref<200x64xf32, #tpu.memory_space<vmem>>) dst(%dma_wait3A_574 : memref<200x64xf32, #tpu.memory_space<hbm>>)
        %add3A_579 = arith.constant 4 : i32
        %add3A_580 = arith.addi %add3A_367, %add3A_579 : i32
        %dma_start3A_581 = arith.constant 0 : i32
        %dma_start3A_582 = arith.constant 1 : i32
        %dma_start3A_583 = arith.constant 1 : i32
        %dma_start3A_584 = arith.constant 0 : i32
        %dma_start3A_585 = arith.constant 0 : i32
        %dma_start3A_586 = tpu.memref_slice %arg9[%dma_start3A_582, %dma_start3A_584, %dma_start3A_585] : memref<4x200x64xf32, #tpu.memory_space<vmem>> -> memref<1x100x64xf32, #tpu.memory_space<vmem>>
        %dma_start3A_587 = tpu.memref_squeeze %dma_start3A_586 : memref<1x100x64xf32, #tpu.memory_space<vmem>> -> memref<100x64xf32, #tpu.memory_space<vmem>>
        %dma_start3A_588 = arith.constant 0 : i32
        %dma_start3A_589 = tpu.memref_slice %arg8[%add3A_580, %dma_start3A_581, %dma_start3A_588] : memref<128x2x100xi32, #tpu.memory_space<vmem>> -> memref<1x1x100xi32, #tpu.memory_space<vmem>>
        %dma_start3A_590 = tpu.memref_squeeze %dma_start3A_589 : memref<1x1x100xi32, #tpu.memory_space<vmem>> -> memref<100xi32, #tpu.memory_space<vmem>>
        %dma_start3A_591 = arith.constant 0 : i32
        %dma_start3A_592 = arith.constant 0 : i32
        %dma_start3A_593 = tpu.memref_slice %arg3[%dma_start3A_591, %dma_start3A_592] : memref<1000000x64xf32, #tpu.memory_space<hbm>> -> memref<1000000x64xf32, #tpu.memory_space<hbm>>
        %dma_start3A_594 = tpu.memref_slice %arg13[%dma_start3A_583] : memref<4x!tpu.dma_semaphore, #tpu.memory_space<semaphore_mem>> -> memref<1x!tpu.dma_semaphore, #tpu.memory_space<semaphore_mem>>
        %dma_start3A_595 = tpu.memref_squeeze %dma_start3A_594 : memref<1x!tpu.dma_semaphore, #tpu.memory_space<semaphore_mem>> -> memref<!tpu.dma_semaphore, #tpu.memory_space<semaphore_mem>>
        tpu.enqueue_indirect_dma source(%dma_start3A_593 : memref<1000000x64xf32, #tpu.memory_space<hbm>>) target(%dma_start3A_587 : memref<100x64xf32, #tpu.memory_space<vmem>>) offsets(%dma_start3A_590 : memref<100xi32, #tpu.memory_space<vmem>>) semaphore(%dma_start3A_595 : memref<!tpu.dma_semaphore, #tpu.memory_space<semaphore_mem>>)
        %dma_start3A_596 = arith.constant 1 : i32
        %dma_start3A_597 = arith.constant 1 : i32
        %dma_start3A_598 = arith.constant 1 : i32
        %dma_start3A_599 = arith.constant 100 : i32
        %dma_start3A_600 = arith.constant 0 : i32
        %dma_start3A_601 = tpu.memref_slice %arg9[%dma_start3A_597, %dma_start3A_599, %dma_start3A_600] : memref<4x200x64xf32, #tpu.memory_space<vmem>> -> memref<1x100x64xf32, #tpu.memory_space<vmem>>
        %dma_start3A_602 = tpu.memref_squeeze %dma_start3A_601 : memref<1x100x64xf32, #tpu.memory_space<vmem>> -> memref<100x64xf32, #tpu.memory_space<vmem>>
        %dma_start3A_603 = arith.constant 0 : i32
        %dma_start3A_604 = tpu.memref_slice %arg8[%add3A_580, %dma_start3A_596, %dma_start3A_603] : memref<128x2x100xi32, #tpu.memory_space<vmem>> -> memref<1x1x100xi32, #tpu.memory_space<vmem>>
        %dma_start3A_605 = tpu.memref_squeeze %dma_start3A_604 : memref<1x1x100xi32, #tpu.memory_space<vmem>> -> memref<100xi32, #tpu.memory_space<vmem>>
        %dma_start3A_606 = arith.constant 0 : i32
        %dma_start3A_607 = arith.constant 0 : i32
        %dma_start3A_608 = tpu.memref_slice %arg3[%dma_start3A_606, %dma_start3A_607] : memref<1000000x64xf32, #tpu.memory_space<hbm>> -> memref<1000000x64xf32, #tpu.memory_space<hbm>>
        %dma_start3A_609 = tpu.memref_slice %arg13[%dma_start3A_598] : memref<4x!tpu.dma_semaphore, #tpu.memory_space<semaphore_mem>> -> memref<1x!tpu.dma_semaphore, #tpu.memory_space<semaphore_mem>>
        %dma_start3A_610 = tpu.memref_squeeze %dma_start3A_609 : memref<1x!tpu.dma_semaphore, #tpu.memory_space<semaphore_mem>> -> memref<!tpu.dma_semaphore, #tpu.memory_space<semaphore_mem>>
        tpu.enqueue_indirect_dma source(%dma_start3A_608 : memref<1000000x64xf32, #tpu.memory_space<hbm>>) target(%dma_start3A_602 : memref<100x64xf32, #tpu.memory_space<vmem>>) offsets(%dma_start3A_605 : memref<100xi32, #tpu.memory_space<vmem>>) semaphore(%dma_start3A_610 : memref<!tpu.dma_semaphore, #tpu.memory_space<semaphore_mem>>)
      } else {
      }
      %add3A_430 = arith.constant 2 : i32
      %add3A_431 = arith.addi %add3A_304, %add3A_430 : i32
      %dma_wait3A_432 = arith.constant 0 : i32
      %dma_wait3A_433 = arith.constant 0 : i32
      %dma_wait3A_434 = arith.constant 2 : i32
      %dma_wait3A_435 = arith.constant 2 : i32
      %dma_wait3A_436 = arith.constant 0 : i32
      %dma_wait3A_437 = arith.constant 0 : i32
      %dma_wait3A_438 = tpu.memref_slice %arg9[%dma_wait3A_434, %dma_wait3A_436, %dma_wait3A_437] : memref<4x200x64xf32, #tpu.memory_space<vmem>> -> memref<1x100x64xf32, #tpu.memory_space<vmem>>
      %dma_wait3A_439 = tpu.memref_squeeze %dma_wait3A_438 : memref<1x100x64xf32, #tpu.memory_space<vmem>> -> memref<100x64xf32, #tpu.memory_space<vmem>>
      %dma_wait3A_440 = arith.constant 0 : i32
      %dma_wait3A_441 = tpu.memref_slice %arg8[%dma_wait3A_432, %dma_wait3A_433, %dma_wait3A_440] : memref<128x2x100xi32, #tpu.memory_space<vmem>> -> memref<1x1x100xi32, #tpu.memory_space<vmem>>
      %dma_wait3A_442 = tpu.memref_squeeze %dma_wait3A_441 : memref<1x1x100xi32, #tpu.memory_space<vmem>> -> memref<100xi32, #tpu.memory_space<vmem>>
      %dma_wait3A_443 = arith.constant 0 : i32
      %dma_wait3A_444 = arith.constant 0 : i32
      %dma_wait3A_445 = tpu.memref_slice %arg3[%dma_wait3A_443, %dma_wait3A_444] : memref<1000000x64xf32, #tpu.memory_space<hbm>> -> memref<1000000x64xf32, #tpu.memory_space<hbm>>
      %dma_wait3A_446 = tpu.memref_slice %arg13[%dma_wait3A_435] : memref<4x!tpu.dma_semaphore, #tpu.memory_space<semaphore_mem>> -> memref<1x!tpu.dma_semaphore, #tpu.memory_space<semaphore_mem>>
      %dma_wait3A_447 = tpu.memref_squeeze %dma_wait3A_446 : memref<1x!tpu.dma_semaphore, #tpu.memory_space<semaphore_mem>> -> memref<!tpu.dma_semaphore, #tpu.memory_space<semaphore_mem>>
      tpu.wait_indirect_dma semaphore(%dma_wait3A_447 : memref<!tpu.dma_semaphore, #tpu.memory_space<semaphore_mem>>) src(%dma_wait3A_445 : memref<1000000x64xf32, #tpu.memory_space<hbm>>) dst(%dma_wait3A_439 : memref<100x64xf32, #tpu.memory_space<vmem>>)
      %dma_wait3A_448 = arith.constant 0 : i32
      %dma_wait3A_449 = arith.constant 0 : i32
      %dma_wait3A_450 = arith.constant 2 : i32
      %dma_wait3A_451 = arith.constant 2 : i32
      %dma_wait3A_452 = arith.constant 0 : i32
      %dma_wait3A_453 = arith.constant 0 : i32
      %dma_wait3A_454 = tpu.memref_slice %arg9[%dma_wait3A_450, %dma_wait3A_452, %dma_wait3A_453] : memref<4x200x64xf32, #tpu.memory_space<vmem>> -> memref<1x100x64xf32, #tpu.memory_space<vmem>>
      %dma_wait3A_455 = tpu.memref_squeeze %dma_wait3A_454 : memref<1x100x64xf32, #tpu.memory_space<vmem>> -> memref<100x64xf32, #tpu.memory_space<vmem>>
      %dma_wait3A_456 = arith.constant 0 : i32
      %dma_wait3A_457 = tpu.memref_slice %arg8[%dma_wait3A_448, %dma_wait3A_449, %dma_wait3A_456] : memref<128x2x100xi32, #tpu.memory_space<vmem>> -> memref<1x1x100xi32, #tpu.memory_space<vmem>>
      %dma_wait3A_458 = tpu.memref_squeeze %dma_wait3A_457 : memref<1x1x100xi32, #tpu.memory_space<vmem>> -> memref<100xi32, #tpu.memory_space<vmem>>
      %dma_wait3A_459 = arith.constant 0 : i32
      %dma_wait3A_460 = arith.constant 0 : i32
      %dma_wait3A_461 = tpu.memref_slice %arg3[%dma_wait3A_459, %dma_wait3A_460] : memref<1000000x64xf32, #tpu.memory_space<hbm>> -> memref<1000000x64xf32, #tpu.memory_space<hbm>>
      %dma_wait3A_462 = tpu.memref_slice %arg13[%dma_wait3A_451] : memref<4x!tpu.dma_semaphore, #tpu.memory_space<semaphore_mem>> -> memref<1x!tpu.dma_semaphore, #tpu.memory_space<semaphore_mem>>
      %dma_wait3A_463 = tpu.memref_squeeze %dma_wait3A_462 : memref<1x!tpu.dma_semaphore, #tpu.memory_space<semaphore_mem>> -> memref<!tpu.dma_semaphore, #tpu.memory_space<semaphore_mem>>
      tpu.wait_indirect_dma semaphore(%dma_wait3A_463 : memref<!tpu.dma_semaphore, #tpu.memory_space<semaphore_mem>>) src(%dma_wait3A_461 : memref<1000000x64xf32, #tpu.memory_space<hbm>>) dst(%dma_wait3A_455 : memref<100x64xf32, #tpu.memory_space<vmem>>)
      %mul3A_464 = arith.constant 128 : i32
      %mul3A_465 = arith.muli %add3A, %mul3A_464 : i32
      %add3A_466 = arith.addi %mul3A_465, %add3A_431 : i32
      %dma_start3A_467 = arith.constant 2 : i32
      %dma_start3A_468 = arith.constant 2 : i32
      %dma_start3A_469 = arith.constant 0 : i32
      %dma_start3A_470 = arith.constant 0 : i32
      %dma_start3A_471 = tpu.memref_slice %arg9[%dma_start3A_467, %dma_start3A_469, %dma_start3A_470] : memref<4x200x64xf32, #tpu.memory_space<vmem>> -> memref<1x200x64xf32, #tpu.memory_space<vmem>>
      %dma_start3A_472 = tpu.memref_squeeze %dma_start3A_471 : memref<1x200x64xf32, #tpu.memory_space<vmem>> -> memref<200x64xf32, #tpu.memory_space<vmem>>
      %dma_start3A_473 = arith.constant 0 : i32
      %dma_start3A_474 = arith.constant 0 : i32
      %dma_start3A_475 = tpu.memref_slice %arg7[%add3A_466, %dma_start3A_473, %dma_start3A_474] : memref<4096x200x64xf32, #tpu.memory_space<hbm>> -> memref<1x200x64xf32, #tpu.memory_space<hbm>>
      %dma_start3A_476 = tpu.memref_squeeze %dma_start3A_475 : memref<1x200x64xf32, #tpu.memory_space<hbm>> -> memref<200x64xf32, #tpu.memory_space<hbm>>
      %dma_start3A_477 = tpu.memref_slice %arg14[%dma_start3A_468] : memref<4x!tpu.dma_semaphore, #tpu.memory_space<semaphore_mem>> -> memref<1x!tpu.dma_semaphore, #tpu.memory_space<semaphore_mem>>
      %dma_start3A_478 = tpu.memref_squeeze %dma_start3A_477 : memref<1x!tpu.dma_semaphore, #tpu.memory_space<semaphore_mem>> -> memref<!tpu.dma_semaphore, #tpu.memory_space<semaphore_mem>>
      %dma_start3A_479 = arith.constant 0 : i32
      %dma_start3A_480 = arith.constant 0 : i32
      %dma_start3A_481 = tpu.memref_slice %arg7[%add3A_466, %dma_start3A_479, %dma_start3A_480] : memref<4096x200x64xf32, #tpu.memory_space<hbm>> -> memref<1x200x64xf32, #tpu.memory_space<hbm>>
      %dma_start3A_482 = tpu.memref_squeeze %dma_start3A_481 : memref<1x200x64xf32, #tpu.memory_space<hbm>> -> memref<200x64xf32, #tpu.memory_space<hbm>>
      %dma_start3A_483 = arith.constant 0 : i32
      %dma_start3A_484 = arith.constant 0 : i32
      %dma_start3A_485 = tpu.memref_slice %arg9[%dma_start3A_467, %dma_start3A_483, %dma_start3A_484] : memref<4x200x64xf32, #tpu.memory_space<vmem>> -> memref<1x200x64xf32, #tpu.memory_space<vmem>>
      %dma_start3A_486 = tpu.memref_squeeze %dma_start3A_485 : memref<1x200x64xf32, #tpu.memory_space<vmem>> -> memref<200x64xf32, #tpu.memory_space<vmem>>
      tpu.enqueue_dma source(%dma_start3A_486 : memref<200x64xf32, #tpu.memory_space<vmem>>) target(%dma_start3A_482 : memref<200x64xf32, #tpu.memory_space<hbm>>) target_semaphore(%dma_start3A_478 : memref<!tpu.dma_semaphore, #tpu.memory_space<semaphore_mem>>)
      %add3A_487 = arith.constant 4 : i32
      %add3A_488 = arith.addi %add3A_431, %add3A_487 : i32
      %lt3A_489 = arith.constant 128 : i32
      %lt3A_490 = arith.cmpi slt, %add3A_488, %lt3A_489 : i32
      %convert_element_type3A_491 = arith.extui %lt3A_490 : i1 to i32
      %cond3A_492 = arith.constant 0 : i32
      %cond3A_493 = arith.cmpi ne, %convert_element_type3A_491, %cond3A_492 : i32
      scf.if %cond3A_493 {
        %dma_wait3A_558 = arith.constant 2 : i32
        %dma_wait3A_559 = arith.constant 0 : i32
        %dma_wait3A_560 = arith.constant 2 : i32
        %dma_wait3A_561 = arith.constant 0 : i32
        %dma_wait3A_562 = arith.constant 0 : i32
        %dma_wait3A_563 = tpu.memref_slice %arg9[%dma_wait3A_558, %dma_wait3A_561, %dma_wait3A_562] : memref<4x200x64xf32, #tpu.memory_space<vmem>> -> memref<1x200x64xf32, #tpu.memory_space<vmem>>
        %dma_wait3A_564 = tpu.memref_squeeze %dma_wait3A_563 : memref<1x200x64xf32, #tpu.memory_space<vmem>> -> memref<200x64xf32, #tpu.memory_space<vmem>>
        %dma_wait3A_565 = arith.constant 0 : i32
        %dma_wait3A_566 = arith.constant 0 : i32
        %dma_wait3A_567 = tpu.memref_slice %arg7[%dma_wait3A_559, %dma_wait3A_565, %dma_wait3A_566] : memref<4096x200x64xf32, #tpu.memory_space<hbm>> -> memref<1x200x64xf32, #tpu.memory_space<hbm>>
        %dma_wait3A_568 = tpu.memref_squeeze %dma_wait3A_567 : memref<1x200x64xf32, #tpu.memory_space<hbm>> -> memref<200x64xf32, #tpu.memory_space<hbm>>
        %dma_wait3A_569 = tpu.memref_slice %arg14[%dma_wait3A_560] : memref<4x!tpu.dma_semaphore, #tpu.memory_space<semaphore_mem>> -> memref<1x!tpu.dma_semaphore, #tpu.memory_space<semaphore_mem>>
        %dma_wait3A_570 = tpu.memref_squeeze %dma_wait3A_569 : memref<1x!tpu.dma_semaphore, #tpu.memory_space<semaphore_mem>> -> memref<!tpu.dma_semaphore, #tpu.memory_space<semaphore_mem>>
        %dma_wait3A_571 = arith.constant 0 : i32
        %dma_wait3A_572 = arith.constant 0 : i32
        %dma_wait3A_573 = tpu.memref_slice %arg7[%dma_wait3A_559, %dma_wait3A_571, %dma_wait3A_572] : memref<4096x200x64xf32, #tpu.memory_space<hbm>> -> memref<1x200x64xf32, #tpu.memory_space<hbm>>
        %dma_wait3A_574 = tpu.memref_squeeze %dma_wait3A_573 : memref<1x200x64xf32, #tpu.memory_space<hbm>> -> memref<200x64xf32, #tpu.memory_space<hbm>>
        %dma_wait3A_575 = arith.constant 0 : i32
        %dma_wait3A_576 = arith.constant 0 : i32
        %dma_wait3A_577 = tpu.memref_slice %arg9[%dma_wait3A_558, %dma_wait3A_575, %dma_wait3A_576] : memref<4x200x64xf32, #tpu.memory_space<vmem>> -> memref<1x200x64xf32, #tpu.memory_space<vmem>>
        %dma_wait3A_578 = tpu.memref_squeeze %dma_wait3A_577 : memref<1x200x64xf32, #tpu.memory_space<vmem>> -> memref<200x64xf32, #tpu.memory_space<vmem>>
        tpu.wait_dma2 semaphore(%dma_wait3A_570 : memref<!tpu.dma_semaphore, #tpu.memory_space<semaphore_mem>>) src(%dma_wait3A_578 : memref<200x64xf32, #tpu.memory_space<vmem>>) dst(%dma_wait3A_574 : memref<200x64xf32, #tpu.memory_space<hbm>>)
        %add3A_579 = arith.constant 4 : i32
        %add3A_580 = arith.addi %add3A_431, %add3A_579 : i32
        %dma_start3A_581 = arith.constant 0 : i32
        %dma_start3A_582 = arith.constant 2 : i32
        %dma_start3A_583 = arith.constant 2 : i32
        %dma_start3A_584 = arith.constant 0 : i32
        %dma_start3A_585 = arith.constant 0 : i32
        %dma_start3A_586 = tpu.memref_slice %arg9[%dma_start3A_582, %dma_start3A_584, %dma_start3A_585] : memref<4x200x64xf32, #tpu.memory_space<vmem>> -> memref<1x100x64xf32, #tpu.memory_space<vmem>>
        %dma_start3A_587 = tpu.memref_squeeze %dma_start3A_586 : memref<1x100x64xf32, #tpu.memory_space<vmem>> -> memref<100x64xf32, #tpu.memory_space<vmem>>
        %dma_start3A_588 = arith.constant 0 : i32
        %dma_start3A_589 = tpu.memref_slice %arg8[%add3A_580, %dma_start3A_581, %dma_start3A_588] : memref<128x2x100xi32, #tpu.memory_space<vmem>> -> memref<1x1x100xi32, #tpu.memory_space<vmem>>
        %dma_start3A_590 = tpu.memref_squeeze %dma_start3A_589 : memref<1x1x100xi32, #tpu.memory_space<vmem>> -> memref<100xi32, #tpu.memory_space<vmem>>
        %dma_start3A_591 = arith.constant 0 : i32
        %dma_start3A_592 = arith.constant 0 : i32
        %dma_start3A_593 = tpu.memref_slice %arg3[%dma_start3A_591, %dma_start3A_592] : memref<1000000x64xf32, #tpu.memory_space<hbm>> -> memref<1000000x64xf32, #tpu.memory_space<hbm>>
        %dma_start3A_594 = tpu.memref_slice %arg13[%dma_start3A_583] : memref<4x!tpu.dma_semaphore, #tpu.memory_space<semaphore_mem>> -> memref<1x!tpu.dma_semaphore, #tpu.memory_space<semaphore_mem>>
        %dma_start3A_595 = tpu.memref_squeeze %dma_start3A_594 : memref<1x!tpu.dma_semaphore, #tpu.memory_space<semaphore_mem>> -> memref<!tpu.dma_semaphore, #tpu.memory_space<semaphore_mem>>
        tpu.enqueue_indirect_dma source(%dma_start3A_593 : memref<1000000x64xf32, #tpu.memory_space<hbm>>) target(%dma_start3A_587 : memref<100x64xf32, #tpu.memory_space<vmem>>) offsets(%dma_start3A_590 : memref<100xi32, #tpu.memory_space<vmem>>) semaphore(%dma_start3A_595 : memref<!tpu.dma_semaphore, #tpu.memory_space<semaphore_mem>>)
        %dma_start3A_596 = arith.constant 1 : i32
        %dma_start3A_597 = arith.constant 2 : i32
        %dma_start3A_598 = arith.constant 2 : i32
        %dma_start3A_599 = arith.constant 100 : i32
        %dma_start3A_600 = arith.constant 0 : i32
        %dma_start3A_601 = tpu.memref_slice %arg9[%dma_start3A_597, %dma_start3A_599, %dma_start3A_600] : memref<4x200x64xf32, #tpu.memory_space<vmem>> -> memref<1x100x64xf32, #tpu.memory_space<vmem>>
        %dma_start3A_602 = tpu.memref_squeeze %dma_start3A_601 : memref<1x100x64xf32, #tpu.memory_space<vmem>> -> memref<100x64xf32, #tpu.memory_space<vmem>>
        %dma_start3A_603 = arith.constant 0 : i32
        %dma_start3A_604 = tpu.memref_slice %arg8[%add3A_580, %dma_start3A_596, %dma_start3A_603] : memref<128x2x100xi32, #tpu.memory_space<vmem>> -> memref<1x1x100xi32, #tpu.memory_space<vmem>>
        %dma_start3A_605 = tpu.memref_squeeze %dma_start3A_604 : memref<1x1x100xi32, #tpu.memory_space<vmem>> -> memref<100xi32, #tpu.memory_space<vmem>>
        %dma_start3A_606 = arith.constant 0 : i32
        %dma_start3A_607 = arith.constant 0 : i32
        %dma_start3A_608 = tpu.memref_slice %arg3[%dma_start3A_606, %dma_start3A_607] : memref<1000000x64xf32, #tpu.memory_space<hbm>> -> memref<1000000x64xf32, #tpu.memory_space<hbm>>
        %dma_start3A_609 = tpu.memref_slice %arg13[%dma_start3A_598] : memref<4x!tpu.dma_semaphore, #tpu.memory_space<semaphore_mem>> -> memref<1x!tpu.dma_semaphore, #tpu.memory_space<semaphore_mem>>
        %dma_start3A_610 = tpu.memref_squeeze %dma_start3A_609 : memref<1x!tpu.dma_semaphore, #tpu.memory_space<semaphore_mem>> -> memref<!tpu.dma_semaphore, #tpu.memory_space<semaphore_mem>>
        tpu.enqueue_indirect_dma source(%dma_start3A_608 : memref<1000000x64xf32, #tpu.memory_space<hbm>>) target(%dma_start3A_602 : memref<100x64xf32, #tpu.memory_space<vmem>>) offsets(%dma_start3A_605 : memref<100xi32, #tpu.memory_space<vmem>>) semaphore(%dma_start3A_610 : memref<!tpu.dma_semaphore, #tpu.memory_space<semaphore_mem>>)
      } else {
      }
      %add3A_494 = arith.constant 3 : i32
      %add3A_495 = arith.addi %add3A_304, %add3A_494 : i32
      %dma_wait3A_496 = arith.constant 0 : i32
      %dma_wait3A_497 = arith.constant 0 : i32
      %dma_wait3A_498 = arith.constant 3 : i32
      %dma_wait3A_499 = arith.constant 3 : i32
      %dma_wait3A_500 = arith.constant 0 : i32
      %dma_wait3A_501 = arith.constant 0 : i32
      %dma_wait3A_502 = tpu.memref_slice %arg9[%dma_wait3A_498, %dma_wait3A_500, %dma_wait3A_501] : memref<4x200x64xf32, #tpu.memory_space<vmem>> -> memref<1x100x64xf32, #tpu.memory_space<vmem>>
      %dma_wait3A_503 = tpu.memref_squeeze %dma_wait3A_502 : memref<1x100x64xf32, #tpu.memory_space<vmem>> -> memref<100x64xf32, #tpu.memory_space<vmem>>
      %dma_wait3A_504 = arith.constant 0 : i32
      %dma_wait3A_505 = tpu.memref_slice %arg8[%dma_wait3A_496, %dma_wait3A_497, %dma_wait3A_504] : memref<128x2x100xi32, #tpu.memory_space<vmem>> -> memref<1x1x100xi32, #tpu.memory_space<vmem>>
      %dma_wait3A_506 = tpu.memref_squeeze %dma_wait3A_505 : memref<1x1x100xi32, #tpu.memory_space<vmem>> -> memref<100xi32, #tpu.memory_space<vmem>>
      %dma_wait3A_507 = arith.constant 0 : i32
      %dma_wait3A_508 = arith.constant 0 : i32
      %dma_wait3A_509 = tpu.memref_slice %arg3[%dma_wait3A_507, %dma_wait3A_508] : memref<1000000x64xf32, #tpu.memory_space<hbm>> -> memref<1000000x64xf32, #tpu.memory_space<hbm>>
      %dma_wait3A_510 = tpu.memref_slice %arg13[%dma_wait3A_499] : memref<4x!tpu.dma_semaphore, #tpu.memory_space<semaphore_mem>> -> memref<1x!tpu.dma_semaphore, #tpu.memory_space<semaphore_mem>>
      %dma_wait3A_511 = tpu.memref_squeeze %dma_wait3A_510 : memref<1x!tpu.dma_semaphore, #tpu.memory_space<semaphore_mem>> -> memref<!tpu.dma_semaphore, #tpu.memory_space<semaphore_mem>>
      tpu.wait_indirect_dma semaphore(%dma_wait3A_511 : memref<!tpu.dma_semaphore, #tpu.memory_space<semaphore_mem>>) src(%dma_wait3A_509 : memref<1000000x64xf32, #tpu.memory_space<hbm>>) dst(%dma_wait3A_503 : memref<100x64xf32, #tpu.memory_space<vmem>>)
      %dma_wait3A_512 = arith.constant 0 : i32
      %dma_wait3A_513 = arith.constant 0 : i32
      %dma_wait3A_514 = arith.constant 3 : i32
      %dma_wait3A_515 = arith.constant 3 : i32
      %dma_wait3A_516 = arith.constant 0 : i32
      %dma_wait3A_517 = arith.constant 0 : i32
      %dma_wait3A_518 = tpu.memref_slice %arg9[%dma_wait3A_514, %dma_wait3A_516, %dma_wait3A_517] : memref<4x200x64xf32, #tpu.memory_space<vmem>> -> memref<1x100x64xf32, #tpu.memory_space<vmem>>
      %dma_wait3A_519 = tpu.memref_squeeze %dma_wait3A_518 : memref<1x100x64xf32, #tpu.memory_space<vmem>> -> memref<100x64xf32, #tpu.memory_space<vmem>>
      %dma_wait3A_520 = arith.constant 0 : i32
      %dma_wait3A_521 = tpu.memref_slice %arg8[%dma_wait3A_512, %dma_wait3A_513, %dma_wait3A_520] : memref<128x2x100xi32, #tpu.memory_space<vmem>> -> memref<1x1x100xi32, #tpu.memory_space<vmem>>
      %dma_wait3A_522 = tpu.memref_squeeze %dma_wait3A_521 : memref<1x1x100xi32, #tpu.memory_space<vmem>> -> memref<100xi32, #tpu.memory_space<vmem>>
      %dma_wait3A_523 = arith.constant 0 : i32
      %dma_wait3A_524 = arith.constant 0 : i32
      %dma_wait3A_525 = tpu.memref_slice %arg3[%dma_wait3A_523, %dma_wait3A_524] : memref<1000000x64xf32, #tpu.memory_space<hbm>> -> memref<1000000x64xf32, #tpu.memory_space<hbm>>
      %dma_wait3A_526 = tpu.memref_slice %arg13[%dma_wait3A_515] : memref<4x!tpu.dma_semaphore, #tpu.memory_space<semaphore_mem>> -> memref<1x!tpu.dma_semaphore, #tpu.memory_space<semaphore_mem>>
      %dma_wait3A_527 = tpu.memref_squeeze %dma_wait3A_526 : memref<1x!tpu.dma_semaphore, #tpu.memory_space<semaphore_mem>> -> memref<!tpu.dma_semaphore, #tpu.memory_space<semaphore_mem>>
      tpu.wait_indirect_dma semaphore(%dma_wait3A_527 : memref<!tpu.dma_semaphore, #tpu.memory_space<semaphore_mem>>) src(%dma_wait3A_525 : memref<1000000x64xf32, #tpu.memory_space<hbm>>) dst(%dma_wait3A_519 : memref<100x64xf32, #tpu.memory_space<vmem>>)
      %mul3A_528 = arith.constant 128 : i32
      %mul3A_529 = arith.muli %add3A, %mul3A_528 : i32
      %add3A_530 = arith.addi %mul3A_529, %add3A_495 : i32
      %dma_start3A_531 = arith.constant 3 : i32
      %dma_start3A_532 = arith.constant 3 : i32
      %dma_start3A_533 = arith.constant 0 : i32
      %dma_start3A_534 = arith.constant 0 : i32
      %dma_start3A_535 = tpu.memref_slice %arg9[%dma_start3A_531, %dma_start3A_533, %dma_start3A_534] : memref<4x200x64xf32, #tpu.memory_space<vmem>> -> memref<1x200x64xf32, #tpu.memory_space<vmem>>
      %dma_start3A_536 = tpu.memref_squeeze %dma_start3A_535 : memref<1x200x64xf32, #tpu.memory_space<vmem>> -> memref<200x64xf32, #tpu.memory_space<vmem>>
      %dma_start3A_537 = arith.constant 0 : i32
      %dma_start3A_538 = arith.constant 0 : i32
      %dma_start3A_539 = tpu.memref_slice %arg7[%add3A_530, %dma_start3A_537, %dma_start3A_538] : memref<4096x200x64xf32, #tpu.memory_space<hbm>> -> memref<1x200x64xf32, #tpu.memory_space<hbm>>
      %dma_start3A_540 = tpu.memref_squeeze %dma_start3A_539 : memref<1x200x64xf32, #tpu.memory_space<hbm>> -> memref<200x64xf32, #tpu.memory_space<hbm>>
      %dma_start3A_541 = tpu.memref_slice %arg14[%dma_start3A_532] : memref<4x!tpu.dma_semaphore, #tpu.memory_space<semaphore_mem>> -> memref<1x!tpu.dma_semaphore, #tpu.memory_space<semaphore_mem>>
      %dma_start3A_542 = tpu.memref_squeeze %dma_start3A_541 : memref<1x!tpu.dma_semaphore, #tpu.memory_space<semaphore_mem>> -> memref<!tpu.dma_semaphore, #tpu.memory_space<semaphore_mem>>
      %dma_start3A_543 = arith.constant 0 : i32
      %dma_start3A_544 = arith.constant 0 : i32
      %dma_start3A_545 = tpu.memref_slice %arg7[%add3A_530, %dma_start3A_543, %dma_start3A_544] : memref<4096x200x64xf32, #tpu.memory_space<hbm>> -> memref<1x200x64xf32, #tpu.memory_space<hbm>>
      %dma_start3A_546 = tpu.memref_squeeze %dma_start3A_545 : memref<1x200x64xf32, #tpu.memory_space<hbm>> -> memref<200x64xf32, #tpu.memory_space<hbm>>
      %dma_start3A_547 = arith.constant 0 : i32
      %dma_start3A_548 = arith.constant 0 : i32
      %dma_start3A_549 = tpu.memref_slice %arg9[%dma_start3A_531, %dma_start3A_547, %dma_start3A_548] : memref<4x200x64xf32, #tpu.memory_space<vmem>> -> memref<1x200x64xf32, #tpu.memory_space<vmem>>
      %dma_start3A_550 = tpu.memref_squeeze %dma_start3A_549 : memref<1x200x64xf32, #tpu.memory_space<vmem>> -> memref<200x64xf32, #tpu.memory_space<vmem>>
      tpu.enqueue_dma source(%dma_start3A_550 : memref<200x64xf32, #tpu.memory_space<vmem>>) target(%dma_start3A_546 : memref<200x64xf32, #tpu.memory_space<hbm>>) target_semaphore(%dma_start3A_542 : memref<!tpu.dma_semaphore, #tpu.memory_space<semaphore_mem>>)
      %add3A_551 = arith.constant 4 : i32
      %add3A_552 = arith.addi %add3A_495, %add3A_551 : i32
      %lt3A_553 = arith.constant 128 : i32
      %lt3A_554 = arith.cmpi slt, %add3A_552, %lt3A_553 : i32
      %convert_element_type3A_555 = arith.extui %lt3A_554 : i1 to i32
      %cond3A_556 = arith.constant 0 : i32
      %cond3A_557 = arith.cmpi ne, %convert_element_type3A_555, %cond3A_556 : i32
      scf.if %cond3A_557 {
        %dma_wait3A_558 = arith.constant 3 : i32
        %dma_wait3A_559 = arith.constant 0 : i32
        %dma_wait3A_560 = arith.constant 3 : i32
        %dma_wait3A_561 = arith.constant 0 : i32
        %dma_wait3A_562 = arith.constant 0 : i32
        %dma_wait3A_563 = tpu.memref_slice %arg9[%dma_wait3A_558, %dma_wait3A_561, %dma_wait3A_562] : memref<4x200x64xf32, #tpu.memory_space<vmem>> -> memref<1x200x64xf32, #tpu.memory_space<vmem>>
        %dma_wait3A_564 = tpu.memref_squeeze %dma_wait3A_563 : memref<1x200x64xf32, #tpu.memory_space<vmem>> -> memref<200x64xf32, #tpu.memory_space<vmem>>
        %dma_wait3A_565 = arith.constant 0 : i32
        %dma_wait3A_566 = arith.constant 0 : i32
        %dma_wait3A_567 = tpu.memref_slice %arg7[%dma_wait3A_559, %dma_wait3A_565, %dma_wait3A_566] : memref<4096x200x64xf32, #tpu.memory_space<hbm>> -> memref<1x200x64xf32, #tpu.memory_space<hbm>>
        %dma_wait3A_568 = tpu.memref_squeeze %dma_wait3A_567 : memref<1x200x64xf32, #tpu.memory_space<hbm>> -> memref<200x64xf32, #tpu.memory_space<hbm>>
        %dma_wait3A_569 = tpu.memref_slice %arg14[%dma_wait3A_560] : memref<4x!tpu.dma_semaphore, #tpu.memory_space<semaphore_mem>> -> memref<1x!tpu.dma_semaphore, #tpu.memory_space<semaphore_mem>>
        %dma_wait3A_570 = tpu.memref_squeeze %dma_wait3A_569 : memref<1x!tpu.dma_semaphore, #tpu.memory_space<semaphore_mem>> -> memref<!tpu.dma_semaphore, #tpu.memory_space<semaphore_mem>>
        %dma_wait3A_571 = arith.constant 0 : i32
        %dma_wait3A_572 = arith.constant 0 : i32
        %dma_wait3A_573 = tpu.memref_slice %arg7[%dma_wait3A_559, %dma_wait3A_571, %dma_wait3A_572] : memref<4096x200x64xf32, #tpu.memory_space<hbm>> -> memref<1x200x64xf32, #tpu.memory_space<hbm>>
        %dma_wait3A_574 = tpu.memref_squeeze %dma_wait3A_573 : memref<1x200x64xf32, #tpu.memory_space<hbm>> -> memref<200x64xf32, #tpu.memory_space<hbm>>
        %dma_wait3A_575 = arith.constant 0 : i32
        %dma_wait3A_576 = arith.constant 0 : i32
        %dma_wait3A_577 = tpu.memref_slice %arg9[%dma_wait3A_558, %dma_wait3A_575, %dma_wait3A_576] : memref<4x200x64xf32, #tpu.memory_space<vmem>> -> memref<1x200x64xf32, #tpu.memory_space<vmem>>
        %dma_wait3A_578 = tpu.memref_squeeze %dma_wait3A_577 : memref<1x200x64xf32, #tpu.memory_space<vmem>> -> memref<200x64xf32, #tpu.memory_space<vmem>>
        tpu.wait_dma2 semaphore(%dma_wait3A_570 : memref<!tpu.dma_semaphore, #tpu.memory_space<semaphore_mem>>) src(%dma_wait3A_578 : memref<200x64xf32, #tpu.memory_space<vmem>>) dst(%dma_wait3A_574 : memref<200x64xf32, #tpu.memory_space<hbm>>)
        %add3A_579 = arith.constant 4 : i32
        %add3A_580 = arith.addi %add3A_495, %add3A_579 : i32
        %dma_start3A_581 = arith.constant 0 : i32
        %dma_start3A_582 = arith.constant 3 : i32
        %dma_start3A_583 = arith.constant 3 : i32
        %dma_start3A_584 = arith.constant 0 : i32
        %dma_start3A_585 = arith.constant 0 : i32
        %dma_start3A_586 = tpu.memref_slice %arg9[%dma_start3A_582, %dma_start3A_584, %dma_start3A_585] : memref<4x200x64xf32, #tpu.memory_space<vmem>> -> memref<1x100x64xf32, #tpu.memory_space<vmem>>
        %dma_start3A_587 = tpu.memref_squeeze %dma_start3A_586 : memref<1x100x64xf32, #tpu.memory_space<vmem>> -> memref<100x64xf32, #tpu.memory_space<vmem>>
        %dma_start3A_588 = arith.constant 0 : i32
        %dma_start3A_589 = tpu.memref_slice %arg8[%add3A_580, %dma_start3A_581, %dma_start3A_588] : memref<128x2x100xi32, #tpu.memory_space<vmem>> -> memref<1x1x100xi32, #tpu.memory_space<vmem>>
        %dma_start3A_590 = tpu.memref_squeeze %dma_start3A_589 : memref<1x1x100xi32, #tpu.memory_space<vmem>> -> memref<100xi32, #tpu.memory_space<vmem>>
        %dma_start3A_591 = arith.constant 0 : i32
        %dma_start3A_592 = arith.constant 0 : i32
        %dma_start3A_593 = tpu.memref_slice %arg3[%dma_start3A_591, %dma_start3A_592] : memref<1000000x64xf32, #tpu.memory_space<hbm>> -> memref<1000000x64xf32, #tpu.memory_space<hbm>>
        %dma_start3A_594 = tpu.memref_slice %arg13[%dma_start3A_583] : memref<4x!tpu.dma_semaphore, #tpu.memory_space<semaphore_mem>> -> memref<1x!tpu.dma_semaphore, #tpu.memory_space<semaphore_mem>>
        %dma_start3A_595 = tpu.memref_squeeze %dma_start3A_594 : memref<1x!tpu.dma_semaphore, #tpu.memory_space<semaphore_mem>> -> memref<!tpu.dma_semaphore, #tpu.memory_space<semaphore_mem>>
        tpu.enqueue_indirect_dma source(%dma_start3A_593 : memref<1000000x64xf32, #tpu.memory_space<hbm>>) target(%dma_start3A_587 : memref<100x64xf32, #tpu.memory_space<vmem>>) offsets(%dma_start3A_590 : memref<100xi32, #tpu.memory_space<vmem>>) semaphore(%dma_start3A_595 : memref<!tpu.dma_semaphore, #tpu.memory_space<semaphore_mem>>)
        %dma_start3A_596 = arith.constant 1 : i32
        %dma_start3A_597 = arith.constant 3 : i32
        %dma_start3A_598 = arith.constant 3 : i32
        %dma_start3A_599 = arith.constant 100 : i32
        %dma_start3A_600 = arith.constant 0 : i32
        %dma_start3A_601 = tpu.memref_slice %arg9[%dma_start3A_597, %dma_start3A_599, %dma_start3A_600] : memref<4x200x64xf32, #tpu.memory_space<vmem>> -> memref<1x100x64xf32, #tpu.memory_space<vmem>>
        %dma_start3A_602 = tpu.memref_squeeze %dma_start3A_601 : memref<1x100x64xf32, #tpu.memory_space<vmem>> -> memref<100x64xf32, #tpu.memory_space<vmem>>
        %dma_start3A_603 = arith.constant 0 : i32
        %dma_start3A_604 = tpu.memref_slice %arg8[%add3A_580, %dma_start3A_596, %dma_start3A_603] : memref<128x2x100xi32, #tpu.memory_space<vmem>> -> memref<1x1x100xi32, #tpu.memory_space<vmem>>
        %dma_start3A_605 = tpu.memref_squeeze %dma_start3A_604 : memref<1x1x100xi32, #tpu.memory_space<vmem>> -> memref<100xi32, #tpu.memory_space<vmem>>
        %dma_start3A_606 = arith.constant 0 : i32
        %dma_start3A_607 = arith.constant 0 : i32
        %dma_start3A_608 = tpu.memref_slice %arg3[%dma_start3A_606, %dma_start3A_607] : memref<1000000x64xf32, #tpu.memory_space<hbm>> -> memref<1000000x64xf32, #tpu.memory_space<hbm>>
        %dma_start3A_609 = tpu.memref_slice %arg13[%dma_start3A_598] : memref<4x!tpu.dma_semaphore, #tpu.memory_space<semaphore_mem>> -> memref<1x!tpu.dma_semaphore, #tpu.memory_space<semaphore_mem>>
        %dma_start3A_610 = tpu.memref_squeeze %dma_start3A_609 : memref<1x!tpu.dma_semaphore, #tpu.memory_space<semaphore_mem>> -> memref<!tpu.dma_semaphore, #tpu.memory_space<semaphore_mem>>
        tpu.enqueue_indirect_dma source(%dma_start3A_608 : memref<1000000x64xf32, #tpu.memory_space<hbm>>) target(%dma_start3A_602 : memref<100x64xf32, #tpu.memory_space<vmem>>) offsets(%dma_start3A_605 : memref<100xi32, #tpu.memory_space<vmem>>) semaphore(%dma_start3A_610 : memref<!tpu.dma_semaphore, #tpu.memory_space<semaphore_mem>>)
      } else {
      }
    }
    %scan3A_210 = arith.constant 32 : i32
    %dma_wait3A_211 = arith.constant 0 : i32
    %dma_wait3A_212 = arith.constant 0 : i32
    %dma_wait3A_213 = arith.constant 0 : i32
    %dma_wait3A_214 = arith.constant 0 : i32
    %dma_wait3A_215 = arith.constant 0 : i32
    %dma_wait3A_216 = tpu.memref_slice %arg9[%dma_wait3A_211, %dma_wait3A_214, %dma_wait3A_215] : memref<4x200x64xf32, #tpu.memory_space<vmem>> -> memref<1x200x64xf32, #tpu.memory_space<vmem>>
    %dma_wait3A_217 = tpu.memref_squeeze %dma_wait3A_216 : memref<1x200x64xf32, #tpu.memory_space<vmem>> -> memref<200x64xf32, #tpu.memory_space<vmem>>
    %dma_wait3A_218 = arith.constant 0 : i32
    %dma_wait3A_219 = arith.constant 0 : i32
    %dma_wait3A_220 = tpu.memref_slice %arg7[%dma_wait3A_212, %dma_wait3A_218, %dma_wait3A_219] : memref<4096x200x64xf32, #tpu.memory_space<hbm>> -> memref<1x200x64xf32, #tpu.memory_space<hbm>>
    %dma_wait3A_221 = tpu.memref_squeeze %dma_wait3A_220 : memref<1x200x64xf32, #tpu.memory_space<hbm>> -> memref<200x64xf32, #tpu.memory_space<hbm>>
    %dma_wait3A_222 = tpu.memref_slice %arg14[%dma_wait3A_213] : memref<4x!tpu.dma_semaphore, #tpu.memory_space<semaphore_mem>> -> memref<1x!tpu.dma_semaphore, #tpu.memory_space<semaphore_mem>>
    %dma_wait3A_223 = tpu.memref_squeeze %dma_wait3A_222 : memref<1x!tpu.dma_semaphore, #tpu.memory_space<semaphore_mem>> -> memref<!tpu.dma_semaphore, #tpu.memory_space<semaphore_mem>>
    %dma_wait3A_224 = arith.constant 0 : i32
    %dma_wait3A_225 = arith.constant 0 : i32
    %dma_wait3A_226 = tpu.memref_slice %arg7[%dma_wait3A_212, %dma_wait3A_224, %dma_wait3A_225] : memref<4096x200x64xf32, #tpu.memory_space<hbm>> -> memref<1x200x64xf32, #tpu.memory_space<hbm>>
    %dma_wait3A_227 = tpu.memref_squeeze %dma_wait3A_226 : memref<1x200x64xf32, #tpu.memory_space<hbm>> -> memref<200x64xf32, #tpu.memory_space<hbm>>
    %dma_wait3A_228 = arith.constant 0 : i32
    %dma_wait3A_229 = arith.constant 0 : i32
    %dma_wait3A_230 = tpu.memref_slice %arg9[%dma_wait3A_211, %dma_wait3A_228, %dma_wait3A_229] : memref<4x200x64xf32, #tpu.memory_space<vmem>> -> memref<1x200x64xf32, #tpu.memory_space<vmem>>
    %dma_wait3A_231 = tpu.memref_squeeze %dma_wait3A_230 : memref<1x200x64xf32, #tpu.memory_space<vmem>> -> memref<200x64xf32, #tpu.memory_space<vmem>>
    tpu.wait_dma2 semaphore(%dma_wait3A_223 : memref<!tpu.dma_semaphore, #tpu.memory_space<semaphore_mem>>) src(%dma_wait3A_231 : memref<200x64xf32, #tpu.memory_space<vmem>>) dst(%dma_wait3A_227 : memref<200x64xf32, #tpu.memory_space<hbm>>)
    %dma_wait3A_232 = arith.constant 1 : i32
    %dma_wait3A_233 = arith.constant 0 : i32
    %dma_wait3A_234 = arith.constant 1 : i32
    %dma_wait3A_235 = arith.constant 0 : i32
    %dma_wait3A_236 = arith.constant 0 : i32
    %dma_wait3A_237 = tpu.memref_slice %arg9[%dma_wait3A_232, %dma_wait3A_235, %dma_wait3A_236] : memref<4x200x64xf32, #tpu.memory_space<vmem>> -> memref<1x200x64xf32, #tpu.memory_space<vmem>>
    %dma_wait3A_238 = tpu.memref_squeeze %dma_wait3A_237 : memref<1x200x64xf32, #tpu.memory_space<vmem>> -> memref<200x64xf32, #tpu.memory_space<vmem>>
    %dma_wait3A_239 = arith.constant 0 : i32
    %dma_wait3A_240 = arith.constant 0 : i32
    %dma_wait3A_241 = tpu.memref_slice %arg7[%dma_wait3A_233, %dma_wait3A_239, %dma_wait3A_240] : memref<4096x200x64xf32, #tpu.memory_space<hbm>> -> memref<1x200x64xf32, #tpu.memory_space<hbm>>
    %dma_wait3A_242 = tpu.memref_squeeze %dma_wait3A_241 : memref<1x200x64xf32, #tpu.memory_space<hbm>> -> memref<200x64xf32, #tpu.memory_space<hbm>>
    %dma_wait3A_243 = tpu.memref_slice %arg14[%dma_wait3A_234] : memref<4x!tpu.dma_semaphore, #tpu.memory_space<semaphore_mem>> -> memref<1x!tpu.dma_semaphore, #tpu.memory_space<semaphore_mem>>
    %dma_wait3A_244 = tpu.memref_squeeze %dma_wait3A_243 : memref<1x!tpu.dma_semaphore, #tpu.memory_space<semaphore_mem>> -> memref<!tpu.dma_semaphore, #tpu.memory_space<semaphore_mem>>
    %dma_wait3A_245 = arith.constant 0 : i32
    %dma_wait3A_246 = arith.constant 0 : i32
    %dma_wait3A_247 = tpu.memref_slice %arg7[%dma_wait3A_233, %dma_wait3A_245, %dma_wait3A_246] : memref<4096x200x64xf32, #tpu.memory_space<hbm>> -> memref<1x200x64xf32, #tpu.memory_space<hbm>>
    %dma_wait3A_248 = tpu.memref_squeeze %dma_wait3A_247 : memref<1x200x64xf32, #tpu.memory_space<hbm>> -> memref<200x64xf32, #tpu.memory_space<hbm>>
    %dma_wait3A_249 = arith.constant 0 : i32
    %dma_wait3A_250 = arith.constant 0 : i32
    %dma_wait3A_251 = tpu.memref_slice %arg9[%dma_wait3A_232, %dma_wait3A_249, %dma_wait3A_250] : memref<4x200x64xf32, #tpu.memory_space<vmem>> -> memref<1x200x64xf32, #tpu.memory_space<vmem>>
    %dma_wait3A_252 = tpu.memref_squeeze %dma_wait3A_251 : memref<1x200x64xf32, #tpu.memory_space<vmem>> -> memref<200x64xf32, #tpu.memory_space<vmem>>
    tpu.wait_dma2 semaphore(%dma_wait3A_244 : memref<!tpu.dma_semaphore, #tpu.memory_space<semaphore_mem>>) src(%dma_wait3A_252 : memref<200x64xf32, #tpu.memory_space<vmem>>) dst(%dma_wait3A_248 : memref<200x64xf32, #tpu.memory_space<hbm>>)
    %dma_wait3A_253 = arith.constant 2 : i32
    %dma_wait3A_254 = arith.constant 0 : i32
    %dma_wait3A_255 = arith.constant 2 : i32
    %dma_wait3A_256 = arith.constant 0 : i32
    %dma_wait3A_257 = arith.constant 0 : i32
    %dma_wait3A_258 = tpu.memref_slice %arg9[%dma_wait3A_253, %dma_wait3A_256, %dma_wait3A_257] : memref<4x200x64xf32, #tpu.memory_space<vmem>> -> memref<1x200x64xf32, #tpu.memory_space<vmem>>
    %dma_wait3A_259 = tpu.memref_squeeze %dma_wait3A_258 : memref<1x200x64xf32, #tpu.memory_space<vmem>> -> memref<200x64xf32, #tpu.memory_space<vmem>>
    %dma_wait3A_260 = arith.constant 0 : i32
    %dma_wait3A_261 = arith.constant 0 : i32
    %dma_wait3A_262 = tpu.memref_slice %arg7[%dma_wait3A_254, %dma_wait3A_260, %dma_wait3A_261] : memref<4096x200x64xf32, #tpu.memory_space<hbm>> -> memref<1x200x64xf32, #tpu.memory_space<hbm>>
    %dma_wait3A_263 = tpu.memref_squeeze %dma_wait3A_262 : memref<1x200x64xf32, #tpu.memory_space<hbm>> -> memref<200x64xf32, #tpu.memory_space<hbm>>
    %dma_wait3A_264 = tpu.memref_slice %arg14[%dma_wait3A_255] : memref<4x!tpu.dma_semaphore, #tpu.memory_space<semaphore_mem>> -> memref<1x!tpu.dma_semaphore, #tpu.memory_space<semaphore_mem>>
    %dma_wait3A_265 = tpu.memref_squeeze %dma_wait3A_264 : memref<1x!tpu.dma_semaphore, #tpu.memory_space<semaphore_mem>> -> memref<!tpu.dma_semaphore, #tpu.memory_space<semaphore_mem>>
    %dma_wait3A_266 = arith.constant 0 : i32
    %dma_wait3A_267 = arith.constant 0 : i32
    %dma_wait3A_268 = tpu.memref_slice %arg7[%dma_wait3A_254, %dma_wait3A_266, %dma_wait3A_267] : memref<4096x200x64xf32, #tpu.memory_space<hbm>> -> memref<1x200x64xf32, #tpu.memory_space<hbm>>
    %dma_wait3A_269 = tpu.memref_squeeze %dma_wait3A_268 : memref<1x200x64xf32, #tpu.memory_space<hbm>> -> memref<200x64xf32, #tpu.memory_space<hbm>>
    %dma_wait3A_270 = arith.constant 0 : i32
    %dma_wait3A_271 = arith.constant 0 : i32
    %dma_wait3A_272 = tpu.memref_slice %arg9[%dma_wait3A_253, %dma_wait3A_270, %dma_wait3A_271] : memref<4x200x64xf32, #tpu.memory_space<vmem>> -> memref<1x200x64xf32, #tpu.memory_space<vmem>>
    %dma_wait3A_273 = tpu.memref_squeeze %dma_wait3A_272 : memref<1x200x64xf32, #tpu.memory_space<vmem>> -> memref<200x64xf32, #tpu.memory_space<vmem>>
    tpu.wait_dma2 semaphore(%dma_wait3A_265 : memref<!tpu.dma_semaphore, #tpu.memory_space<semaphore_mem>>) src(%dma_wait3A_273 : memref<200x64xf32, #tpu.memory_space<vmem>>) dst(%dma_wait3A_269 : memref<200x64xf32, #tpu.memory_space<hbm>>)
    %dma_wait3A_274 = arith.constant 3 : i32
    %dma_wait3A_275 = arith.constant 0 : i32
    %dma_wait3A_276 = arith.constant 3 : i32
    %dma_wait3A_277 = arith.constant 0 : i32
    %dma_wait3A_278 = arith.constant 0 : i32
    %dma_wait3A_279 = tpu.memref_slice %arg9[%dma_wait3A_274, %dma_wait3A_277, %dma_wait3A_278] : memref<4x200x64xf32, #tpu.memory_space<vmem>> -> memref<1x200x64xf32, #tpu.memory_space<vmem>>
    %dma_wait3A_280 = tpu.memref_squeeze %dma_wait3A_279 : memref<1x200x64xf32, #tpu.memory_space<vmem>> -> memref<200x64xf32, #tpu.memory_space<vmem>>
    %dma_wait3A_281 = arith.constant 0 : i32
    %dma_wait3A_282 = arith.constant 0 : i32
    %dma_wait3A_283 = tpu.memref_slice %arg7[%dma_wait3A_275, %dma_wait3A_281, %dma_wait3A_282] : memref<4096x200x64xf32, #tpu.memory_space<hbm>> -> memref<1x200x64xf32, #tpu.memory_space<hbm>>
    %dma_wait3A_284 = tpu.memref_squeeze %dma_wait3A_283 : memref<1x200x64xf32, #tpu.memory_space<hbm>> -> memref<200x64xf32, #tpu.memory_space<hbm>>
    %dma_wait3A_285 = tpu.memref_slice %arg14[%dma_wait3A_276] : memref<4x!tpu.dma_semaphore, #tpu.memory_space<semaphore_mem>> -> memref<1x!tpu.dma_semaphore, #tpu.memory_space<semaphore_mem>>
    %dma_wait3A_286 = tpu.memref_squeeze %dma_wait3A_285 : memref<1x!tpu.dma_semaphore, #tpu.memory_space<semaphore_mem>> -> memref<!tpu.dma_semaphore, #tpu.memory_space<semaphore_mem>>
    %dma_wait3A_287 = arith.constant 0 : i32
    %dma_wait3A_288 = arith.constant 0 : i32
    %dma_wait3A_289 = tpu.memref_slice %arg7[%dma_wait3A_275, %dma_wait3A_287, %dma_wait3A_288] : memref<4096x200x64xf32, #tpu.memory_space<hbm>> -> memref<1x200x64xf32, #tpu.memory_space<hbm>>
    %dma_wait3A_290 = tpu.memref_squeeze %dma_wait3A_289 : memref<1x200x64xf32, #tpu.memory_space<hbm>> -> memref<200x64xf32, #tpu.memory_space<hbm>>
    %dma_wait3A_291 = arith.constant 0 : i32
    %dma_wait3A_292 = arith.constant 0 : i32
    %dma_wait3A_293 = tpu.memref_slice %arg9[%dma_wait3A_274, %dma_wait3A_291, %dma_wait3A_292] : memref<4x200x64xf32, #tpu.memory_space<vmem>> -> memref<1x200x64xf32, #tpu.memory_space<vmem>>
    %dma_wait3A_294 = tpu.memref_squeeze %dma_wait3A_293 : memref<1x200x64xf32, #tpu.memory_space<vmem>> -> memref<200x64xf32, #tpu.memory_space<vmem>>
    tpu.wait_dma2 semaphore(%dma_wait3A_286 : memref<!tpu.dma_semaphore, #tpu.memory_space<semaphore_mem>>) src(%dma_wait3A_294 : memref<200x64xf32, #tpu.memory_space<vmem>>) dst(%dma_wait3A_290 : memref<200x64xf32, #tpu.memory_space<hbm>>)
    %scan3A_295 = arith.constant 0 : i32
    %scan3A_296 = arith.constant 32 : i32
    %scan3A_297 = arith.addi %scan3A_295, %scan3A_296 : i32
    %scan3A_298 = arith.constant 1 : i32
    scf.for %scan3A_300 = %scan3A_295 to %scan3A_297 step %scan3A_298  : i32 {
      %mul3A_301 = arith.constant 1 : i32
      %mul3A_302 = arith.muli %scan3A_300, %mul3A_301 : i32
      %add3A_303 = arith.constant 0 : i32
      %add3A_304 = arith.addi %add3A_303, %mul3A_302 : i32
      %mul3A_305 = arith.constant 16 : i32
      %mul3A_306 = arith.muli %add3A_304, %mul3A_305 : i32
      %get3A = arith.index_cast %mul3A_306 : i32 to index
      %get3A_307 = tpu.vector_load %arg12[%get3A] {strides = array<i32>} : memref<512xi32, #tpu.memory_space<vmem>>, vector<16xi32>,
      %mul3A_308 = arith.constant 16 : i32
      %mul3A_309 = arith.muli %add3A_304, %mul3A_308 : i32
      %add3A_310 = arith.constant 0 : i32
      %add3A_311 = arith.addi %mul3A_309, %add3A_310 : i32
      %slice3A = vector.extract_strided_slice %get3A_307 {offsets = [0], sizes = [1], strides = [1]} : vector<16xi32> to vector<1xi32>
      %squeeze3A = vector.extract %slice3A[0] : i32 from vector<1xi32>
      %mul3A_312 = arith.constant 128 : i32
      %mul3A_313 = arith.muli %add3A, %mul3A_312 : i32
      %jit3A = arith.constant 4 : i32
      %div3A = arith.divsi %add3A_311, %jit3A : i32
      %sign3A = arith.constant 0 : i32
      %sign3A_314 = arith.cmpi sgt, %add3A_311, %sign3A : i32
      %sign3A_315 = arith.extui %sign3A_314 : i1 to i32
      %sign3A_316 = arith.constant 0 : i32
      %sign3A_317 = arith.cmpi slt, %add3A_311, %sign3A_316 : i32
      %sign3A_318 = arith.extui %sign3A_317 : i1 to i32
      %sign3A_319 = arith.subi %sign3A_315, %sign3A_318 : i32
      %sign3A_320 = arith.constant 0 : i32
      %sign3A_321 = arith.cmpi sgt, %jit3A, %sign3A_320 : i32
      %sign3A_322 = arith.extui %sign3A_321 : i1 to i32
      %sign3A_323 = arith.constant 0 : i32
      %sign3A_324 = arith.cmpi slt, %jit3A, %sign3A_323 : i32
      %sign3A_325 = arith.extui %sign3A_324 : i1 to i32
      %sign3A_326 = arith.subi %sign3A_322, %sign3A_325 : i32
      %ne3A = arith.cmpi ne, %sign3A_319, %sign3A_326 : i32
      %rem3A = arith.remsi %add3A_311, %jit3A : i32
      %ne3A_327 = arith.constant 0 : i32
      %ne3A_328 = arith.cmpi ne, %rem3A, %ne3A_327 : i32
      %and3A = arith.andi %ne3A, %ne3A_328 : i1
      %sub3A = arith.constant 1 : i32
      %sub3A_329 = arith.subi %div3A, %sub3A : i32
      %select_n3A = arith.select %and3A, %sub3A_329, %div3A : i32
      %add3A_330 = arith.addi %mul3A_313, %select_n3A : i32
      %dma_start3A_331 = arith.constant 0 : i32
      %dma_start3A_332 = tpu.memref_slice %arg10[%add3A_311, %dma_start3A_331] : memref<512x64xf32, #tpu.memory_space<vmem>> -> memref<1x64xf32, #tpu.memory_space<vmem>>
      %dma_start3A_333 = tpu.memref_squeeze %dma_start3A_332 : memref<1x64xf32, #tpu.memory_space<vmem>> -> memref<64xf32, #tpu.memory_space<vmem>>
      %dma_start3A_334 = arith.constant 0 : i32
      %dma_start3A_335 = tpu.memref_slice %arg7[%add3A_330, %squeeze3A, %dma_start3A_334] : memref<4096x200x64xf32, #tpu.memory_space<hbm>> -> memref<1x1x64xf32, #tpu.memory_space<hbm>>
      %dma_start3A_336 = tpu.memref_squeeze %dma_start3A_335 : memref<1x1x64xf32, #tpu.memory_space<hbm>> -> memref<64xf32, #tpu.memory_space<hbm>>
      %dma_start3A_337 = arith.constant 0 : i32
      %dma_start3A_338 = tpu.memref_slice %arg7[%add3A_330, %squeeze3A, %dma_start3A_337] : memref<4096x200x64xf32, #tpu.memory_space<hbm>> -> memref<1x1x64xf32, #tpu.memory_space<hbm>>
      %dma_start3A_339 = tpu.memref_squeeze %dma_start3A_338 : memref<1x1x64xf32, #tpu.memory_space<hbm>> -> memref<64xf32, #tpu.memory_space<hbm>>
      %dma_start3A_340 = arith.constant 0 : i32
      %dma_start3A_341 = tpu.memref_slice %arg10[%add3A_311, %dma_start3A_340] : memref<512x64xf32, #tpu.memory_space<vmem>> -> memref<1x64xf32, #tpu.memory_space<vmem>>
      %dma_start3A_342 = tpu.memref_squeeze %dma_start3A_341 : memref<1x64xf32, #tpu.memory_space<vmem>> -> memref<64xf32, #tpu.memory_space<vmem>>
      tpu.enqueue_dma source(%dma_start3A_342 : memref<64xf32, #tpu.memory_space<vmem>>) target(%dma_start3A_339 : memref<64xf32, #tpu.memory_space<hbm>>) target_semaphore(%arg15 : memref<!tpu.dma_semaphore, #tpu.memory_space<semaphore_mem>>)
      %mul3A_343 = arith.constant 16 : i32
      %mul3A_344 = arith.muli %add3A_304, %mul3A_343 : i32
      %add3A_345 = arith.constant 1 : i32
      %add3A_346 = arith.addi %mul3A_344, %add3A_345 : i32
      %slice3A_347 = vector.extract_strided_slice %get3A_307 {offsets = [1], sizes = [1], strides = [1]} : vector<16xi32> to vector<1xi32>
      %squeeze3A_348 = vector.extract %slice3A_347[0] : i32 from vector<1xi32>
      %mul3A_349 = arith.constant 128 : i32
      %mul3A_350 = arith.muli %add3A, %mul3A_349 : i32
      %jit3A_351 = arith.constant 4 : i32
      %div3A_352 = arith.divsi %add3A_346, %jit3A_351 : i32
      %sign3A_353 = arith.constant 0 : i32
      %sign3A_354 = arith.cmpi sgt, %add3A_346, %sign3A_353 : i32
      %sign3A_355 = arith.extui %sign3A_354 : i1 to i32
      %sign3A_356 = arith.constant 0 : i32
      %sign3A_357 = arith.cmpi slt, %add3A_346, %sign3A_356 : i32
      %sign3A_358 = arith.extui %sign3A_357 : i1 to i32
      %sign3A_359 = arith.subi %sign3A_355, %sign3A_358 : i32
      %sign3A_360 = arith.constant 0 : i32
      %sign3A_361 = arith.cmpi sgt, %jit3A_351, %sign3A_360 : i32
      %sign3A_362 = arith.extui %sign3A_361 : i1 to i32
      %sign3A_363 = arith.constant 0 : i32
      %sign3A_364 = arith.cmpi slt, %jit3A_351, %sign3A_363 : i32
      %sign3A_365 = arith.extui %sign3A_364 : i1 to i32
      %sign3A_366 = arith.subi %sign3A_362, %sign3A_365 : i32
      %ne3A_367 = arith.cmpi ne, %sign3A_359, %sign3A_366 : i32
      %rem3A_368 = arith.remsi %add3A_346, %jit3A_351 : i32
      %ne3A_369 = arith.constant 0 : i32
      %ne3A_370 = arith.cmpi ne, %rem3A_368, %ne3A_369 : i32
      %and3A_371 = arith.andi %ne3A_367, %ne3A_370 : i1
      %sub3A_372 = arith.constant 1 : i32
      %sub3A_373 = arith.subi %div3A_352, %sub3A_372 : i32
      %select_n3A_374 = arith.select %and3A_371, %sub3A_373, %div3A_352 : i32
      %add3A_375 = arith.addi %mul3A_350, %select_n3A_374 : i32
      %dma_start3A_376 = arith.constant 0 : i32
      %dma_start3A_377 = tpu.memref_slice %arg10[%add3A_346, %dma_start3A_376] : memref<512x64xf32, #tpu.memory_space<vmem>> -> memref<1x64xf32, #tpu.memory_space<vmem>>
      %dma_start3A_378 = tpu.memref_squeeze %dma_start3A_377 : memref<1x64xf32, #tpu.memory_space<vmem>> -> memref<64xf32, #tpu.memory_space<vmem>>
      %dma_start3A_379 = arith.constant 0 : i32
      %dma_start3A_380 = tpu.memref_slice %arg7[%add3A_375, %squeeze3A_348, %dma_start3A_379] : memref<4096x200x64xf32, #tpu.memory_space<hbm>> -> memref<1x1x64xf32, #tpu.memory_space<hbm>>
      %dma_start3A_381 = tpu.memref_squeeze %dma_start3A_380 : memref<1x1x64xf32, #tpu.memory_space<hbm>> -> memref<64xf32, #tpu.memory_space<hbm>>
      %dma_start3A_382 = arith.constant 0 : i32
      %dma_start3A_383 = tpu.memref_slice %arg7[%add3A_375, %squeeze3A_348, %dma_start3A_382] : memref<4096x200x64xf32, #tpu.memory_space<hbm>> -> memref<1x1x64xf32, #tpu.memory_space<hbm>>
      %dma_start3A_384 = tpu.memref_squeeze %dma_start3A_383 : memref<1x1x64xf32, #tpu.memory_space<hbm>> -> memref<64xf32, #tpu.memory_space<hbm>>
      %dma_start3A_385 = arith.constant 0 : i32
      %dma_start3A_386 = tpu.memref_slice %arg10[%add3A_346, %dma_start3A_385] : memref<512x64xf32, #tpu.memory_space<vmem>> -> memref<1x64xf32, #tpu.memory_space<vmem>>
      %dma_start3A_387 = tpu.memref_squeeze %dma_start3A_386 : memref<1x64xf32, #tpu.memory_space<vmem>> -> memref<64xf32, #tpu.memory_space<vmem>>
      tpu.enqueue_dma source(%dma_start3A_387 : memref<64xf32, #tpu.memory_space<vmem>>) target(%dma_start3A_384 : memref<64xf32, #tpu.memory_space<hbm>>) target_semaphore(%arg15 : memref<!tpu.dma_semaphore, #tpu.memory_space<semaphore_mem>>)
      %mul3A_388 = arith.constant 16 : i32
      %mul3A_389 = arith.muli %add3A_304, %mul3A_388 : i32
      %add3A_390 = arith.constant 2 : i32
      %add3A_391 = arith.addi %mul3A_389, %add3A_390 : i32
      %slice3A_392 = vector.extract_strided_slice %get3A_307 {offsets = [2], sizes = [1], strides = [1]} : vector<16xi32> to vector<1xi32>
      %squeeze3A_393 = vector.extract %slice3A_392[0] : i32 from vector<1xi32>
      %mul3A_394 = arith.constant 128 : i32
      %mul3A_395 = arith.muli %add3A, %mul3A_394 : i32
      %jit3A_396 = arith.constant 4 : i32
      %div3A_397 = arith.divsi %add3A_391, %jit3A_396 : i32
      %sign3A_398 = arith.constant 0 : i32
      %sign3A_399 = arith.cmpi sgt, %add3A_391, %sign3A_398 : i32
      %sign3A_400 = arith.extui %sign3A_399 : i1 to i32
      %sign3A_401 = arith.constant 0 : i32
      %sign3A_402 = arith.cmpi slt, %add3A_391, %sign3A_401 : i32
      %sign3A_403 = arith.extui %sign3A_402 : i1 to i32
      %sign3A_404 = arith.subi %sign3A_400, %sign3A_403 : i32
      %sign3A_405 = arith.constant 0 : i32
      %sign3A_406 = arith.cmpi sgt, %jit3A_396, %sign3A_405 : i32
      %sign3A_407 = arith.extui %sign3A_406 : i1 to i32
      %sign3A_408 = arith.constant 0 : i32
      %sign3A_409 = arith.cmpi slt, %jit3A_396, %sign3A_408 : i32
      %sign3A_410 = arith.extui %sign3A_409 : i1 to i32
      %sign3A_411 = arith.subi %sign3A_407, %sign3A_410 : i32
      %ne3A_412 = arith.cmpi ne, %sign3A_404, %sign3A_411 : i32
      %rem3A_413 = arith.remsi %add3A_391, %jit3A_396 : i32
      %ne3A_414 = arith.constant 0 : i32
      %ne3A_415 = arith.cmpi ne, %rem3A_413, %ne3A_414 : i32
      %and3A_416 = arith.andi %ne3A_412, %ne3A_415 : i1
      %sub3A_417 = arith.constant 1 : i32
      %sub3A_418 = arith.subi %div3A_397, %sub3A_417 : i32
      %select_n3A_419 = arith.select %and3A_416, %sub3A_418, %div3A_397 : i32
      %add3A_420 = arith.addi %mul3A_395, %select_n3A_419 : i32
      %dma_start3A_421 = arith.constant 0 : i32
      %dma_start3A_422 = tpu.memref_slice %arg10[%add3A_391, %dma_start3A_421] : memref<512x64xf32, #tpu.memory_space<vmem>> -> memref<1x64xf32, #tpu.memory_space<vmem>>
      %dma_start3A_423 = tpu.memref_squeeze %dma_start3A_422 : memref<1x64xf32, #tpu.memory_space<vmem>> -> memref<64xf32, #tpu.memory_space<vmem>>
      %dma_start3A_424 = arith.constant 0 : i32
      %dma_start3A_425 = tpu.memref_slice %arg7[%add3A_420, %squeeze3A_393, %dma_start3A_424] : memref<4096x200x64xf32, #tpu.memory_space<hbm>> -> memref<1x1x64xf32, #tpu.memory_space<hbm>>
      %dma_start3A_426 = tpu.memref_squeeze %dma_start3A_425 : memref<1x1x64xf32, #tpu.memory_space<hbm>> -> memref<64xf32, #tpu.memory_space<hbm>>
      %dma_start3A_427 = arith.constant 0 : i32
      %dma_start3A_428 = tpu.memref_slice %arg7[%add3A_420, %squeeze3A_393, %dma_start3A_427] : memref<4096x200x64xf32, #tpu.memory_space<hbm>> -> memref<1x1x64xf32, #tpu.memory_space<hbm>>
      %dma_start3A_429 = tpu.memref_squeeze %dma_start3A_428 : memref<1x1x64xf32, #tpu.memory_space<hbm>> -> memref<64xf32, #tpu.memory_space<hbm>>
      %dma_start3A_430 = arith.constant 0 : i32
      %dma_start3A_431 = tpu.memref_slice %arg10[%add3A_391, %dma_start3A_430] : memref<512x64xf32, #tpu.memory_space<vmem>> -> memref<1x64xf32, #tpu.memory_space<vmem>>
      %dma_start3A_432 = tpu.memref_squeeze %dma_start3A_431 : memref<1x64xf32, #tpu.memory_space<vmem>> -> memref<64xf32, #tpu.memory_space<vmem>>
      tpu.enqueue_dma source(%dma_start3A_432 : memref<64xf32, #tpu.memory_space<vmem>>) target(%dma_start3A_429 : memref<64xf32, #tpu.memory_space<hbm>>) target_semaphore(%arg15 : memref<!tpu.dma_semaphore, #tpu.memory_space<semaphore_mem>>)
      %mul3A_433 = arith.constant 16 : i32
      %mul3A_434 = arith.muli %add3A_304, %mul3A_433 : i32
      %add3A_435 = arith.constant 3 : i32
      %add3A_436 = arith.addi %mul3A_434, %add3A_435 : i32
      %slice3A_437 = vector.extract_strided_slice %get3A_307 {offsets = [3], sizes = [1], strides = [1]} : vector<16xi32> to vector<1xi32>
      %squeeze3A_438 = vector.extract %slice3A_437[0] : i32 from vector<1xi32>
      %mul3A_439 = arith.constant 128 : i32
      %mul3A_440 = arith.muli %add3A, %mul3A_439 : i32
      %jit3A_441 = arith.constant 4 : i32
      %div3A_442 = arith.divsi %add3A_436, %jit3A_441 : i32
      %sign3A_443 = arith.constant 0 : i32
      %sign3A_444 = arith.cmpi sgt, %add3A_436, %sign3A_443 : i32
      %sign3A_445 = arith.extui %sign3A_444 : i1 to i32
      %sign3A_446 = arith.constant 0 : i32
      %sign3A_447 = arith.cmpi slt, %add3A_436, %sign3A_446 : i32
      %sign3A_448 = arith.extui %sign3A_447 : i1 to i32
      %sign3A_449 = arith.subi %sign3A_445, %sign3A_448 : i32
      %sign3A_450 = arith.constant 0 : i32
      %sign3A_451 = arith.cmpi sgt, %jit3A_441, %sign3A_450 : i32
      %sign3A_452 = arith.extui %sign3A_451 : i1 to i32
      %sign3A_453 = arith.constant 0 : i32
      %sign3A_454 = arith.cmpi slt, %jit3A_441, %sign3A_453 : i32
      %sign3A_455 = arith.extui %sign3A_454 : i1 to i32
      %sign3A_456 = arith.subi %sign3A_452, %sign3A_455 : i32
      %ne3A_457 = arith.cmpi ne, %sign3A_449, %sign3A_456 : i32
      %rem3A_458 = arith.remsi %add3A_436, %jit3A_441 : i32
      %ne3A_459 = arith.constant 0 : i32
      %ne3A_460 = arith.cmpi ne, %rem3A_458, %ne3A_459 : i32
      %and3A_461 = arith.andi %ne3A_457, %ne3A_460 : i1
      %sub3A_462 = arith.constant 1 : i32
      %sub3A_463 = arith.subi %div3A_442, %sub3A_462 : i32
      %select_n3A_464 = arith.select %and3A_461, %sub3A_463, %div3A_442 : i32
      %add3A_465 = arith.addi %mul3A_440, %select_n3A_464 : i32
      %dma_start3A_466 = arith.constant 0 : i32
      %dma_start3A_467 = tpu.memref_slice %arg10[%add3A_436, %dma_start3A_466] : memref<512x64xf32, #tpu.memory_space<vmem>> -> memref<1x64xf32, #tpu.memory_space<vmem>>
      %dma_start3A_468 = tpu.memref_squeeze %dma_start3A_467 : memref<1x64xf32, #tpu.memory_space<vmem>> -> memref<64xf32, #tpu.memory_space<vmem>>
      %dma_start3A_469 = arith.constant 0 : i32
      %dma_start3A_470 = tpu.memref_slice %arg7[%add3A_465, %squeeze3A_438, %dma_start3A_469] : memref<4096x200x64xf32, #tpu.memory_space<hbm>> -> memref<1x1x64xf32, #tpu.memory_space<hbm>>
      %dma_start3A_471 = tpu.memref_squeeze %dma_start3A_470 : memref<1x1x64xf32, #tpu.memory_space<hbm>> -> memref<64xf32, #tpu.memory_space<hbm>>
      %dma_start3A_472 = arith.constant 0 : i32
      %dma_start3A_473 = tpu.memref_slice %arg7[%add3A_465, %squeeze3A_438, %dma_start3A_472] : memref<4096x200x64xf32, #tpu.memory_space<hbm>> -> memref<1x1x64xf32, #tpu.memory_space<hbm>>
      %dma_start3A_474 = tpu.memref_squeeze %dma_start3A_473 : memref<1x1x64xf32, #tpu.memory_space<hbm>> -> memref<64xf32, #tpu.memory_space<hbm>>
      %dma_start3A_475 = arith.constant 0 : i32
      %dma_start3A_476 = tpu.memref_slice %arg10[%add3A_436, %dma_start3A_475] : memref<512x64xf32, #tpu.memory_space<vmem>> -> memref<1x64xf32, #tpu.memory_space<vmem>>
      %dma_start3A_477 = tpu.memref_squeeze %dma_start3A_476 : memref<1x64xf32, #tpu.memory_space<vmem>> -> memref<64xf32, #tpu.memory_space<vmem>>
      tpu.enqueue_dma source(%dma_start3A_477 : memref<64xf32, #tpu.memory_space<vmem>>) target(%dma_start3A_474 : memref<64xf32, #tpu.memory_space<hbm>>) target_semaphore(%arg15 : memref<!tpu.dma_semaphore, #tpu.memory_space<semaphore_mem>>)
      %mul3A_478 = arith.constant 16 : i32
      %mul3A_479 = arith.muli %add3A_304, %mul3A_478 : i32
      %add3A_480 = arith.constant 4 : i32
      %add3A_481 = arith.addi %mul3A_479, %add3A_480 : i32
      %slice3A_482 = vector.extract_strided_slice %get3A_307 {offsets = [4], sizes = [1], strides = [1]} : vector<16xi32> to vector<1xi32>
      %squeeze3A_483 = vector.extract %slice3A_482[0] : i32 from vector<1xi32>
      %mul3A_484 = arith.constant 128 : i32
      %mul3A_485 = arith.muli %add3A, %mul3A_484 : i32
      %jit3A_486 = arith.constant 4 : i32
      %div3A_487 = arith.divsi %add3A_481, %jit3A_486 : i32
      %sign3A_488 = arith.constant 0 : i32
      %sign3A_489 = arith.cmpi sgt, %add3A_481, %sign3A_488 : i32
      %sign3A_490 = arith.extui %sign3A_489 : i1 to i32
      %sign3A_491 = arith.constant 0 : i32
      %sign3A_492 = arith.cmpi slt, %add3A_481, %sign3A_491 : i32
      %sign3A_493 = arith.extui %sign3A_492 : i1 to i32
      %sign3A_494 = arith.subi %sign3A_490, %sign3A_493 : i32
      %sign3A_495 = arith.constant 0 : i32
      %sign3A_496 = arith.cmpi sgt, %jit3A_486, %sign3A_495 : i32
      %sign3A_497 = arith.extui %sign3A_496 : i1 to i32
      %sign3A_498 = arith.constant 0 : i32
      %sign3A_499 = arith.cmpi slt, %jit3A_486, %sign3A_498 : i32
      %sign3A_500 = arith.extui %sign3A_499 : i1 to i32
      %sign3A_501 = arith.subi %sign3A_497, %sign3A_500 : i32
      %ne3A_502 = arith.cmpi ne, %sign3A_494, %sign3A_501 : i32
      %rem3A_503 = arith.remsi %add3A_481, %jit3A_486 : i32
      %ne3A_504 = arith.constant 0 : i32
      %ne3A_505 = arith.cmpi ne, %rem3A_503, %ne3A_504 : i32
      %and3A_506 = arith.andi %ne3A_502, %ne3A_505 : i1
      %sub3A_507 = arith.constant 1 : i32
      %sub3A_508 = arith.subi %div3A_487, %sub3A_507 : i32
      %select_n3A_509 = arith.select %and3A_506, %sub3A_508, %div3A_487 : i32
      %add3A_510 = arith.addi %mul3A_485, %select_n3A_509 : i32
      %dma_start3A_511 = arith.constant 0 : i32
      %dma_start3A_512 = tpu.memref_slice %arg10[%add3A_481, %dma_start3A_511] : memref<512x64xf32, #tpu.memory_space<vmem>> -> memref<1x64xf32, #tpu.memory_space<vmem>>
      %dma_start3A_513 = tpu.memref_squeeze %dma_start3A_512 : memref<1x64xf32, #tpu.memory_space<vmem>> -> memref<64xf32, #tpu.memory_space<vmem>>
      %dma_start3A_514 = arith.constant 0 : i32
      %dma_start3A_515 = tpu.memref_slice %arg7[%add3A_510, %squeeze3A_483, %dma_start3A_514] : memref<4096x200x64xf32, #tpu.memory_space<hbm>> -> memref<1x1x64xf32, #tpu.memory_space<hbm>>
      %dma_start3A_516 = tpu.memref_squeeze %dma_start3A_515 : memref<1x1x64xf32, #tpu.memory_space<hbm>> -> memref<64xf32, #tpu.memory_space<hbm>>
      %dma_start3A_517 = arith.constant 0 : i32
      %dma_start3A_518 = tpu.memref_slice %arg7[%add3A_510, %squeeze3A_483, %dma_start3A_517] : memref<4096x200x64xf32, #tpu.memory_space<hbm>> -> memref<1x1x64xf32, #tpu.memory_space<hbm>>
      %dma_start3A_519 = tpu.memref_squeeze %dma_start3A_518 : memref<1x1x64xf32, #tpu.memory_space<hbm>> -> memref<64xf32, #tpu.memory_space<hbm>>
      %dma_start3A_520 = arith.constant 0 : i32
      %dma_start3A_521 = tpu.memref_slice %arg10[%add3A_481, %dma_start3A_520] : memref<512x64xf32, #tpu.memory_space<vmem>> -> memref<1x64xf32, #tpu.memory_space<vmem>>
      %dma_start3A_522 = tpu.memref_squeeze %dma_start3A_521 : memref<1x64xf32, #tpu.memory_space<vmem>> -> memref<64xf32, #tpu.memory_space<vmem>>
      tpu.enqueue_dma source(%dma_start3A_522 : memref<64xf32, #tpu.memory_space<vmem>>) target(%dma_start3A_519 : memref<64xf32, #tpu.memory_space<hbm>>) target_semaphore(%arg15 : memref<!tpu.dma_semaphore, #tpu.memory_space<semaphore_mem>>)
      %mul3A_523 = arith.constant 16 : i32
      %mul3A_524 = arith.muli %add3A_304, %mul3A_523 : i32
      %add3A_525 = arith.constant 5 : i32
      %add3A_526 = arith.addi %mul3A_524, %add3A_525 : i32
      %slice3A_527 = vector.extract_strided_slice %get3A_307 {offsets = [5], sizes = [1], strides = [1]} : vector<16xi32> to vector<1xi32>
      %squeeze3A_528 = vector.extract %slice3A_527[0] : i32 from vector<1xi32>
      %mul3A_529 = arith.constant 128 : i32
      %mul3A_530 = arith.muli %add3A, %mul3A_529 : i32
      %jit3A_531 = arith.constant 4 : i32
      %div3A_532 = arith.divsi %add3A_526, %jit3A_531 : i32
      %sign3A_533 = arith.constant 0 : i32
      %sign3A_534 = arith.cmpi sgt, %add3A_526, %sign3A_533 : i32
      %sign3A_535 = arith.extui %sign3A_534 : i1 to i32
      %sign3A_536 = arith.constant 0 : i32
      %sign3A_537 = arith.cmpi slt, %add3A_526, %sign3A_536 : i32
      %sign3A_538 = arith.extui %sign3A_537 : i1 to i32
      %sign3A_539 = arith.subi %sign3A_535, %sign3A_538 : i32
      %sign3A_540 = arith.constant 0 : i32
      %sign3A_541 = arith.cmpi sgt, %jit3A_531, %sign3A_540 : i32
      %sign3A_542 = arith.extui %sign3A_541 : i1 to i32
      %sign3A_543 = arith.constant 0 : i32
      %sign3A_544 = arith.cmpi slt, %jit3A_531, %sign3A_543 : i32
      %sign3A_545 = arith.extui %sign3A_544 : i1 to i32
      %sign3A_546 = arith.subi %sign3A_542, %sign3A_545 : i32
      %ne3A_547 = arith.cmpi ne, %sign3A_539, %sign3A_546 : i32
      %rem3A_548 = arith.remsi %add3A_526, %jit3A_531 : i32
      %ne3A_549 = arith.constant 0 : i32
      %ne3A_550 = arith.cmpi ne, %rem3A_548, %ne3A_549 : i32
      %and3A_551 = arith.andi %ne3A_547, %ne3A_550 : i1
      %sub3A_552 = arith.constant 1 : i32
      %sub3A_553 = arith.subi %div3A_532, %sub3A_552 : i32
      %select_n3A_554 = arith.select %and3A_551, %sub3A_553, %div3A_532 : i32
      %add3A_555 = arith.addi %mul3A_530, %select_n3A_554 : i32
      %dma_start3A_556 = arith.constant 0 : i32
      %dma_start3A_557 = tpu.memref_slice %arg10[%add3A_526, %dma_start3A_556] : memref<512x64xf32, #tpu.memory_space<vmem>> -> memref<1x64xf32, #tpu.memory_space<vmem>>
      %dma_start3A_558 = tpu.memref_squeeze %dma_start3A_557 : memref<1x64xf32, #tpu.memory_space<vmem>> -> memref<64xf32, #tpu.memory_space<vmem>>
      %dma_start3A_559 = arith.constant 0 : i32
      %dma_start3A_560 = tpu.memref_slice %arg7[%add3A_555, %squeeze3A_528, %dma_start3A_559] : memref<4096x200x64xf32, #tpu.memory_space<hbm>> -> memref<1x1x64xf32, #tpu.memory_space<hbm>>
      %dma_start3A_561 = tpu.memref_squeeze %dma_start3A_560 : memref<1x1x64xf32, #tpu.memory_space<hbm>> -> memref<64xf32, #tpu.memory_space<hbm>>
      %dma_start3A_562 = arith.constant 0 : i32
      %dma_start3A_563 = tpu.memref_slice %arg7[%add3A_555, %squeeze3A_528, %dma_start3A_562] : memref<4096x200x64xf32, #tpu.memory_space<hbm>> -> memref<1x1x64xf32, #tpu.memory_space<hbm>>
      %dma_start3A_564 = tpu.memref_squeeze %dma_start3A_563 : memref<1x1x64xf32, #tpu.memory_space<hbm>> -> memref<64xf32, #tpu.memory_space<hbm>>
      %dma_start3A_565 = arith.constant 0 : i32
      %dma_start3A_566 = tpu.memref_slice %arg10[%add3A_526, %dma_start3A_565] : memref<512x64xf32, #tpu.memory_space<vmem>> -> memref<1x64xf32, #tpu.memory_space<vmem>>
      %dma_start3A_567 = tpu.memref_squeeze %dma_start3A_566 : memref<1x64xf32, #tpu.memory_space<vmem>> -> memref<64xf32, #tpu.memory_space<vmem>>
      tpu.enqueue_dma source(%dma_start3A_567 : memref<64xf32, #tpu.memory_space<vmem>>) target(%dma_start3A_564 : memref<64xf32, #tpu.memory_space<hbm>>) target_semaphore(%arg15 : memref<!tpu.dma_semaphore, #tpu.memory_space<semaphore_mem>>)
      %mul3A_568 = arith.constant 16 : i32
      %mul3A_569 = arith.muli %add3A_304, %mul3A_568 : i32
      %add3A_570 = arith.constant 6 : i32
      %add3A_571 = arith.addi %mul3A_569, %add3A_570 : i32
      %slice3A_572 = vector.extract_strided_slice %get3A_307 {offsets = [6], sizes = [1], strides = [1]} : vector<16xi32> to vector<1xi32>
      %squeeze3A_573 = vector.extract %slice3A_572[0] : i32 from vector<1xi32>
      %mul3A_574 = arith.constant 128 : i32
      %mul3A_575 = arith.muli %add3A, %mul3A_574 : i32
      %jit3A_576 = arith.constant 4 : i32
      %div3A_577 = arith.divsi %add3A_571, %jit3A_576 : i32
      %sign3A_578 = arith.constant 0 : i32
      %sign3A_579 = arith.cmpi sgt, %add3A_571, %sign3A_578 : i32
      %sign3A_580 = arith.extui %sign3A_579 : i1 to i32
      %sign3A_581 = arith.constant 0 : i32
      %sign3A_582 = arith.cmpi slt, %add3A_571, %sign3A_581 : i32
      %sign3A_583 = arith.extui %sign3A_582 : i1 to i32
      %sign3A_584 = arith.subi %sign3A_580, %sign3A_583 : i32
      %sign3A_585 = arith.constant 0 : i32
      %sign3A_586 = arith.cmpi sgt, %jit3A_576, %sign3A_585 : i32
      %sign3A_587 = arith.extui %sign3A_586 : i1 to i32
      %sign3A_588 = arith.constant 0 : i32
      %sign3A_589 = arith.cmpi slt, %jit3A_576, %sign3A_588 : i32
      %sign3A_590 = arith.extui %sign3A_589 : i1 to i32
      %sign3A_591 = arith.subi %sign3A_587, %sign3A_590 : i32
      %ne3A_592 = arith.cmpi ne, %sign3A_584, %sign3A_591 : i32
      %rem3A_593 = arith.remsi %add3A_571, %jit3A_576 : i32
      %ne3A_594 = arith.constant 0 : i32
      %ne3A_595 = arith.cmpi ne, %rem3A_593, %ne3A_594 : i32
      %and3A_596 = arith.andi %ne3A_592, %ne3A_595 : i1
      %sub3A_597 = arith.constant 1 : i32
      %sub3A_598 = arith.subi %div3A_577, %sub3A_597 : i32
      %select_n3A_599 = arith.select %and3A_596, %sub3A_598, %div3A_577 : i32
      %add3A_600 = arith.addi %mul3A_575, %select_n3A_599 : i32
      %dma_start3A_601 = arith.constant 0 : i32
      %dma_start3A_602 = tpu.memref_slice %arg10[%add3A_571, %dma_start3A_601] : memref<512x64xf32, #tpu.memory_space<vmem>> -> memref<1x64xf32, #tpu.memory_space<vmem>>
      %dma_start3A_603 = tpu.memref_squeeze %dma_start3A_602 : memref<1x64xf32, #tpu.memory_space<vmem>> -> memref<64xf32, #tpu.memory_space<vmem>>
      %dma_start3A_604 = arith.constant 0 : i32
      %dma_start3A_605 = tpu.memref_slice %arg7[%add3A_600, %squeeze3A_573, %dma_start3A_604] : memref<4096x200x64xf32, #tpu.memory_space<hbm>> -> memref<1x1x64xf32, #tpu.memory_space<hbm>>
      %dma_start3A_606 = tpu.memref_squeeze %dma_start3A_605 : memref<1x1x64xf32, #tpu.memory_space<hbm>> -> memref<64xf32, #tpu.memory_space<hbm>>
      %dma_start3A_607 = arith.constant 0 : i32
      %dma_start3A_608 = tpu.memref_slice %arg7[%add3A_600, %squeeze3A_573, %dma_start3A_607] : memref<4096x200x64xf32, #tpu.memory_space<hbm>> -> memref<1x1x64xf32, #tpu.memory_space<hbm>>
      %dma_start3A_609 = tpu.memref_squeeze %dma_start3A_608 : memref<1x1x64xf32, #tpu.memory_space<hbm>> -> memref<64xf32, #tpu.memory_space<hbm>>
      %dma_start3A_610 = arith.constant 0 : i32
      %dma_start3A_611 = tpu.memref_slice %arg10[%add3A_571, %dma_start3A_610] : memref<512x64xf32, #tpu.memory_space<vmem>> -> memref<1x64xf32, #tpu.memory_space<vmem>>
      %dma_start3A_612 = tpu.memref_squeeze %dma_start3A_611 : memref<1x64xf32, #tpu.memory_space<vmem>> -> memref<64xf32, #tpu.memory_space<vmem>>
      tpu.enqueue_dma source(%dma_start3A_612 : memref<64xf32, #tpu.memory_space<vmem>>) target(%dma_start3A_609 : memref<64xf32, #tpu.memory_space<hbm>>) target_semaphore(%arg15 : memref<!tpu.dma_semaphore, #tpu.memory_space<semaphore_mem>>)
      %mul3A_613 = arith.constant 16 : i32
      %mul3A_614 = arith.muli %add3A_304, %mul3A_613 : i32
      %add3A_615 = arith.constant 7 : i32
      %add3A_616 = arith.addi %mul3A_614, %add3A_615 : i32
      %slice3A_617 = vector.extract_strided_slice %get3A_307 {offsets = [7], sizes = [1], strides = [1]} : vector<16xi32> to vector<1xi32>
      %squeeze3A_618 = vector.extract %slice3A_617[0] : i32 from vector<1xi32>
      %mul3A_619 = arith.constant 128 : i32
      %mul3A_620 = arith.muli %add3A, %mul3A_619 : i32
      %jit3A_621 = arith.constant 4 : i32
      %div3A_622 = arith.divsi %add3A_616, %jit3A_621 : i32
      %sign3A_623 = arith.constant 0 : i32
      %sign3A_624 = arith.cmpi sgt, %add3A_616, %sign3A_623 : i32
      %sign3A_625 = arith.extui %sign3A_624 : i1 to i32
      %sign3A_626 = arith.constant 0 : i32
      %sign3A_627 = arith.cmpi slt, %add3A_616, %sign3A_626 : i32
      %sign3A_628 = arith.extui %sign3A_627 : i1 to i32
      %sign3A_629 = arith.subi %sign3A_625, %sign3A_628 : i32
      %sign3A_630 = arith.constant 0 : i32
      %sign3A_631 = arith.cmpi sgt, %jit3A_621, %sign3A_630 : i32
      %sign3A_632 = arith.extui %sign3A_631 : i1 to i32
      %sign3A_633 = arith.constant 0 : i32
      %sign3A_634 = arith.cmpi slt, %jit3A_621, %sign3A_633 : i32
      %sign3A_635 = arith.extui %sign3A_634 : i1 to i32
      %sign3A_636 = arith.subi %sign3A_632, %sign3A_635 : i32
      %ne3A_637 = arith.cmpi ne, %sign3A_629, %sign3A_636 : i32
      %rem3A_638 = arith.remsi %add3A_616, %jit3A_621 : i32
      %ne3A_639 = arith.constant 0 : i32
      %ne3A_640 = arith.cmpi ne, %rem3A_638, %ne3A_639 : i32
      %and3A_641 = arith.andi %ne3A_637, %ne3A_640 : i1
      %sub3A_642 = arith.constant 1 : i32
      %sub3A_643 = arith.subi %div3A_622, %sub3A_642 : i32
      %select_n3A_644 = arith.select %and3A_641, %sub3A_643, %div3A_622 : i32
      %add3A_645 = arith.addi %mul3A_620, %select_n3A_644 : i32
      %dma_start3A_646 = arith.constant 0 : i32
      %dma_start3A_647 = tpu.memref_slice %arg10[%add3A_616, %dma_start3A_646] : memref<512x64xf32, #tpu.memory_space<vmem>> -> memref<1x64xf32, #tpu.memory_space<vmem>>
      %dma_start3A_648 = tpu.memref_squeeze %dma_start3A_647 : memref<1x64xf32, #tpu.memory_space<vmem>> -> memref<64xf32, #tpu.memory_space<vmem>>
      %dma_start3A_649 = arith.constant 0 : i32
      %dma_start3A_650 = tpu.memref_slice %arg7[%add3A_645, %squeeze3A_618, %dma_start3A_649] : memref<4096x200x64xf32, #tpu.memory_space<hbm>> -> memref<1x1x64xf32, #tpu.memory_space<hbm>>
      %dma_start3A_651 = tpu.memref_squeeze %dma_start3A_650 : memref<1x1x64xf32, #tpu.memory_space<hbm>> -> memref<64xf32, #tpu.memory_space<hbm>>
      %dma_start3A_652 = arith.constant 0 : i32
      %dma_start3A_653 = tpu.memref_slice %arg7[%add3A_645, %squeeze3A_618, %dma_start3A_652] : memref<4096x200x64xf32, #tpu.memory_space<hbm>> -> memref<1x1x64xf32, #tpu.memory_space<hbm>>
      %dma_start3A_654 = tpu.memref_squeeze %dma_start3A_653 : memref<1x1x64xf32, #tpu.memory_space<hbm>> -> memref<64xf32, #tpu.memory_space<hbm>>
      %dma_start3A_655 = arith.constant 0 : i32
      %dma_start3A_656 = tpu.memref_slice %arg10[%add3A_616, %dma_start3A_655] : memref<512x64xf32, #tpu.memory_space<vmem>> -> memref<1x64xf32, #tpu.memory_space<vmem>>
      %dma_start3A_657 = tpu.memref_squeeze %dma_start3A_656 : memref<1x64xf32, #tpu.memory_space<vmem>> -> memref<64xf32, #tpu.memory_space<vmem>>
      tpu.enqueue_dma source(%dma_start3A_657 : memref<64xf32, #tpu.memory_space<vmem>>) target(%dma_start3A_654 : memref<64xf32, #tpu.memory_space<hbm>>) target_semaphore(%arg15 : memref<!tpu.dma_semaphore, #tpu.memory_space<semaphore_mem>>)
      %mul3A_658 = arith.constant 16 : i32
      %mul3A_659 = arith.muli %add3A_304, %mul3A_658 : i32
      %add3A_660 = arith.constant 8 : i32
      %add3A_661 = arith.addi %mul3A_659, %add3A_660 : i32
      %slice3A_662 = vector.extract_strided_slice %get3A_307 {offsets = [8], sizes = [1], strides = [1]} : vector<16xi32> to vector<1xi32>
      %squeeze3A_663 = vector.extract %slice3A_662[0] : i32 from vector<1xi32>
      %mul3A_664 = arith.constant 128 : i32
      %mul3A_665 = arith.muli %add3A, %mul3A_664 : i32
      %jit3A_666 = arith.constant 4 : i32
      %div3A_667 = arith.divsi %add3A_661, %jit3A_666 : i32
      %sign3A_668 = arith.constant 0 : i32
      %sign3A_669 = arith.cmpi sgt, %add3A_661, %sign3A_668 : i32
      %sign3A_670 = arith.extui %sign3A_669 : i1 to i32
      %sign3A_671 = arith.constant 0 : i32
      %sign3A_672 = arith.cmpi slt, %add3A_661, %sign3A_671 : i32
      %sign3A_673 = arith.extui %sign3A_672 : i1 to i32
      %sign3A_674 = arith.subi %sign3A_670, %sign3A_673 : i32
      %sign3A_675 = arith.constant 0 : i32
      %sign3A_676 = arith.cmpi sgt, %jit3A_666, %sign3A_675 : i32
      %sign3A_677 = arith.extui %sign3A_676 : i1 to i32
      %sign3A_678 = arith.constant 0 : i32
      %sign3A_679 = arith.cmpi slt, %jit3A_666, %sign3A_678 : i32
      %sign3A_680 = arith.extui %sign3A_679 : i1 to i32
      %sign3A_681 = arith.subi %sign3A_677, %sign3A_680 : i32
      %ne3A_682 = arith.cmpi ne, %sign3A_674, %sign3A_681 : i32
      %rem3A_683 = arith.remsi %add3A_661, %jit3A_666 : i32
      %ne3A_684 = arith.constant 0 : i32
      %ne3A_685 = arith.cmpi ne, %rem3A_683, %ne3A_684 : i32
      %and3A_686 = arith.andi %ne3A_682, %ne3A_685 : i1
      %sub3A_687 = arith.constant 1 : i32
      %sub3A_688 = arith.subi %div3A_667, %sub3A_687 : i32
      %select_n3A_689 = arith.select %and3A_686, %sub3A_688, %div3A_667 : i32
      %add3A_690 = arith.addi %mul3A_665, %select_n3A_689 : i32
      %dma_start3A_691 = arith.constant 0 : i32
      %dma_start3A_692 = tpu.memref_slice %arg10[%add3A_661, %dma_start3A_691] : memref<512x64xf32, #tpu.memory_space<vmem>> -> memref<1x64xf32, #tpu.memory_space<vmem>>
      %dma_start3A_693 = tpu.memref_squeeze %dma_start3A_692 : memref<1x64xf32, #tpu.memory_space<vmem>> -> memref<64xf32, #tpu.memory_space<vmem>>
      %dma_start3A_694 = arith.constant 0 : i32
      %dma_start3A_695 = tpu.memref_slice %arg7[%add3A_690, %squeeze3A_663, %dma_start3A_694] : memref<4096x200x64xf32, #tpu.memory_space<hbm>> -> memref<1x1x64xf32, #tpu.memory_space<hbm>>
      %dma_start3A_696 = tpu.memref_squeeze %dma_start3A_695 : memref<1x1x64xf32, #tpu.memory_space<hbm>> -> memref<64xf32, #tpu.memory_space<hbm>>
      %dma_start3A_697 = arith.constant 0 : i32
      %dma_start3A_698 = tpu.memref_slice %arg7[%add3A_690, %squeeze3A_663, %dma_start3A_697] : memref<4096x200x64xf32, #tpu.memory_space<hbm>> -> memref<1x1x64xf32, #tpu.memory_space<hbm>>
      %dma_start3A_699 = tpu.memref_squeeze %dma_start3A_698 : memref<1x1x64xf32, #tpu.memory_space<hbm>> -> memref<64xf32, #tpu.memory_space<hbm>>
      %dma_start3A_700 = arith.constant 0 : i32
      %dma_start3A_701 = tpu.memref_slice %arg10[%add3A_661, %dma_start3A_700] : memref<512x64xf32, #tpu.memory_space<vmem>> -> memref<1x64xf32, #tpu.memory_space<vmem>>
      %dma_start3A_702 = tpu.memref_squeeze %dma_start3A_701 : memref<1x64xf32, #tpu.memory_space<vmem>> -> memref<64xf32, #tpu.memory_space<vmem>>
      tpu.enqueue_dma source(%dma_start3A_702 : memref<64xf32, #tpu.memory_space<vmem>>) target(%dma_start3A_699 : memref<64xf32, #tpu.memory_space<hbm>>) target_semaphore(%arg15 : memref<!tpu.dma_semaphore, #tpu.memory_space<semaphore_mem>>)
      %mul3A_703 = arith.constant 16 : i32
      %mul3A_704 = arith.muli %add3A_304, %mul3A_703 : i32
      %add3A_705 = arith.constant 9 : i32
      %add3A_706 = arith.addi %mul3A_704, %add3A_705 : i32
      %slice3A_707 = vector.extract_strided_slice %get3A_307 {offsets = [9], sizes = [1], strides = [1]} : vector<16xi32> to vector<1xi32>
      %squeeze3A_708 = vector.extract %slice3A_707[0] : i32 from vector<1xi32>
      %mul3A_709 = arith.constant 128 : i32
      %mul3A_710 = arith.muli %add3A, %mul3A_709 : i32
      %jit3A_711 = arith.constant 4 : i32
      %div3A_712 = arith.divsi %add3A_706, %jit3A_711 : i32
      %sign3A_713 = arith.constant 0 : i32
      %sign3A_714 = arith.cmpi sgt, %add3A_706, %sign3A_713 : i32
      %sign3A_715 = arith.extui %sign3A_714 : i1 to i32
      %sign3A_716 = arith.constant 0 : i32
      %sign3A_717 = arith.cmpi slt, %add3A_706, %sign3A_716 : i32
      %sign3A_718 = arith.extui %sign3A_717 : i1 to i32
      %sign3A_719 = arith.subi %sign3A_715, %sign3A_718 : i32
      %sign3A_720 = arith.constant 0 : i32
      %sign3A_721 = arith.cmpi sgt, %jit3A_711, %sign3A_720 : i32
      %sign3A_722 = arith.extui %sign3A_721 : i1 to i32
      %sign3A_723 = arith.constant 0 : i32
      %sign3A_724 = arith.cmpi slt, %jit3A_711, %sign3A_723 : i32
      %sign3A_725 = arith.extui %sign3A_724 : i1 to i32
      %sign3A_726 = arith.subi %sign3A_722, %sign3A_725 : i32
      %ne3A_727 = arith.cmpi ne, %sign3A_719, %sign3A_726 : i32
      %rem3A_728 = arith.remsi %add3A_706, %jit3A_711 : i32
      %ne3A_729 = arith.constant 0 : i32
      %ne3A_730 = arith.cmpi ne, %rem3A_728, %ne3A_729 : i32
      %and3A_731 = arith.andi %ne3A_727, %ne3A_730 : i1
      %sub3A_732 = arith.constant 1 : i32
      %sub3A_733 = arith.subi %div3A_712, %sub3A_732 : i32
      %select_n3A_734 = arith.select %and3A_731, %sub3A_733, %div3A_712 : i32
      %add3A_735 = arith.addi %mul3A_710, %select_n3A_734 : i32
      %dma_start3A_736 = arith.constant 0 : i32
      %dma_start3A_737 = tpu.memref_slice %arg10[%add3A_706, %dma_start3A_736] : memref<512x64xf32, #tpu.memory_space<vmem>> -> memref<1x64xf32, #tpu.memory_space<vmem>>
      %dma_start3A_738 = tpu.memref_squeeze %dma_start3A_737 : memref<1x64xf32, #tpu.memory_space<vmem>> -> memref<64xf32, #tpu.memory_space<vmem>>
      %dma_start3A_739 = arith.constant 0 : i32
      %dma_start3A_740 = tpu.memref_slice %arg7[%add3A_735, %squeeze3A_708, %dma_start3A_739] : memref<4096x200x64xf32, #tpu.memory_space<hbm>> -> memref<1x1x64xf32, #tpu.memory_space<hbm>>
      %dma_start3A_741 = tpu.memref_squeeze %dma_start3A_740 : memref<1x1x64xf32, #tpu.memory_space<hbm>> -> memref<64xf32, #tpu.memory_space<hbm>>
      %dma_start3A_742 = arith.constant 0 : i32
      %dma_start3A_743 = tpu.memref_slice %arg7[%add3A_735, %squeeze3A_708, %dma_start3A_742] : memref<4096x200x64xf32, #tpu.memory_space<hbm>> -> memref<1x1x64xf32, #tpu.memory_space<hbm>>
      %dma_start3A_744 = tpu.memref_squeeze %dma_start3A_743 : memref<1x1x64xf32, #tpu.memory_space<hbm>> -> memref<64xf32, #tpu.memory_space<hbm>>
      %dma_start3A_745 = arith.constant 0 : i32
      %dma_start3A_746 = tpu.memref_slice %arg10[%add3A_706, %dma_start3A_745] : memref<512x64xf32, #tpu.memory_space<vmem>> -> memref<1x64xf32, #tpu.memory_space<vmem>>
      %dma_start3A_747 = tpu.memref_squeeze %dma_start3A_746 : memref<1x64xf32, #tpu.memory_space<vmem>> -> memref<64xf32, #tpu.memory_space<vmem>>
      tpu.enqueue_dma source(%dma_start3A_747 : memref<64xf32, #tpu.memory_space<vmem>>) target(%dma_start3A_744 : memref<64xf32, #tpu.memory_space<hbm>>) target_semaphore(%arg15 : memref<!tpu.dma_semaphore, #tpu.memory_space<semaphore_mem>>)
      %mul3A_748 = arith.constant 16 : i32
      %mul3A_749 = arith.muli %add3A_304, %mul3A_748 : i32
      %add3A_750 = arith.constant 10 : i32
      %add3A_751 = arith.addi %mul3A_749, %add3A_750 : i32
      %slice3A_752 = vector.extract_strided_slice %get3A_307 {offsets = [10], sizes = [1], strides = [1]} : vector<16xi32> to vector<1xi32>
      %squeeze3A_753 = vector.extract %slice3A_752[0] : i32 from vector<1xi32>
      %mul3A_754 = arith.constant 128 : i32
      %mul3A_755 = arith.muli %add3A, %mul3A_754 : i32
      %jit3A_756 = arith.constant 4 : i32
      %div3A_757 = arith.divsi %add3A_751, %jit3A_756 : i32
      %sign3A_758 = arith.constant 0 : i32
      %sign3A_759 = arith.cmpi sgt, %add3A_751, %sign3A_758 : i32
      %sign3A_760 = arith.extui %sign3A_759 : i1 to i32
      %sign3A_761 = arith.constant 0 : i32
      %sign3A_762 = arith.cmpi slt, %add3A_751, %sign3A_761 : i32
      %sign3A_763 = arith.extui %sign3A_762 : i1 to i32
      %sign3A_764 = arith.subi %sign3A_760, %sign3A_763 : i32
      %sign3A_765 = arith.constant 0 : i32
      %sign3A_766 = arith.cmpi sgt, %jit3A_756, %sign3A_765 : i32
      %sign3A_767 = arith.extui %sign3A_766 : i1 to i32
      %sign3A_768 = arith.constant 0 : i32
      %sign3A_769 = arith.cmpi slt, %jit3A_756, %sign3A_768 : i32
      %sign3A_770 = arith.extui %sign3A_769 : i1 to i32
      %sign3A_771 = arith.subi %sign3A_767, %sign3A_770 : i32
      %ne3A_772 = arith.cmpi ne, %sign3A_764, %sign3A_771 : i32
      %rem3A_773 = arith.remsi %add3A_751, %jit3A_756 : i32
      %ne3A_774 = arith.constant 0 : i32
      %ne3A_775 = arith.cmpi ne, %rem3A_773, %ne3A_774 : i32
      %and3A_776 = arith.andi %ne3A_772, %ne3A_775 : i1
      %sub3A_777 = arith.constant 1 : i32
      %sub3A_778 = arith.subi %div3A_757, %sub3A_777 : i32
      %select_n3A_779 = arith.select %and3A_776, %sub3A_778, %div3A_757 : i32
      %add3A_780 = arith.addi %mul3A_755, %select_n3A_779 : i32
      %dma_start3A_781 = arith.constant 0 : i32
      %dma_start3A_782 = tpu.memref_slice %arg10[%add3A_751, %dma_start3A_781] : memref<512x64xf32, #tpu.memory_space<vmem>> -> memref<1x64xf32, #tpu.memory_space<vmem>>
      %dma_start3A_783 = tpu.memref_squeeze %dma_start3A_782 : memref<1x64xf32, #tpu.memory_space<vmem>> -> memref<64xf32, #tpu.memory_space<vmem>>
      %dma_start3A_784 = arith.constant 0 : i32
      %dma_start3A_785 = tpu.memref_slice %arg7[%add3A_780, %squeeze3A_753, %dma_start3A_784] : memref<4096x200x64xf32, #tpu.memory_space<hbm>> -> memref<1x1x64xf32, #tpu.memory_space<hbm>>
      %dma_start3A_786 = tpu.memref_squeeze %dma_start3A_785 : memref<1x1x64xf32, #tpu.memory_space<hbm>> -> memref<64xf32, #tpu.memory_space<hbm>>
      %dma_start3A_787 = arith.constant 0 : i32
      %dma_start3A_788 = tpu.memref_slice %arg7[%add3A_780, %squeeze3A_753, %dma_start3A_787] : memref<4096x200x64xf32, #tpu.memory_space<hbm>> -> memref<1x1x64xf32, #tpu.memory_space<hbm>>
      %dma_start3A_789 = tpu.memref_squeeze %dma_start3A_788 : memref<1x1x64xf32, #tpu.memory_space<hbm>> -> memref<64xf32, #tpu.memory_space<hbm>>
      %dma_start3A_790 = arith.constant 0 : i32
      %dma_start3A_791 = tpu.memref_slice %arg10[%add3A_751, %dma_start3A_790] : memref<512x64xf32, #tpu.memory_space<vmem>> -> memref<1x64xf32, #tpu.memory_space<vmem>>
      %dma_start3A_792 = tpu.memref_squeeze %dma_start3A_791 : memref<1x64xf32, #tpu.memory_space<vmem>> -> memref<64xf32, #tpu.memory_space<vmem>>
      tpu.enqueue_dma source(%dma_start3A_792 : memref<64xf32, #tpu.memory_space<vmem>>) target(%dma_start3A_789 : memref<64xf32, #tpu.memory_space<hbm>>) target_semaphore(%arg15 : memref<!tpu.dma_semaphore, #tpu.memory_space<semaphore_mem>>)
      %mul3A_793 = arith.constant 16 : i32
      %mul3A_794 = arith.muli %add3A_304, %mul3A_793 : i32
      %add3A_795 = arith.constant 11 : i32
      %add3A_796 = arith.addi %mul3A_794, %add3A_795 : i32
      %slice3A_797 = vector.extract_strided_slice %get3A_307 {offsets = [11], sizes = [1], strides = [1]} : vector<16xi32> to vector<1xi32>
      %squeeze3A_798 = vector.extract %slice3A_797[0] : i32 from vector<1xi32>
      %mul3A_799 = arith.constant 128 : i32
      %mul3A_800 = arith.muli %add3A, %mul3A_799 : i32
      %jit3A_801 = arith.constant 4 : i32
      %div3A_802 = arith.divsi %add3A_796, %jit3A_801 : i32
      %sign3A_803 = arith.constant 0 : i32
      %sign3A_804 = arith.cmpi sgt, %add3A_796, %sign3A_803 : i32
      %sign3A_805 = arith.extui %sign3A_804 : i1 to i32
      %sign3A_806 = arith.constant 0 : i32
      %sign3A_807 = arith.cmpi slt, %add3A_796, %sign3A_806 : i32
      %sign3A_808 = arith.extui %sign3A_807 : i1 to i32
      %sign3A_809 = arith.subi %sign3A_805, %sign3A_808 : i32
      %sign3A_810 = arith.constant 0 : i32
      %sign3A_811 = arith.cmpi sgt, %jit3A_801, %sign3A_810 : i32
      %sign3A_812 = arith.extui %sign3A_811 : i1 to i32
      %sign3A_813 = arith.constant 0 : i32
      %sign3A_814 = arith.cmpi slt, %jit3A_801, %sign3A_813 : i32
      %sign3A_815 = arith.extui %sign3A_814 : i1 to i32
      %sign3A_816 = arith.subi %sign3A_812, %sign3A_815 : i32
      %ne3A_817 = arith.cmpi ne, %sign3A_809, %sign3A_816 : i32
      %rem3A_818 = arith.remsi %add3A_796, %jit3A_801 : i32
      %ne3A_819 = arith.constant 0 : i32
      %ne3A_820 = arith.cmpi ne, %rem3A_818, %ne3A_819 : i32
      %and3A_821 = arith.andi %ne3A_817, %ne3A_820 : i1
      %sub3A_822 = arith.constant 1 : i32
      %sub3A_823 = arith.subi %div3A_802, %sub3A_822 : i32
      %select_n3A_824 = arith.select %and3A_821, %sub3A_823, %div3A_802 : i32
      %add3A_825 = arith.addi %mul3A_800, %select_n3A_824 : i32
      %dma_start3A_826 = arith.constant 0 : i32
      %dma_start3A_827 = tpu.memref_slice %arg10[%add3A_796, %dma_start3A_826] : memref<512x64xf32, #tpu.memory_space<vmem>> -> memref<1x64xf32, #tpu.memory_space<vmem>>
      %dma_start3A_828 = tpu.memref_squeeze %dma_start3A_827 : memref<1x64xf32, #tpu.memory_space<vmem>> -> memref<64xf32, #tpu.memory_space<vmem>>
      %dma_start3A_829 = arith.constant 0 : i32
      %dma_start3A_830 = tpu.memref_slice %arg7[%add3A_825, %squeeze3A_798, %dma_start3A_829] : memref<4096x200x64xf32, #tpu.memory_space<hbm>> -> memref<1x1x64xf32, #tpu.memory_space<hbm>>
      %dma_start3A_831 = tpu.memref_squeeze %dma_start3A_830 : memref<1x1x64xf32, #tpu.memory_space<hbm>> -> memref<64xf32, #tpu.memory_space<hbm>>
      %dma_start3A_832 = arith.constant 0 : i32
      %dma_start3A_833 = tpu.memref_slice %arg7[%add3A_825, %squeeze3A_798, %dma_start3A_832] : memref<4096x200x64xf32, #tpu.memory_space<hbm>> -> memref<1x1x64xf32, #tpu.memory_space<hbm>>
      %dma_start3A_834 = tpu.memref_squeeze %dma_start3A_833 : memref<1x1x64xf32, #tpu.memory_space<hbm>> -> memref<64xf32, #tpu.memory_space<hbm>>
      %dma_start3A_835 = arith.constant 0 : i32
      %dma_start3A_836 = tpu.memref_slice %arg10[%add3A_796, %dma_start3A_835] : memref<512x64xf32, #tpu.memory_space<vmem>> -> memref<1x64xf32, #tpu.memory_space<vmem>>
      %dma_start3A_837 = tpu.memref_squeeze %dma_start3A_836 : memref<1x64xf32, #tpu.memory_space<vmem>> -> memref<64xf32, #tpu.memory_space<vmem>>
      tpu.enqueue_dma source(%dma_start3A_837 : memref<64xf32, #tpu.memory_space<vmem>>) target(%dma_start3A_834 : memref<64xf32, #tpu.memory_space<hbm>>) target_semaphore(%arg15 : memref<!tpu.dma_semaphore, #tpu.memory_space<semaphore_mem>>)
      %mul3A_838 = arith.constant 16 : i32
      %mul3A_839 = arith.muli %add3A_304, %mul3A_838 : i32
      %add3A_840 = arith.constant 12 : i32
      %add3A_841 = arith.addi %mul3A_839, %add3A_840 : i32
      %slice3A_842 = vector.extract_strided_slice %get3A_307 {offsets = [12], sizes = [1], strides = [1]} : vector<16xi32> to vector<1xi32>
      %squeeze3A_843 = vector.extract %slice3A_842[0] : i32 from vector<1xi32>
      %mul3A_844 = arith.constant 128 : i32
      %mul3A_845 = arith.muli %add3A, %mul3A_844 : i32
      %jit3A_846 = arith.constant 4 : i32
      %div3A_847 = arith.divsi %add3A_841, %jit3A_846 : i32
      %sign3A_848 = arith.constant 0 : i32
      %sign3A_849 = arith.cmpi sgt, %add3A_841, %sign3A_848 : i32
      %sign3A_850 = arith.extui %sign3A_849 : i1 to i32
      %sign3A_851 = arith.constant 0 : i32
      %sign3A_852 = arith.cmpi slt, %add3A_841, %sign3A_851 : i32
      %sign3A_853 = arith.extui %sign3A_852 : i1 to i32
      %sign3A_854 = arith.subi %sign3A_850, %sign3A_853 : i32
      %sign3A_855 = arith.constant 0 : i32
      %sign3A_856 = arith.cmpi sgt, %jit3A_846, %sign3A_855 : i32
      %sign3A_857 = arith.extui %sign3A_856 : i1 to i32
      %sign3A_858 = arith.constant 0 : i32
      %sign3A_859 = arith.cmpi slt, %jit3A_846, %sign3A_858 : i32
      %sign3A_860 = arith.extui %sign3A_859 : i1 to i32
      %sign3A_861 = arith.subi %sign3A_857, %sign3A_860 : i32
      %ne3A_862 = arith.cmpi ne, %sign3A_854, %sign3A_861 : i32
      %rem3A_863 = arith.remsi %add3A_841, %jit3A_846 : i32
      %ne3A_864 = arith.constant 0 : i32
      %ne3A_865 = arith.cmpi ne, %rem3A_863, %ne3A_864 : i32
      %and3A_866 = arith.andi %ne3A_862, %ne3A_865 : i1
      %sub3A_867 = arith.constant 1 : i32
      %sub3A_868 = arith.subi %div3A_847, %sub3A_867 : i32
      %select_n3A_869 = arith.select %and3A_866, %sub3A_868, %div3A_847 : i32
      %add3A_870 = arith.addi %mul3A_845, %select_n3A_869 : i32
      %dma_start3A_871 = arith.constant 0 : i32
      %dma_start3A_872 = tpu.memref_slice %arg10[%add3A_841, %dma_start3A_871] : memref<512x64xf32, #tpu.memory_space<vmem>> -> memref<1x64xf32, #tpu.memory_space<vmem>>
      %dma_start3A_873 = tpu.memref_squeeze %dma_start3A_872 : memref<1x64xf32, #tpu.memory_space<vmem>> -> memref<64xf32, #tpu.memory_space<vmem>>
      %dma_start3A_874 = arith.constant 0 : i32
      %dma_start3A_875 = tpu.memref_slice %arg7[%add3A_870, %squeeze3A_843, %dma_start3A_874] : memref<4096x200x64xf32, #tpu.memory_space<hbm>> -> memref<1x1x64xf32, #tpu.memory_space<hbm>>
      %dma_start3A_876 = tpu.memref_squeeze %dma_start3A_875 : memref<1x1x64xf32, #tpu.memory_space<hbm>> -> memref<64xf32, #tpu.memory_space<hbm>>
      %dma_start3A_877 = arith.constant 0 : i32
      %dma_start3A_878 = tpu.memref_slice %arg7[%add3A_870, %squeeze3A_843, %dma_start3A_877] : memref<4096x200x64xf32, #tpu.memory_space<hbm>> -> memref<1x1x64xf32, #tpu.memory_space<hbm>>
      %dma_start3A_879 = tpu.memref_squeeze %dma_start3A_878 : memref<1x1x64xf32, #tpu.memory_space<hbm>> -> memref<64xf32, #tpu.memory_space<hbm>>
      %dma_start3A_880 = arith.constant 0 : i32
      %dma_start3A_881 = tpu.memref_slice %arg10[%add3A_841, %dma_start3A_880] : memref<512x64xf32, #tpu.memory_space<vmem>> -> memref<1x64xf32, #tpu.memory_space<vmem>>
      %dma_start3A_882 = tpu.memref_squeeze %dma_start3A_881 : memref<1x64xf32, #tpu.memory_space<vmem>> -> memref<64xf32, #tpu.memory_space<vmem>>
      tpu.enqueue_dma source(%dma_start3A_882 : memref<64xf32, #tpu.memory_space<vmem>>) target(%dma_start3A_879 : memref<64xf32, #tpu.memory_space<hbm>>) target_semaphore(%arg15 : memref<!tpu.dma_semaphore, #tpu.memory_space<semaphore_mem>>)
      %mul3A_883 = arith.constant 16 : i32
      %mul3A_884 = arith.muli %add3A_304, %mul3A_883 : i32
      %add3A_885 = arith.constant 13 : i32
      %add3A_886 = arith.addi %mul3A_884, %add3A_885 : i32
      %slice3A_887 = vector.extract_strided_slice %get3A_307 {offsets = [13], sizes = [1], strides = [1]} : vector<16xi32> to vector<1xi32>
      %squeeze3A_888 = vector.extract %slice3A_887[0] : i32 from vector<1xi32>
      %mul3A_889 = arith.constant 128 : i32
      %mul3A_890 = arith.muli %add3A, %mul3A_889 : i32
      %jit3A_891 = arith.constant 4 : i32
      %div3A_892 = arith.divsi %add3A_886, %jit3A_891 : i32
      %sign3A_893 = arith.constant 0 : i32
      %sign3A_894 = arith.cmpi sgt, %add3A_886, %sign3A_893 : i32
      %sign3A_895 = arith.extui %sign3A_894 : i1 to i32
      %sign3A_896 = arith.constant 0 : i32
      %sign3A_897 = arith.cmpi slt, %add3A_886, %sign3A_896 : i32
      %sign3A_898 = arith.extui %sign3A_897 : i1 to i32
      %sign3A_899 = arith.subi %sign3A_895, %sign3A_898 : i32
      %sign3A_900 = arith.constant 0 : i32
      %sign3A_901 = arith.cmpi sgt, %jit3A_891, %sign3A_900 : i32
      %sign3A_902 = arith.extui %sign3A_901 : i1 to i32
      %sign3A_903 = arith.constant 0 : i32
      %sign3A_904 = arith.cmpi slt, %jit3A_891, %sign3A_903 : i32
      %sign3A_905 = arith.extui %sign3A_904 : i1 to i32
      %sign3A_906 = arith.subi %sign3A_902, %sign3A_905 : i32
      %ne3A_907 = arith.cmpi ne, %sign3A_899, %sign3A_906 : i32
      %rem3A_908 = arith.remsi %add3A_886, %jit3A_891 : i32
      %ne3A_909 = arith.constant 0 : i32
      %ne3A_910 = arith.cmpi ne, %rem3A_908, %ne3A_909 : i32
      %and3A_911 = arith.andi %ne3A_907, %ne3A_910 : i1
      %sub3A_912 = arith.constant 1 : i32
      %sub3A_913 = arith.subi %div3A_892, %sub3A_912 : i32
      %select_n3A_914 = arith.select %and3A_911, %sub3A_913, %div3A_892 : i32
      %add3A_915 = arith.addi %mul3A_890, %select_n3A_914 : i32
      %dma_start3A_916 = arith.constant 0 : i32
      %dma_start3A_917 = tpu.memref_slice %arg10[%add3A_886, %dma_start3A_916] : memref<512x64xf32, #tpu.memory_space<vmem>> -> memref<1x64xf32, #tpu.memory_space<vmem>>
      %dma_start3A_918 = tpu.memref_squeeze %dma_start3A_917 : memref<1x64xf32, #tpu.memory_space<vmem>> -> memref<64xf32, #tpu.memory_space<vmem>>
      %dma_start3A_919 = arith.constant 0 : i32
      %dma_start3A_920 = tpu.memref_slice %arg7[%add3A_915, %squeeze3A_888, %dma_start3A_919] : memref<4096x200x64xf32, #tpu.memory_space<hbm>> -> memref<1x1x64xf32, #tpu.memory_space<hbm>>
      %dma_start3A_921 = tpu.memref_squeeze %dma_start3A_920 : memref<1x1x64xf32, #tpu.memory_space<hbm>> -> memref<64xf32, #tpu.memory_space<hbm>>
      %dma_start3A_922 = arith.constant 0 : i32
      %dma_start3A_923 = tpu.memref_slice %arg7[%add3A_915, %squeeze3A_888, %dma_start3A_922] : memref<4096x200x64xf32, #tpu.memory_space<hbm>> -> memref<1x1x64xf32, #tpu.memory_space<hbm>>
      %dma_start3A_924 = tpu.memref_squeeze %dma_start3A_923 : memref<1x1x64xf32, #tpu.memory_space<hbm>> -> memref<64xf32, #tpu.memory_space<hbm>>
      %dma_start3A_925 = arith.constant 0 : i32
      %dma_start3A_926 = tpu.memref_slice %arg10[%add3A_886, %dma_start3A_925] : memref<512x64xf32, #tpu.memory_space<vmem>> -> memref<1x64xf32, #tpu.memory_space<vmem>>
      %dma_start3A_927 = tpu.memref_squeeze %dma_start3A_926 : memref<1x64xf32, #tpu.memory_space<vmem>> -> memref<64xf32, #tpu.memory_space<vmem>>
      tpu.enqueue_dma source(%dma_start3A_927 : memref<64xf32, #tpu.memory_space<vmem>>) target(%dma_start3A_924 : memref<64xf32, #tpu.memory_space<hbm>>) target_semaphore(%arg15 : memref<!tpu.dma_semaphore, #tpu.memory_space<semaphore_mem>>)
      %mul3A_928 = arith.constant 16 : i32
      %mul3A_929 = arith.muli %add3A_304, %mul3A_928 : i32
      %add3A_930 = arith.constant 14 : i32
      %add3A_931 = arith.addi %mul3A_929, %add3A_930 : i32
      %slice3A_932 = vector.extract_strided_slice %get3A_307 {offsets = [14], sizes = [1], strides = [1]} : vector<16xi32> to vector<1xi32>
      %squeeze3A_933 = vector.extract %slice3A_932[0] : i32 from vector<1xi32>
      %mul3A_934 = arith.constant 128 : i32
      %mul3A_935 = arith.muli %add3A, %mul3A_934 : i32
      %jit3A_936 = arith.constant 4 : i32
      %div3A_937 = arith.divsi %add3A_931, %jit3A_936 : i32
      %sign3A_938 = arith.constant 0 : i32
      %sign3A_939 = arith.cmpi sgt, %add3A_931, %sign3A_938 : i32
      %sign3A_940 = arith.extui %sign3A_939 : i1 to i32
      %sign3A_941 = arith.constant 0 : i32
      %sign3A_942 = arith.cmpi slt, %add3A_931, %sign3A_941 : i32
      %sign3A_943 = arith.extui %sign3A_942 : i1 to i32
      %sign3A_944 = arith.subi %sign3A_940, %sign3A_943 : i32
      %sign3A_945 = arith.constant 0 : i32
      %sign3A_946 = arith.cmpi sgt, %jit3A_936, %sign3A_945 : i32
      %sign3A_947 = arith.extui %sign3A_946 : i1 to i32
      %sign3A_948 = arith.constant 0 : i32
      %sign3A_949 = arith.cmpi slt, %jit3A_936, %sign3A_948 : i32
      %sign3A_950 = arith.extui %sign3A_949 : i1 to i32
      %sign3A_951 = arith.subi %sign3A_947, %sign3A_950 : i32
      %ne3A_952 = arith.cmpi ne, %sign3A_944, %sign3A_951 : i32
      %rem3A_953 = arith.remsi %add3A_931, %jit3A_936 : i32
      %ne3A_954 = arith.constant 0 : i32
      %ne3A_955 = arith.cmpi ne, %rem3A_953, %ne3A_954 : i32
      %and3A_956 = arith.andi %ne3A_952, %ne3A_955 : i1
      %sub3A_957 = arith.constant 1 : i32
      %sub3A_958 = arith.subi %div3A_937, %sub3A_957 : i32
      %select_n3A_959 = arith.select %and3A_956, %sub3A_958, %div3A_937 : i32
      %add3A_960 = arith.addi %mul3A_935, %select_n3A_959 : i32
      %dma_start3A_961 = arith.constant 0 : i32
      %dma_start3A_962 = tpu.memref_slice %arg10[%add3A_931, %dma_start3A_961] : memref<512x64xf32, #tpu.memory_space<vmem>> -> memref<1x64xf32, #tpu.memory_space<vmem>>
      %dma_start3A_963 = tpu.memref_squeeze %dma_start3A_962 : memref<1x64xf32, #tpu.memory_space<vmem>> -> memref<64xf32, #tpu.memory_space<vmem>>
      %dma_start3A_964 = arith.constant 0 : i32
      %dma_start3A_965 = tpu.memref_slice %arg7[%add3A_960, %squeeze3A_933, %dma_start3A_964] : memref<4096x200x64xf32, #tpu.memory_space<hbm>> -> memref<1x1x64xf32, #tpu.memory_space<hbm>>
      %dma_start3A_966 = tpu.memref_squeeze %dma_start3A_965 : memref<1x1x64xf32, #tpu.memory_space<hbm>> -> memref<64xf32, #tpu.memory_space<hbm>>
      %dma_start3A_967 = arith.constant 0 : i32
      %dma_start3A_968 = tpu.memref_slice %arg7[%add3A_960, %squeeze3A_933, %dma_start3A_967] : memref<4096x200x64xf32, #tpu.memory_space<hbm>> -> memref<1x1x64xf32, #tpu.memory_space<hbm>>
      %dma_start3A_969 = tpu.memref_squeeze %dma_start3A_968 : memref<1x1x64xf32, #tpu.memory_space<hbm>> -> memref<64xf32, #tpu.memory_space<hbm>>
      %dma_start3A_970 = arith.constant 0 : i32
      %dma_start3A_971 = tpu.memref_slice %arg10[%add3A_931, %dma_start3A_970] : memref<512x64xf32, #tpu.memory_space<vmem>> -> memref<1x64xf32, #tpu.memory_space<vmem>>
      %dma_start3A_972 = tpu.memref_squeeze %dma_start3A_971 : memref<1x64xf32, #tpu.memory_space<vmem>> -> memref<64xf32, #tpu.memory_space<vmem>>
      tpu.enqueue_dma source(%dma_start3A_972 : memref<64xf32, #tpu.memory_space<vmem>>) target(%dma_start3A_969 : memref<64xf32, #tpu.memory_space<hbm>>) target_semaphore(%arg15 : memref<!tpu.dma_semaphore, #tpu.memory_space<semaphore_mem>>)
      %mul3A_973 = arith.constant 16 : i32
      %mul3A_974 = arith.muli %add3A_304, %mul3A_973 : i32
      %add3A_975 = arith.constant 15 : i32
      %add3A_976 = arith.addi %mul3A_974, %add3A_975 : i32
      %slice3A_977 = vector.extract_strided_slice %get3A_307 {offsets = [15], sizes = [1], strides = [1]} : vector<16xi32> to vector<1xi32>
      %squeeze3A_978 = vector.extract %slice3A_977[0] : i32 from vector<1xi32>
      %mul3A_979 = arith.constant 128 : i32
      %mul3A_980 = arith.muli %add3A, %mul3A_979 : i32
      %jit3A_981 = arith.constant 4 : i32
      %div3A_982 = arith.divsi %add3A_976, %jit3A_981 : i32
      %sign3A_983 = arith.constant 0 : i32
      %sign3A_984 = arith.cmpi sgt, %add3A_976, %sign3A_983 : i32
      %sign3A_985 = arith.extui %sign3A_984 : i1 to i32
      %sign3A_986 = arith.constant 0 : i32
      %sign3A_987 = arith.cmpi slt, %add3A_976, %sign3A_986 : i32
      %sign3A_988 = arith.extui %sign3A_987 : i1 to i32
      %sign3A_989 = arith.subi %sign3A_985, %sign3A_988 : i32
      %sign3A_990 = arith.constant 0 : i32
      %sign3A_991 = arith.cmpi sgt, %jit3A_981, %sign3A_990 : i32
      %sign3A_992 = arith.extui %sign3A_991 : i1 to i32
      %sign3A_993 = arith.constant 0 : i32
      %sign3A_994 = arith.cmpi slt, %jit3A_981, %sign3A_993 : i32
      %sign3A_995 = arith.extui %sign3A_994 : i1 to i32
      %sign3A_996 = arith.subi %sign3A_992, %sign3A_995 : i32
      %ne3A_997 = arith.cmpi ne, %sign3A_989, %sign3A_996 : i32
      %rem3A_998 = arith.remsi %add3A_976, %jit3A_981 : i32
      %ne3A_999 = arith.constant 0 : i32
      %ne3A_1000 = arith.cmpi ne, %rem3A_998, %ne3A_999 : i32
      %and3A_1001 = arith.andi %ne3A_997, %ne3A_1000 : i1
      %sub3A_1002 = arith.constant 1 : i32
      %sub3A_1003 = arith.subi %div3A_982, %sub3A_1002 : i32
      %select_n3A_1004 = arith.select %and3A_1001, %sub3A_1003, %div3A_982 : i32
      %add3A_1005 = arith.addi %mul3A_980, %select_n3A_1004 : i32
      %dma_start3A_1006 = arith.constant 0 : i32
      %dma_start3A_1007 = tpu.memref_slice %arg10[%add3A_976, %dma_start3A_1006] : memref<512x64xf32, #tpu.memory_space<vmem>> -> memref<1x64xf32, #tpu.memory_space<vmem>>
      %dma_start3A_1008 = tpu.memref_squeeze %dma_start3A_1007 : memref<1x64xf32, #tpu.memory_space<vmem>> -> memref<64xf32, #tpu.memory_space<vmem>>
      %dma_start3A_1009 = arith.constant 0 : i32
      %dma_start3A_1010 = tpu.memref_slice %arg7[%add3A_1005, %squeeze3A_978, %dma_start3A_1009] : memref<4096x200x64xf32, #tpu.memory_space<hbm>> -> memref<1x1x64xf32, #tpu.memory_space<hbm>>
      %dma_start3A_1011 = tpu.memref_squeeze %dma_start3A_1010 : memref<1x1x64xf32, #tpu.memory_space<hbm>> -> memref<64xf32, #tpu.memory_space<hbm>>
      %dma_start3A_1012 = arith.constant 0 : i32
      %dma_start3A_1013 = tpu.memref_slice %arg7[%add3A_1005, %squeeze3A_978, %dma_start3A_1012] : memref<4096x200x64xf32, #tpu.memory_space<hbm>> -> memref<1x1x64xf32, #tpu.memory_space<hbm>>
      %dma_start3A_1014 = tpu.memref_squeeze %dma_start3A_1013 : memref<1x1x64xf32, #tpu.memory_space<hbm>> -> memref<64xf32, #tpu.memory_space<hbm>>
      %dma_start3A_1015 = arith.constant 0 : i32
      %dma_start3A_1016 = tpu.memref_slice %arg10[%add3A_976, %dma_start3A_1015] : memref<512x64xf32, #tpu.memory_space<vmem>> -> memref<1x64xf32, #tpu.memory_space<vmem>>
      %dma_start3A_1017 = tpu.memref_squeeze %dma_start3A_1016 : memref<1x64xf32, #tpu.memory_space<vmem>> -> memref<64xf32, #tpu.memory_space<vmem>>
      tpu.enqueue_dma source(%dma_start3A_1017 : memref<64xf32, #tpu.memory_space<vmem>>) target(%dma_start3A_1014 : memref<64xf32, #tpu.memory_space<hbm>>) target_semaphore(%arg15 : memref<!tpu.dma_semaphore, #tpu.memory_space<semaphore_mem>>)
      %dma_wait3A_1018 = arith.constant 0 : i32
      %dma_wait3A_1019 = arith.constant 0 : i32
      %dma_wait3A_1020 = arith.constant 0 : i32
      %dma_wait3A_1021 = arith.constant 0 : i32
      %dma_wait3A_1022 = tpu.memref_slice %arg10[%dma_wait3A_1018, %dma_wait3A_1021] : memref<512x64xf32, #tpu.memory_space<vmem>> -> memref<1x64xf32, #tpu.memory_space<vmem>>
      %dma_wait3A_1023 = tpu.memref_squeeze %dma_wait3A_1022 : memref<1x64xf32, #tpu.memory_space<vmem>> -> memref<64xf32, #tpu.memory_space<vmem>>
      %dma_wait3A_1024 = arith.constant 0 : i32
      %dma_wait3A_1025 = tpu.memref_slice %arg7[%dma_wait3A_1019, %dma_wait3A_1020, %dma_wait3A_1024] : memref<4096x200x64xf32, #tpu.memory_space<hbm>> -> memref<1x1x64xf32, #tpu.memory_space<hbm>>
      %dma_wait3A_1026 = tpu.memref_squeeze %dma_wait3A_1025 : memref<1x1x64xf32, #tpu.memory_space<hbm>> -> memref<64xf32, #tpu.memory_space<hbm>>
      %dma_wait3A_1027 = arith.constant 0 : i32
      %dma_wait3A_1028 = tpu.memref_slice %arg7[%dma_wait3A_1019, %dma_wait3A_1020, %dma_wait3A_1027] : memref<4096x200x64xf32, #tpu.memory_space<hbm>> -> memref<1x1x64xf32, #tpu.memory_space<hbm>>
      %dma_wait3A_1029 = tpu.memref_squeeze %dma_wait3A_1028 : memref<1x1x64xf32, #tpu.memory_space<hbm>> -> memref<64xf32, #tpu.memory_space<hbm>>
      %dma_wait3A_1030 = arith.constant 0 : i32
      %dma_wait3A_1031 = tpu.memref_slice %arg10[%dma_wait3A_1018, %dma_wait3A_1030] : memref<512x64xf32, #tpu.memory_space<vmem>> -> memref<1x64xf32, #tpu.memory_space<vmem>>
      %dma_wait3A_1032 = tpu.memref_squeeze %dma_wait3A_1031 : memref<1x64xf32, #tpu.memory_space<vmem>> -> memref<64xf32, #tpu.memory_space<vmem>>
      tpu.wait_dma2 semaphore(%arg15 : memref<!tpu.dma_semaphore, #tpu.memory_space<semaphore_mem>>) src(%dma_wait3A_1032 : memref<64xf32, #tpu.memory_space<vmem>>) dst(%dma_wait3A_1029 : memref<64xf32, #tpu.memory_space<hbm>>)
      %dma_wait3A_1033 = arith.constant 0 : i32
      %dma_wait3A_1034 = arith.constant 0 : i32
      %dma_wait3A_1035 = arith.constant 0 : i32
      %dma_wait3A_1036 = arith.constant 0 : i32
      %dma_wait3A_1037 = tpu.memref_slice %arg10[%dma_wait3A_1033, %dma_wait3A_1036] : memref<512x64xf32, #tpu.memory_space<vmem>> -> memref<1x64xf32, #tpu.memory_space<vmem>>
      %dma_wait3A_1038 = tpu.memref_squeeze %dma_wait3A_1037 : memref<1x64xf32, #tpu.memory_space<vmem>> -> memref<64xf32, #tpu.memory_space<vmem>>
      %dma_wait3A_1039 = arith.constant 0 : i32
      %dma_wait3A_1040 = tpu.memref_slice %arg7[%dma_wait3A_1034, %dma_wait3A_1035, %dma_wait3A_1039] : memref<4096x200x64xf32, #tpu.memory_space<hbm>> -> memref<1x1x64xf32, #tpu.memory_space<hbm>>
      %dma_wait3A_1041 = tpu.memref_squeeze %dma_wait3A_1040 : memref<1x1x64xf32, #tpu.memory_space<hbm>> -> memref<64xf32, #tpu.memory_space<hbm>>
      %dma_wait3A_1042 = arith.constant 0 : i32
      %dma_wait3A_1043 = tpu.memref_slice %arg7[%dma_wait3A_1034, %dma_wait3A_1035, %dma_wait3A_1042] : memref<4096x200x64xf32, #tpu.memory_space<hbm>> -> memref<1x1x64xf32, #tpu.memory_space<hbm>>
      %dma_wait3A_1044 = tpu.memref_squeeze %dma_wait3A_1043 : memref<1x1x64xf32, #tpu.memory_space<hbm>> -> memref<64xf32, #tpu.memory_space<hbm>>
      %dma_wait3A_1045 = arith.constant 0 : i32
      %dma_wait3A_1046 = tpu.memref_slice %arg10[%dma_wait3A_1033, %dma_wait3A_1045] : memref<512x64xf32, #tpu.memory_space<vmem>> -> memref<1x64xf32, #tpu.memory_space<vmem>>
      %dma_wait3A_1047 = tpu.memref_squeeze %dma_wait3A_1046 : memref<1x64xf32, #tpu.memory_space<vmem>> -> memref<64xf32, #tpu.memory_space<vmem>>
      tpu.wait_dma2 semaphore(%arg15 : memref<!tpu.dma_semaphore, #tpu.memory_space<semaphore_mem>>) src(%dma_wait3A_1047 : memref<64xf32, #tpu.memory_space<vmem>>) dst(%dma_wait3A_1044 : memref<64xf32, #tpu.memory_space<hbm>>)
      %dma_wait3A_1048 = arith.constant 0 : i32
      %dma_wait3A_1049 = arith.constant 0 : i32
      %dma_wait3A_1050 = arith.constant 0 : i32
      %dma_wait3A_1051 = arith.constant 0 : i32
      %dma_wait3A_1052 = tpu.memref_slice %arg10[%dma_wait3A_1048, %dma_wait3A_1051] : memref<512x64xf32, #tpu.memory_space<vmem>> -> memref<1x64xf32, #tpu.memory_space<vmem>>
      %dma_wait3A_1053 = tpu.memref_squeeze %dma_wait3A_1052 : memref<1x64xf32, #tpu.memory_space<vmem>> -> memref<64xf32, #tpu.memory_space<vmem>>
      %dma_wait3A_1054 = arith.constant 0 : i32
      %dma_wait3A_1055 = tpu.memref_slice %arg7[%dma_wait3A_1049, %dma_wait3A_1050, %dma_wait3A_1054] : memref<4096x200x64xf32, #tpu.memory_space<hbm>> -> memref<1x1x64xf32, #tpu.memory_space<hbm>>
      %dma_wait3A_1056 = tpu.memref_squeeze %dma_wait3A_1055 : memref<1x1x64xf32, #tpu.memory_space<hbm>> -> memref<64xf32, #tpu.memory_space<hbm>>
      %dma_wait3A_1057 = arith.constant 0 : i32
      %dma_wait3A_1058 = tpu.memref_slice %arg7[%dma_wait3A_1049, %dma_wait3A_1050, %dma_wait3A_1057] : memref<4096x200x64xf32, #tpu.memory_space<hbm>> -> memref<1x1x64xf32, #tpu.memory_space<hbm>>
      %dma_wait3A_1059 = tpu.memref_squeeze %dma_wait3A_1058 : memref<1x1x64xf32, #tpu.memory_space<hbm>> -> memref<64xf32, #tpu.memory_space<hbm>>
      %dma_wait3A_1060 = arith.constant 0 : i32
      %dma_wait3A_1061 = tpu.memref_slice %arg10[%dma_wait3A_1048, %dma_wait3A_1060] : memref<512x64xf32, #tpu.memory_space<vmem>> -> memref<1x64xf32, #tpu.memory_space<vmem>>
      %dma_wait3A_1062 = tpu.memref_squeeze %dma_wait3A_1061 : memref<1x64xf32, #tpu.memory_space<vmem>> -> memref<64xf32, #tpu.memory_space<vmem>>
      tpu.wait_dma2 semaphore(%arg15 : memref<!tpu.dma_semaphore, #tpu.memory_space<semaphore_mem>>) src(%dma_wait3A_1062 : memref<64xf32, #tpu.memory_space<vmem>>) dst(%dma_wait3A_1059 : memref<64xf32, #tpu.memory_space<hbm>>)
      %dma_wait3A_1063 = arith.constant 0 : i32
      %dma_wait3A_1064 = arith.constant 0 : i32
      %dma_wait3A_1065 = arith.constant 0 : i32
      %dma_wait3A_1066 = arith.constant 0 : i32
      %dma_wait3A_1067 = tpu.memref_slice %arg10[%dma_wait3A_1063, %dma_wait3A_1066] : memref<512x64xf32, #tpu.memory_space<vmem>> -> memref<1x64xf32, #tpu.memory_space<vmem>>
      %dma_wait3A_1068 = tpu.memref_squeeze %dma_wait3A_1067 : memref<1x64xf32, #tpu.memory_space<vmem>> -> memref<64xf32, #tpu.memory_space<vmem>>
      %dma_wait3A_1069 = arith.constant 0 : i32
      %dma_wait3A_1070 = tpu.memref_slice %arg7[%dma_wait3A_1064, %dma_wait3A_1065, %dma_wait3A_1069] : memref<4096x200x64xf32, #tpu.memory_space<hbm>> -> memref<1x1x64xf32, #tpu.memory_space<hbm>>
      %dma_wait3A_1071 = tpu.memref_squeeze %dma_wait3A_1070 : memref<1x1x64xf32, #tpu.memory_space<hbm>> -> memref<64xf32, #tpu.memory_space<hbm>>
      %dma_wait3A_1072 = arith.constant 0 : i32
      %dma_wait3A_1073 = tpu.memref_slice %arg7[%dma_wait3A_1064, %dma_wait3A_1065, %dma_wait3A_1072] : memref<4096x200x64xf32, #tpu.memory_space<hbm>> -> memref<1x1x64xf32, #tpu.memory_space<hbm>>
      %dma_wait3A_1074 = tpu.memref_squeeze %dma_wait3A_1073 : memref<1x1x64xf32, #tpu.memory_space<hbm>> -> memref<64xf32, #tpu.memory_space<hbm>>
      %dma_wait3A_1075 = arith.constant 0 : i32
      %dma_wait3A_1076 = tpu.memref_slice %arg10[%dma_wait3A_1063, %dma_wait3A_1075] : memref<512x64xf32, #tpu.memory_space<vmem>> -> memref<1x64xf32, #tpu.memory_space<vmem>>
      %dma_wait3A_1077 = tpu.memref_squeeze %dma_wait3A_1076 : memref<1x64xf32, #tpu.memory_space<vmem>> -> memref<64xf32, #tpu.memory_space<vmem>>
      tpu.wait_dma2 semaphore(%arg15 : memref<!tpu.dma_semaphore, #tpu.memory_space<semaphore_mem>>) src(%dma_wait3A_1077 : memref<64xf32, #tpu.memory_space<vmem>>) dst(%dma_wait3A_1074 : memref<64xf32, #tpu.memory_space<hbm>>)
      %dma_wait3A_1078 = arith.constant 0 : i32
      %dma_wait3A_1079 = arith.constant 0 : i32
      %dma_wait3A_1080 = arith.constant 0 : i32
      %dma_wait3A_1081 = arith.constant 0 : i32
      %dma_wait3A_1082 = tpu.memref_slice %arg10[%dma_wait3A_1078, %dma_wait3A_1081] : memref<512x64xf32, #tpu.memory_space<vmem>> -> memref<1x64xf32, #tpu.memory_space<vmem>>
      %dma_wait3A_1083 = tpu.memref_squeeze %dma_wait3A_1082 : memref<1x64xf32, #tpu.memory_space<vmem>> -> memref<64xf32, #tpu.memory_space<vmem>>
      %dma_wait3A_1084 = arith.constant 0 : i32
      %dma_wait3A_1085 = tpu.memref_slice %arg7[%dma_wait3A_1079, %dma_wait3A_1080, %dma_wait3A_1084] : memref<4096x200x64xf32, #tpu.memory_space<hbm>> -> memref<1x1x64xf32, #tpu.memory_space<hbm>>
      %dma_wait3A_1086 = tpu.memref_squeeze %dma_wait3A_1085 : memref<1x1x64xf32, #tpu.memory_space<hbm>> -> memref<64xf32, #tpu.memory_space<hbm>>
      %dma_wait3A_1087 = arith.constant 0 : i32
      %dma_wait3A_1088 = tpu.memref_slice %arg7[%dma_wait3A_1079, %dma_wait3A_1080, %dma_wait3A_1087] : memref<4096x200x64xf32, #tpu.memory_space<hbm>> -> memref<1x1x64xf32, #tpu.memory_space<hbm>>
      %dma_wait3A_1089 = tpu.memref_squeeze %dma_wait3A_1088 : memref<1x1x64xf32, #tpu.memory_space<hbm>> -> memref<64xf32, #tpu.memory_space<hbm>>
      %dma_wait3A_1090 = arith.constant 0 : i32
      %dma_wait3A_1091 = tpu.memref_slice %arg10[%dma_wait3A_1078, %dma_wait3A_1090] : memref<512x64xf32, #tpu.memory_space<vmem>> -> memref<1x64xf32, #tpu.memory_space<vmem>>
      %dma_wait3A_1092 = tpu.memref_squeeze %dma_wait3A_1091 : memref<1x64xf32, #tpu.memory_space<vmem>> -> memref<64xf32, #tpu.memory_space<vmem>>
      tpu.wait_dma2 semaphore(%arg15 : memref<!tpu.dma_semaphore, #tpu.memory_space<semaphore_mem>>) src(%dma_wait3A_1092 : memref<64xf32, #tpu.memory_space<vmem>>) dst(%dma_wait3A_1089 : memref<64xf32, #tpu.memory_space<hbm>>)
      %dma_wait3A_1093 = arith.constant 0 : i32
      %dma_wait3A_1094 = arith.constant 0 : i32
      %dma_wait3A_1095 = arith.constant 0 : i32
      %dma_wait3A_1096 = arith.constant 0 : i32
      %dma_wait3A_1097 = tpu.memref_slice %arg10[%dma_wait3A_1093, %dma_wait3A_1096] : memref<512x64xf32, #tpu.memory_space<vmem>> -> memref<1x64xf32, #tpu.memory_space<vmem>>
      %dma_wait3A_1098 = tpu.memref_squeeze %dma_wait3A_1097 : memref<1x64xf32, #tpu.memory_space<vmem>> -> memref<64xf32, #tpu.memory_space<vmem>>
      %dma_wait3A_1099 = arith.constant 0 : i32
      %dma_wait3A_1100 = tpu.memref_slice %arg7[%dma_wait3A_1094, %dma_wait3A_1095, %dma_wait3A_1099] : memref<4096x200x64xf32, #tpu.memory_space<hbm>> -> memref<1x1x64xf32, #tpu.memory_space<hbm>>
      %dma_wait3A_1101 = tpu.memref_squeeze %dma_wait3A_1100 : memref<1x1x64xf32, #tpu.memory_space<hbm>> -> memref<64xf32, #tpu.memory_space<hbm>>
      %dma_wait3A_1102 = arith.constant 0 : i32
      %dma_wait3A_1103 = tpu.memref_slice %arg7[%dma_wait3A_1094, %dma_wait3A_1095, %dma_wait3A_1102] : memref<4096x200x64xf32, #tpu.memory_space<hbm>> -> memref<1x1x64xf32, #tpu.memory_space<hbm>>
      %dma_wait3A_1104 = tpu.memref_squeeze %dma_wait3A_1103 : memref<1x1x64xf32, #tpu.memory_space<hbm>> -> memref<64xf32, #tpu.memory_space<hbm>>
      %dma_wait3A_1105 = arith.constant 0 : i32
      %dma_wait3A_1106 = tpu.memref_slice %arg10[%dma_wait3A_1093, %dma_wait3A_1105] : memref<512x64xf32, #tpu.memory_space<vmem>> -> memref<1x64xf32, #tpu.memory_space<vmem>>
      %dma_wait3A_1107 = tpu.memref_squeeze %dma_wait3A_1106 : memref<1x64xf32, #tpu.memory_space<vmem>> -> memref<64xf32, #tpu.memory_space<vmem>>
      tpu.wait_dma2 semaphore(%arg15 : memref<!tpu.dma_semaphore, #tpu.memory_space<semaphore_mem>>) src(%dma_wait3A_1107 : memref<64xf32, #tpu.memory_space<vmem>>) dst(%dma_wait3A_1104 : memref<64xf32, #tpu.memory_space<hbm>>)
      %dma_wait3A_1108 = arith.constant 0 : i32
      %dma_wait3A_1109 = arith.constant 0 : i32
      %dma_wait3A_1110 = arith.constant 0 : i32
      %dma_wait3A_1111 = arith.constant 0 : i32
      %dma_wait3A_1112 = tpu.memref_slice %arg10[%dma_wait3A_1108, %dma_wait3A_1111] : memref<512x64xf32, #tpu.memory_space<vmem>> -> memref<1x64xf32, #tpu.memory_space<vmem>>
      %dma_wait3A_1113 = tpu.memref_squeeze %dma_wait3A_1112 : memref<1x64xf32, #tpu.memory_space<vmem>> -> memref<64xf32, #tpu.memory_space<vmem>>
      %dma_wait3A_1114 = arith.constant 0 : i32
      %dma_wait3A_1115 = tpu.memref_slice %arg7[%dma_wait3A_1109, %dma_wait3A_1110, %dma_wait3A_1114] : memref<4096x200x64xf32, #tpu.memory_space<hbm>> -> memref<1x1x64xf32, #tpu.memory_space<hbm>>
      %dma_wait3A_1116 = tpu.memref_squeeze %dma_wait3A_1115 : memref<1x1x64xf32, #tpu.memory_space<hbm>> -> memref<64xf32, #tpu.memory_space<hbm>>
      %dma_wait3A_1117 = arith.constant 0 : i32
      %dma_wait3A_1118 = tpu.memref_slice %arg7[%dma_wait3A_1109, %dma_wait3A_1110, %dma_wait3A_1117] : memref<4096x200x64xf32, #tpu.memory_space<hbm>> -> memref<1x1x64xf32, #tpu.memory_space<hbm>>
      %dma_wait3A_1119 = tpu.memref_squeeze %dma_wait3A_1118 : memref<1x1x64xf32, #tpu.memory_space<hbm>> -> memref<64xf32, #tpu.memory_space<hbm>>
      %dma_wait3A_1120 = arith.constant 0 : i32
      %dma_wait3A_1121 = tpu.memref_slice %arg10[%dma_wait3A_1108, %dma_wait3A_1120] : memref<512x64xf32, #tpu.memory_space<vmem>> -> memref<1x64xf32, #tpu.memory_space<vmem>>
      %dma_wait3A_1122 = tpu.memref_squeeze %dma_wait3A_1121 : memref<1x64xf32, #tpu.memory_space<vmem>> -> memref<64xf32, #tpu.memory_space<vmem>>
      tpu.wait_dma2 semaphore(%arg15 : memref<!tpu.dma_semaphore, #tpu.memory_space<semaphore_mem>>) src(%dma_wait3A_1122 : memref<64xf32, #tpu.memory_space<vmem>>) dst(%dma_wait3A_1119 : memref<64xf32, #tpu.memory_space<hbm>>)
      %dma_wait3A_1123 = arith.constant 0 : i32
      %dma_wait3A_1124 = arith.constant 0 : i32
      %dma_wait3A_1125 = arith.constant 0 : i32
      %dma_wait3A_1126 = arith.constant 0 : i32
      %dma_wait3A_1127 = tpu.memref_slice %arg10[%dma_wait3A_1123, %dma_wait3A_1126] : memref<512x64xf32, #tpu.memory_space<vmem>> -> memref<1x64xf32, #tpu.memory_space<vmem>>
      %dma_wait3A_1128 = tpu.memref_squeeze %dma_wait3A_1127 : memref<1x64xf32, #tpu.memory_space<vmem>> -> memref<64xf32, #tpu.memory_space<vmem>>
      %dma_wait3A_1129 = arith.constant 0 : i32
      %dma_wait3A_1130 = tpu.memref_slice %arg7[%dma_wait3A_1124, %dma_wait3A_1125, %dma_wait3A_1129] : memref<4096x200x64xf32, #tpu.memory_space<hbm>> -> memref<1x1x64xf32, #tpu.memory_space<hbm>>
      %dma_wait3A_1131 = tpu.memref_squeeze %dma_wait3A_1130 : memref<1x1x64xf32, #tpu.memory_space<hbm>> -> memref<64xf32, #tpu.memory_space<hbm>>
      %dma_wait3A_1132 = arith.constant 0 : i32
      %dma_wait3A_1133 = tpu.memref_slice %arg7[%dma_wait3A_1124, %dma_wait3A_1125, %dma_wait3A_1132] : memref<4096x200x64xf32, #tpu.memory_space<hbm>> -> memref<1x1x64xf32, #tpu.memory_space<hbm>>
      %dma_wait3A_1134 = tpu.memref_squeeze %dma_wait3A_1133 : memref<1x1x64xf32, #tpu.memory_space<hbm>> -> memref<64xf32, #tpu.memory_space<hbm>>
      %dma_wait3A_1135 = arith.constant 0 : i32
      %dma_wait3A_1136 = tpu.memref_slice %arg10[%dma_wait3A_1123, %dma_wait3A_1135] : memref<512x64xf32, #tpu.memory_space<vmem>> -> memref<1x64xf32, #tpu.memory_space<vmem>>
      %dma_wait3A_1137 = tpu.memref_squeeze %dma_wait3A_1136 : memref<1x64xf32, #tpu.memory_space<vmem>> -> memref<64xf32, #tpu.memory_space<vmem>>
      tpu.wait_dma2 semaphore(%arg15 : memref<!tpu.dma_semaphore, #tpu.memory_space<semaphore_mem>>) src(%dma_wait3A_1137 : memref<64xf32, #tpu.memory_space<vmem>>) dst(%dma_wait3A_1134 : memref<64xf32, #tpu.memory_space<hbm>>)
      %dma_wait3A_1138 = arith.constant 0 : i32
      %dma_wait3A_1139 = arith.constant 0 : i32
      %dma_wait3A_1140 = arith.constant 0 : i32
      %dma_wait3A_1141 = arith.constant 0 : i32
      %dma_wait3A_1142 = tpu.memref_slice %arg10[%dma_wait3A_1138, %dma_wait3A_1141] : memref<512x64xf32, #tpu.memory_space<vmem>> -> memref<1x64xf32, #tpu.memory_space<vmem>>
      %dma_wait3A_1143 = tpu.memref_squeeze %dma_wait3A_1142 : memref<1x64xf32, #tpu.memory_space<vmem>> -> memref<64xf32, #tpu.memory_space<vmem>>
      %dma_wait3A_1144 = arith.constant 0 : i32
      %dma_wait3A_1145 = tpu.memref_slice %arg7[%dma_wait3A_1139, %dma_wait3A_1140, %dma_wait3A_1144] : memref<4096x200x64xf32, #tpu.memory_space<hbm>> -> memref<1x1x64xf32, #tpu.memory_space<hbm>>
      %dma_wait3A_1146 = tpu.memref_squeeze %dma_wait3A_1145 : memref<1x1x64xf32, #tpu.memory_space<hbm>> -> memref<64xf32, #tpu.memory_space<hbm>>
      %dma_wait3A_1147 = arith.constant 0 : i32
      %dma_wait3A_1148 = tpu.memref_slice %arg7[%dma_wait3A_1139, %dma_wait3A_1140, %dma_wait3A_1147] : memref<4096x200x64xf32, #tpu.memory_space<hbm>> -> memref<1x1x64xf32, #tpu.memory_space<hbm>>
      %dma_wait3A_1149 = tpu.memref_squeeze %dma_wait3A_1148 : memref<1x1x64xf32, #tpu.memory_space<hbm>> -> memref<64xf32, #tpu.memory_space<hbm>>
      %dma_wait3A_1150 = arith.constant 0 : i32
      %dma_wait3A_1151 = tpu.memref_slice %arg10[%dma_wait3A_1138, %dma_wait3A_1150] : memref<512x64xf32, #tpu.memory_space<vmem>> -> memref<1x64xf32, #tpu.memory_space<vmem>>
      %dma_wait3A_1152 = tpu.memref_squeeze %dma_wait3A_1151 : memref<1x64xf32, #tpu.memory_space<vmem>> -> memref<64xf32, #tpu.memory_space<vmem>>
      tpu.wait_dma2 semaphore(%arg15 : memref<!tpu.dma_semaphore, #tpu.memory_space<semaphore_mem>>) src(%dma_wait3A_1152 : memref<64xf32, #tpu.memory_space<vmem>>) dst(%dma_wait3A_1149 : memref<64xf32, #tpu.memory_space<hbm>>)
      %dma_wait3A_1153 = arith.constant 0 : i32
      %dma_wait3A_1154 = arith.constant 0 : i32
      %dma_wait3A_1155 = arith.constant 0 : i32
      %dma_wait3A_1156 = arith.constant 0 : i32
      %dma_wait3A_1157 = tpu.memref_slice %arg10[%dma_wait3A_1153, %dma_wait3A_1156] : memref<512x64xf32, #tpu.memory_space<vmem>> -> memref<1x64xf32, #tpu.memory_space<vmem>>
      %dma_wait3A_1158 = tpu.memref_squeeze %dma_wait3A_1157 : memref<1x64xf32, #tpu.memory_space<vmem>> -> memref<64xf32, #tpu.memory_space<vmem>>
      %dma_wait3A_1159 = arith.constant 0 : i32
      %dma_wait3A_1160 = tpu.memref_slice %arg7[%dma_wait3A_1154, %dma_wait3A_1155, %dma_wait3A_1159] : memref<4096x200x64xf32, #tpu.memory_space<hbm>> -> memref<1x1x64xf32, #tpu.memory_space<hbm>>
      %dma_wait3A_1161 = tpu.memref_squeeze %dma_wait3A_1160 : memref<1x1x64xf32, #tpu.memory_space<hbm>> -> memref<64xf32, #tpu.memory_space<hbm>>
      %dma_wait3A_1162 = arith.constant 0 : i32
      %dma_wait3A_1163 = tpu.memref_slice %arg7[%dma_wait3A_1154, %dma_wait3A_1155, %dma_wait3A_1162] : memref<4096x200x64xf32, #tpu.memory_space<hbm>> -> memref<1x1x64xf32, #tpu.memory_space<hbm>>
      %dma_wait3A_1164 = tpu.memref_squeeze %dma_wait3A_1163 : memref<1x1x64xf32, #tpu.memory_space<hbm>> -> memref<64xf32, #tpu.memory_space<hbm>>
      %dma_wait3A_1165 = arith.constant 0 : i32
      %dma_wait3A_1166 = tpu.memref_slice %arg10[%dma_wait3A_1153, %dma_wait3A_1165] : memref<512x64xf32, #tpu.memory_space<vmem>> -> memref<1x64xf32, #tpu.memory_space<vmem>>
      %dma_wait3A_1167 = tpu.memref_squeeze %dma_wait3A_1166 : memref<1x64xf32, #tpu.memory_space<vmem>> -> memref<64xf32, #tpu.memory_space<vmem>>
      tpu.wait_dma2 semaphore(%arg15 : memref<!tpu.dma_semaphore, #tpu.memory_space<semaphore_mem>>) src(%dma_wait3A_1167 : memref<64xf32, #tpu.memory_space<vmem>>) dst(%dma_wait3A_1164 : memref<64xf32, #tpu.memory_space<hbm>>)
      %dma_wait3A_1168 = arith.constant 0 : i32
      %dma_wait3A_1169 = arith.constant 0 : i32
      %dma_wait3A_1170 = arith.constant 0 : i32
      %dma_wait3A_1171 = arith.constant 0 : i32
      %dma_wait3A_1172 = tpu.memref_slice %arg10[%dma_wait3A_1168, %dma_wait3A_1171] : memref<512x64xf32, #tpu.memory_space<vmem>> -> memref<1x64xf32, #tpu.memory_space<vmem>>
      %dma_wait3A_1173 = tpu.memref_squeeze %dma_wait3A_1172 : memref<1x64xf32, #tpu.memory_space<vmem>> -> memref<64xf32, #tpu.memory_space<vmem>>
      %dma_wait3A_1174 = arith.constant 0 : i32
      %dma_wait3A_1175 = tpu.memref_slice %arg7[%dma_wait3A_1169, %dma_wait3A_1170, %dma_wait3A_1174] : memref<4096x200x64xf32, #tpu.memory_space<hbm>> -> memref<1x1x64xf32, #tpu.memory_space<hbm>>
      %dma_wait3A_1176 = tpu.memref_squeeze %dma_wait3A_1175 : memref<1x1x64xf32, #tpu.memory_space<hbm>> -> memref<64xf32, #tpu.memory_space<hbm>>
      %dma_wait3A_1177 = arith.constant 0 : i32
      %dma_wait3A_1178 = tpu.memref_slice %arg7[%dma_wait3A_1169, %dma_wait3A_1170, %dma_wait3A_1177] : memref<4096x200x64xf32, #tpu.memory_space<hbm>> -> memref<1x1x64xf32, #tpu.memory_space<hbm>>
      %dma_wait3A_1179 = tpu.memref_squeeze %dma_wait3A_1178 : memref<1x1x64xf32, #tpu.memory_space<hbm>> -> memref<64xf32, #tpu.memory_space<hbm>>
      %dma_wait3A_1180 = arith.constant 0 : i32
      %dma_wait3A_1181 = tpu.memref_slice %arg10[%dma_wait3A_1168, %dma_wait3A_1180] : memref<512x64xf32, #tpu.memory_space<vmem>> -> memref<1x64xf32, #tpu.memory_space<vmem>>
      %dma_wait3A_1182 = tpu.memref_squeeze %dma_wait3A_1181 : memref<1x64xf32, #tpu.memory_space<vmem>> -> memref<64xf32, #tpu.memory_space<vmem>>
      tpu.wait_dma2 semaphore(%arg15 : memref<!tpu.dma_semaphore, #tpu.memory_space<semaphore_mem>>) src(%dma_wait3A_1182 : memref<64xf32, #tpu.memory_space<vmem>>) dst(%dma_wait3A_1179 : memref<64xf32, #tpu.memory_space<hbm>>)
      %dma_wait3A_1183 = arith.constant 0 : i32
      %dma_wait3A_1184 = arith.constant 0 : i32
      %dma_wait3A_1185 = arith.constant 0 : i32
      %dma_wait3A_1186 = arith.constant 0 : i32
      %dma_wait3A_1187 = tpu.memref_slice %arg10[%dma_wait3A_1183, %dma_wait3A_1186] : memref<512x64xf32, #tpu.memory_space<vmem>> -> memref<1x64xf32, #tpu.memory_space<vmem>>
      %dma_wait3A_1188 = tpu.memref_squeeze %dma_wait3A_1187 : memref<1x64xf32, #tpu.memory_space<vmem>> -> memref<64xf32, #tpu.memory_space<vmem>>
      %dma_wait3A_1189 = arith.constant 0 : i32
      %dma_wait3A_1190 = tpu.memref_slice %arg7[%dma_wait3A_1184, %dma_wait3A_1185, %dma_wait3A_1189] : memref<4096x200x64xf32, #tpu.memory_space<hbm>> -> memref<1x1x64xf32, #tpu.memory_space<hbm>>
      %dma_wait3A_1191 = tpu.memref_squeeze %dma_wait3A_1190 : memref<1x1x64xf32, #tpu.memory_space<hbm>> -> memref<64xf32, #tpu.memory_space<hbm>>
      %dma_wait3A_1192 = arith.constant 0 : i32
      %dma_wait3A_1193 = tpu.memref_slice %arg7[%dma_wait3A_1184, %dma_wait3A_1185, %dma_wait3A_1192] : memref<4096x200x64xf32, #tpu.memory_space<hbm>> -> memref<1x1x64xf32, #tpu.memory_space<hbm>>
      %dma_wait3A_1194 = tpu.memref_squeeze %dma_wait3A_1193 : memref<1x1x64xf32, #tpu.memory_space<hbm>> -> memref<64xf32, #tpu.memory_space<hbm>>
      %dma_wait3A_1195 = arith.constant 0 : i32
      %dma_wait3A_1196 = tpu.memref_slice %arg10[%dma_wait3A_1183, %dma_wait3A_1195] : memref<512x64xf32, #tpu.memory_space<vmem>> -> memref<1x64xf32, #tpu.memory_space<vmem>>
      %dma_wait3A_1197 = tpu.memref_squeeze %dma_wait3A_1196 : memref<1x64xf32, #tpu.memory_space<vmem>> -> memref<64xf32, #tpu.memory_space<vmem>>
      tpu.wait_dma2 semaphore(%arg15 : memref<!tpu.dma_semaphore, #tpu.memory_space<semaphore_mem>>) src(%dma_wait3A_1197 : memref<64xf32, #tpu.memory_space<vmem>>) dst(%dma_wait3A_1194 : memref<64xf32, #tpu.memory_space<hbm>>)
      %dma_wait3A_1198 = arith.constant 0 : i32
      %dma_wait3A_1199 = arith.constant 0 : i32
      %dma_wait3A_1200 = arith.constant 0 : i32
      %dma_wait3A_1201 = arith.constant 0 : i32
      %dma_wait3A_1202 = tpu.memref_slice %arg10[%dma_wait3A_1198, %dma_wait3A_1201] : memref<512x64xf32, #tpu.memory_space<vmem>> -> memref<1x64xf32, #tpu.memory_space<vmem>>
      %dma_wait3A_1203 = tpu.memref_squeeze %dma_wait3A_1202 : memref<1x64xf32, #tpu.memory_space<vmem>> -> memref<64xf32, #tpu.memory_space<vmem>>
      %dma_wait3A_1204 = arith.constant 0 : i32
      %dma_wait3A_1205 = tpu.memref_slice %arg7[%dma_wait3A_1199, %dma_wait3A_1200, %dma_wait3A_1204] : memref<4096x200x64xf32, #tpu.memory_space<hbm>> -> memref<1x1x64xf32, #tpu.memory_space<hbm>>
      %dma_wait3A_1206 = tpu.memref_squeeze %dma_wait3A_1205 : memref<1x1x64xf32, #tpu.memory_space<hbm>> -> memref<64xf32, #tpu.memory_space<hbm>>
      %dma_wait3A_1207 = arith.constant 0 : i32
      %dma_wait3A_1208 = tpu.memref_slice %arg7[%dma_wait3A_1199, %dma_wait3A_1200, %dma_wait3A_1207] : memref<4096x200x64xf32, #tpu.memory_space<hbm>> -> memref<1x1x64xf32, #tpu.memory_space<hbm>>
      %dma_wait3A_1209 = tpu.memref_squeeze %dma_wait3A_1208 : memref<1x1x64xf32, #tpu.memory_space<hbm>> -> memref<64xf32, #tpu.memory_space<hbm>>
      %dma_wait3A_1210 = arith.constant 0 : i32
      %dma_wait3A_1211 = tpu.memref_slice %arg10[%dma_wait3A_1198, %dma_wait3A_1210] : memref<512x64xf32, #tpu.memory_space<vmem>> -> memref<1x64xf32, #tpu.memory_space<vmem>>
      %dma_wait3A_1212 = tpu.memref_squeeze %dma_wait3A_1211 : memref<1x64xf32, #tpu.memory_space<vmem>> -> memref<64xf32, #tpu.memory_space<vmem>>
      tpu.wait_dma2 semaphore(%arg15 : memref<!tpu.dma_semaphore, #tpu.memory_space<semaphore_mem>>) src(%dma_wait3A_1212 : memref<64xf32, #tpu.memory_space<vmem>>) dst(%dma_wait3A_1209 : memref<64xf32, #tpu.memory_space<hbm>>)
      %dma_wait3A_1213 = arith.constant 0 : i32
      %dma_wait3A_1214 = arith.constant 0 : i32
      %dma_wait3A_1215 = arith.constant 0 : i32
      %dma_wait3A_1216 = arith.constant 0 : i32
      %dma_wait3A_1217 = tpu.memref_slice %arg10[%dma_wait3A_1213, %dma_wait3A_1216] : memref<512x64xf32, #tpu.memory_space<vmem>> -> memref<1x64xf32, #tpu.memory_space<vmem>>
      %dma_wait3A_1218 = tpu.memref_squeeze %dma_wait3A_1217 : memref<1x64xf32, #tpu.memory_space<vmem>> -> memref<64xf32, #tpu.memory_space<vmem>>
      %dma_wait3A_1219 = arith.constant 0 : i32
      %dma_wait3A_1220 = tpu.memref_slice %arg7[%dma_wait3A_1214, %dma_wait3A_1215, %dma_wait3A_1219] : memref<4096x200x64xf32, #tpu.memory_space<hbm>> -> memref<1x1x64xf32, #tpu.memory_space<hbm>>
      %dma_wait3A_1221 = tpu.memref_squeeze %dma_wait3A_1220 : memref<1x1x64xf32, #tpu.memory_space<hbm>> -> memref<64xf32, #tpu.memory_space<hbm>>
      %dma_wait3A_1222 = arith.constant 0 : i32
      %dma_wait3A_1223 = tpu.memref_slice %arg7[%dma_wait3A_1214, %dma_wait3A_1215, %dma_wait3A_1222] : memref<4096x200x64xf32, #tpu.memory_space<hbm>> -> memref<1x1x64xf32, #tpu.memory_space<hbm>>
      %dma_wait3A_1224 = tpu.memref_squeeze %dma_wait3A_1223 : memref<1x1x64xf32, #tpu.memory_space<hbm>> -> memref<64xf32, #tpu.memory_space<hbm>>
      %dma_wait3A_1225 = arith.constant 0 : i32
      %dma_wait3A_1226 = tpu.memref_slice %arg10[%dma_wait3A_1213, %dma_wait3A_1225] : memref<512x64xf32, #tpu.memory_space<vmem>> -> memref<1x64xf32, #tpu.memory_space<vmem>>
      %dma_wait3A_1227 = tpu.memref_squeeze %dma_wait3A_1226 : memref<1x64xf32, #tpu.memory_space<vmem>> -> memref<64xf32, #tpu.memory_space<vmem>>
      tpu.wait_dma2 semaphore(%arg15 : memref<!tpu.dma_semaphore, #tpu.memory_space<semaphore_mem>>) src(%dma_wait3A_1227 : memref<64xf32, #tpu.memory_space<vmem>>) dst(%dma_wait3A_1224 : memref<64xf32, #tpu.memory_space<hbm>>)
      %dma_wait3A_1228 = arith.constant 0 : i32
      %dma_wait3A_1229 = arith.constant 0 : i32
      %dma_wait3A_1230 = arith.constant 0 : i32
      %dma_wait3A_1231 = arith.constant 0 : i32
      %dma_wait3A_1232 = tpu.memref_slice %arg10[%dma_wait3A_1228, %dma_wait3A_1231] : memref<512x64xf32, #tpu.memory_space<vmem>> -> memref<1x64xf32, #tpu.memory_space<vmem>>
      %dma_wait3A_1233 = tpu.memref_squeeze %dma_wait3A_1232 : memref<1x64xf32, #tpu.memory_space<vmem>> -> memref<64xf32, #tpu.memory_space<vmem>>
      %dma_wait3A_1234 = arith.constant 0 : i32
      %dma_wait3A_1235 = tpu.memref_slice %arg7[%dma_wait3A_1229, %dma_wait3A_1230, %dma_wait3A_1234] : memref<4096x200x64xf32, #tpu.memory_space<hbm>> -> memref<1x1x64xf32, #tpu.memory_space<hbm>>
      %dma_wait3A_1236 = tpu.memref_squeeze %dma_wait3A_1235 : memref<1x1x64xf32, #tpu.memory_space<hbm>> -> memref<64xf32, #tpu.memory_space<hbm>>
      %dma_wait3A_1237 = arith.constant 0 : i32
      %dma_wait3A_1238 = tpu.memref_slice %arg7[%dma_wait3A_1229, %dma_wait3A_1230, %dma_wait3A_1237] : memref<4096x200x64xf32, #tpu.memory_space<hbm>> -> memref<1x1x64xf32, #tpu.memory_space<hbm>>
      %dma_wait3A_1239 = tpu.memref_squeeze %dma_wait3A_1238 : memref<1x1x64xf32, #tpu.memory_space<hbm>> -> memref<64xf32, #tpu.memory_space<hbm>>
      %dma_wait3A_1240 = arith.constant 0 : i32
      %dma_wait3A_1241 = tpu.memref_slice %arg10[%dma_wait3A_1228, %dma_wait3A_1240] : memref<512x64xf32, #tpu.memory_space<vmem>> -> memref<1x64xf32, #tpu.memory_space<vmem>>
      %dma_wait3A_1242 = tpu.memref_squeeze %dma_wait3A_1241 : memref<1x64xf32, #tpu.memory_space<vmem>> -> memref<64xf32, #tpu.memory_space<vmem>>
      tpu.wait_dma2 semaphore(%arg15 : memref<!tpu.dma_semaphore, #tpu.memory_space<semaphore_mem>>) src(%dma_wait3A_1242 : memref<64xf32, #tpu.memory_space<vmem>>) dst(%dma_wait3A_1239 : memref<64xf32, #tpu.memory_space<hbm>>)
      %dma_wait3A_1243 = arith.constant 0 : i32
      %dma_wait3A_1244 = arith.constant 0 : i32
      %dma_wait3A_1245 = arith.constant 0 : i32
      %dma_wait3A_1246 = arith.constant 0 : i32
      %dma_wait3A_1247 = tpu.memref_slice %arg10[%dma_wait3A_1243, %dma_wait3A_1246] : memref<512x64xf32, #tpu.memory_space<vmem>> -> memref<1x64xf32, #tpu.memory_space<vmem>>
      %dma_wait3A_1248 = tpu.memref_squeeze %dma_wait3A_1247 : memref<1x64xf32, #tpu.memory_space<vmem>> -> memref<64xf32, #tpu.memory_space<vmem>>
      %dma_wait3A_1249 = arith.constant 0 : i32
      %dma_wait3A_1250 = tpu.memref_slice %arg7[%dma_wait3A_1244, %dma_wait3A_1245, %dma_wait3A_1249] : memref<4096x200x64xf32, #tpu.memory_space<hbm>> -> memref<1x1x64xf32, #tpu.memory_space<hbm>>
      %dma_wait3A_1251 = tpu.memref_squeeze %dma_wait3A_1250 : memref<1x1x64xf32, #tpu.memory_space<hbm>> -> memref<64xf32, #tpu.memory_space<hbm>>
      %dma_wait3A_1252 = arith.constant 0 : i32
      %dma_wait3A_1253 = tpu.memref_slice %arg7[%dma_wait3A_1244, %dma_wait3A_1245, %dma_wait3A_1252] : memref<4096x200x64xf32, #tpu.memory_space<hbm>> -> memref<1x1x64xf32, #tpu.memory_space<hbm>>
      %dma_wait3A_1254 = tpu.memref_squeeze %dma_wait3A_1253 : memref<1x1x64xf32, #tpu.memory_space<hbm>> -> memref<64xf32, #tpu.memory_space<hbm>>
      %dma_wait3A_1255 = arith.constant 0 : i32
      %dma_wait3A_1256 = tpu.memref_slice %arg10[%dma_wait3A_1243, %dma_wait3A_1255] : memref<512x64xf32, #tpu.memory_space<vmem>> -> memref<1x64xf32, #tpu.memory_space<vmem>>
      %dma_wait3A_1257 = tpu.memref_squeeze %dma_wait3A_1256 : memref<1x64xf32, #tpu.memory_space<vmem>> -> memref<64xf32, #tpu.memory_space<vmem>>
      tpu.wait_dma2 semaphore(%arg15 : memref<!tpu.dma_semaphore, #tpu.memory_space<semaphore_mem>>) src(%dma_wait3A_1257 : memref<64xf32, #tpu.memory_space<vmem>>) dst(%dma_wait3A_1254 : memref<64xf32, #tpu.memory_space<hbm>>)
    }
    %scan3A_299 = arith.constant 32 : i32
    return
  }
}

</mosaic_0001>

<sc_bundles>
// kernel: _embed_with_fixes.3.cloned.1.call-start
scs
__scs_entry_jumppad:
0x0: {  	(pc) =	sbr.rel $0x88, $3  }
0x1: {  	(tag) =	ssettag $0x0;
	lr =	simm.s32 $0x1  }
0x2: {  	[smem:$0x3F9C] =	sst lr;
	_ =	strace $0xD0000000  }
0x3: {  	_ = 	snop  }
0x4: {  	_ = 	snop  }
0x5: {  	_ = 	snop  }
0x6: {  	_ = 	snop  }
0x7: {  	_ = 	snop  }
__scs_overlays_trampoline_lowered:
0x8: {  	[smem:$0x3FAB] =	sst s0  }
0x9: {  	[smem:$0x3FAC] =	sst s1  }
0xa: {  	[smem:$0x3FAD] =	sst s2  }
0xb: {  	[smem:$0x3FAE] =	sst s3  }
0xc: {  	[smem:$0x3FAF] =	sst s4  }
0xd: {  	[smem:$0x3FB0] =	sst s5  }
0xe: {  	[smem:$0x3FB1] =	sst s6  }
0xf: {  	[smem:$0x3FB2] =	sst s7  }
0x10: {  	[smem:$0x3FB3] =	sst s8  }
0x11: {  	[smem:$0x3FB4] =	sst s9;
	s0 =	simm.s32 @!p0 $0x0  }
0x12: {  	s1 =	sld [smem:$0x3F9A];
	s0 =	simm.s32 @p0 $0x1  }
0x13: {  	[smem:$0x3FB5] =	sst s0;
	s0 =	simm.s32 @!p1 $0x0  }
0x14: {  	s2 =	sld [smem:$0x3F99];
	s0 =	simm.s32 @p1 $0x1  }
0x15: {  	[smem:$0x3FB6] =	sst s0;
	s0 =	simm.s32 @!p2 $0x0  }
0x16: {  	s3 =	sld [smem:$0x3FDB];
	s0 =	simm.s32 @p2 $0x1  }
0x17: {  	s4 =	simm.s32 $0x1BF5;
	[smem:$0x3FB8] =	sst s0  }
0x18: {  	s0 =	sld [smem:$0x3F9B];
	_ =	swait.ge [sflag:s4], $0x0  }
0x19: {  	s7 =	sld [smem:$0x3F9C]  }
0x1a: {  	s8 =	sadd.s32 $0xFFFFE003, lr  }
0x1b: {  	s9 =	sadd.s32 $0xFFFFFEF7, lr;
	s5 =	simm.s32 $0xFFFFFFFF;
	p2 =	slt.u32 s8, $0xFFFFF086  }
0x1c: {  	p1 =	slt.u32 s9, $0xF7A;
	s5 =	simm.s32 @!p2 $0x0  }
0x1d: {  	s5 =	simm.s32 @p1 $0x1;
	p0 =	seq.s32 s7, s2  }
0x1e: {  	s7 =	smul.u32 @!p0 $0xF7A, s2;
	p2 =	seq.s32 @!p0 s5, $0x0  }
0x1f: {  	s9 =	smul.u32 $0xF7A, s1;
	s8 =	simm.s32 @!p0 $0x1BF5;
	p2 =	por !p2, p0  }
0x20: {  	[sflag:s8] =	ssyncset.s32 @!p0 $0xFFFFF086;
	s6 =	sadd.s32 @!p0 s3, s7;
	s7 =	simm.s32 @!p0 $0x108  }
0x21: {  	s3 =	sadd.s32 s3, s9;
	s6 =	sadd.s32 @!p0 $0x88, s6;
	s7 =	simm.s32 @p2 $0x1082  }
0x22: {  	[simem:s7], [sflag:s8] =	dma.local @!p0 [hbm:s6], $0xF7A  }
0x23: {  	s9 =	sor.u32 $0xD0000000, s2;
	s6 =	simm.s32 $0x108;
	_ =	swait.ge @!p0 [sflag:s8], $0x0  }
0x24: {  	s3 =	sadd.s32 $0x88, s3;
	s6 =	simm.s32 @!p1 $0x1082;
	[sflag:s4] =	ssyncset.s32 $0xFFFFF086  }
0x25: {  	[simem:s6], [sflag:s4] =	dma.local [hbm:s3], $0xF7A  }
0x26: {  	[smem:$0x3F9C] =	sst s1;
	(tag) =	ssettag s2;
	_ =	strace s9  }
0x27: {  	s1 =	sld [smem:$0x3FAC]  }
0x28: {  	s2 =	sld [smem:$0x3FAD]  }
0x29: {  	s4 =	sld [smem:$0x3FAF]  }
0x2a: {  	p0 =	seq.s32 s5, $0x0;
	s5 =	sld [smem:$0x3FB0]  }
0x2b: {  	s6 =	sld [smem:$0x3FB1]  }
0x2c: {  	s7 =	sld [smem:$0x3FB2]  }
0x2d: {  	s3 =	simm.s32 $0x108;
	s8 =	sld [smem:$0x3FB3]  }
0x2e: {  	s3 =	simm.s32 @!p0 $0x1082;
	s9 =	sld [smem:$0x3FB4]  }
0x2f: {  	lr =	sadd.s32 s0, s3;
	s0 =	sld [smem:$0x3FAB]  }
0x30: {  	s3 =	sld [smem:$0x3FAE]  }
0x31: {  	[smem:$0x3FB7] =	sst s10  }
0x32: {  	s10 =	sld [smem:$0x3FB5];
	_ =	sdelay $0x3  }
0x33: {  	p0 =	seq.s32 s10, $0x1;
	s10 =	sld [smem:$0x3FB7];
	_ =	sdelay $0x3  }
0x34: {  	[smem:$0x3FB7] =	sst s10  }
0x35: {  	s10 =	sld [smem:$0x3FB6];
	_ =	sdelay $0x3  }
0x36: {  	p1 =	seq.s32 s10, $0x1;
	s10 =	sld [smem:$0x3FB7];
	_ =	sdelay $0x3  }
0x37: {  	[smem:$0x3FB7] =	sst s10  }
0x38: {  	s10 =	sld [smem:$0x3FB8]  }
0x39: {  	_ = 	snop;
	(pc) =	sbr.ind lr, $3  }
0x3a: {  	_ = 	snop  }
0x3b: {  	_ = 	snop  }
0x3c: {  	p2 =	seq.s32 s10, $0x1;
	s10 =	sld [smem:$0x3FB7]  }
0x3d: {  	_ =	shalt  }
0x3e: {  	_ =	shalt  }
0x3f: {  	_ =	shalt  }
0x40: {  	_ =	shalt  }
0x41: {  	_ =	shalt  }
0x42: {  	_ =	shalt  }
0x43: {  	_ =	shalt  }
0x44: {  	_ =	shalt  }
0x45: {  	_ =	shalt  }
0x46: {  	_ =	shalt  }
0x47: {  	_ =	shalt  }
0x48: {  	_ =	shalt  }
0x49: {  	_ =	shalt  }
0x4a: {  	_ =	shalt  }
0x4b: {  	_ =	shalt  }
0x4c: {  	_ =	shalt  }
0x4d: {  	_ =	shalt  }
0x4e: {  	_ =	shalt  }
0x4f: {  	_ =	shalt  }
0x50: {  	_ =	shalt  }
0x51: {  	_ =	shalt  }
0x52: {  	_ =	shalt  }
0x53: {  	_ =	shalt  }
0x54: {  	_ =	shalt  }
0x55: {  	_ =	shalt  }
0x56: {  	_ =	shalt  }
0x57: {  	_ =	shalt  }
0x58: {  	_ =	shalt  }
0x59: {  	_ =	shalt  }
0x5a: {  	_ =	shalt  }
0x5b: {  	_ =	shalt  }
0x5c: {  	_ =	shalt  }
0x5d: {  	_ =	shalt  }
0x5e: {  	_ =	shalt  }
0x5f: {  	_ =	shalt  }
0x60: {  	_ =	shalt  }
0x61: {  	_ =	shalt  }
0x62: {  	_ =	shalt  }
0x63: {  	_ =	shalt  }
0x64: {  	_ =	shalt  }
0x65: {  	_ =	shalt  }
0x66: {  	_ =	shalt  }
0x67: {  	_ =	shalt  }
0x68: {  	_ =	shalt  }
0x69: {  	_ =	shalt  }
0x6a: {  	_ =	shalt  }
0x6b: {  	_ =	shalt  }
0x6c: {  	_ =	shalt  }
0x6d: {  	_ =	shalt  }
0x6e: {  	_ =	shalt  }
0x6f: {  	_ =	shalt  }
0x70: {  	_ =	shalt  }
0x71: {  	_ =	shalt  }
0x72: {  	_ =	shalt  }
0x73: {  	_ =	shalt  }
0x74: {  	_ =	shalt  }
0x75: {  	_ =	shalt  }
0x76: {  	_ =	shalt  }
0x77: {  	_ =	shalt  }
0x78: {  	_ =	shalt  }
0x79: {  	_ =	shalt  }
0x7a: {  	_ =	shalt  }
0x7b: {  	_ =	shalt  }
0x7c: {  	_ =	shalt  }
0x7d: {  	_ =	shalt  }
0x7e: {  	_ =	shalt  }
0x7f: {  	_ =	shalt  }
0x80: {  	_ =	shalt  }
0x81: {  	_ =	shalt  }
0x82: {  	_ =	shalt  }
0x83: {  	_ =	shalt  }
0x84: {  	_ =	shalt  }
0x85: {  	_ =	shalt  }
0x86: {  	_ =	shalt  }
0x87: {  	_ =	shalt  }
.Lfunc_end0:
.L_simem_size_0:
called_computation.1_lowered:
.L_overlay_start_0:
0x88: {  	s2 =	sld [smem:$0x3FD9]  }
0x89: {  	s3 =	sld [smem:$0x3FFE];
	_ =	sdelay $0x1  }
0x8a: {  	s1 =	srdreg.scid  }
0x8b: {  	s0 =	sand.u32 $0x1, s1  }
0x8c: {  	s17 =	sshll.u32 s0, $0xA;
	s2 =	sadd.s32 s3, s2  }
0x8d: {  	s2 =	sadd.s32 s2, s17  }
0x8e: {  	[smem:$0x3FC3] =	sst s2  }
0x8f: {  	_ = 	snop  }
0x90: {  	s2 =	sld [smem:$0x3FC6]  }
0x91: {  	s18 =	sld [smem:$0x3FD0];
	(tm) =	ssettm $0x1  }
0x92: {  	s4 =	sld [smem:$0x3FFB];
	_ =	sdelay $0x3  }
0x93: {  	_ =	strace s4  }
0x94: {  	s4 =	sld [smem:$0x3FFC];
	_ =	sdelay $0x3  }
0x95: {  	_ =	strace s4  }
0x96: {  	s4 =	sld [smem:$0x3FFD];
	_ =	sdelay $0x3  }
0x97: {  	_ =	strace s4  }
0x98: {  	_ =	strace $0x8FFFFFFF  }
0x99: {  	s19 =	sld [smem:$0x3FDB];
	_ =	sdelay $0x1  }
0x9a: {  	s5 =	simm.s32 $_scs_section_size  }
0x9b: {  	s6 =	simm.s32 $_size__tile_overlayer_lowered;
	s7 =	simm.s32 $_tile_overlayer_lowered  }
0x9c: {  	s22 =	simm.s32 $0x1BFF;
	s21 =	sshll.u32 s7, $0x1;
	s4 =	sadd.s32 s5, s19  }
0x9d: {  	s8 =	simm.s32 $0x0;
	s20 =	sshll.u32 s6, $0x1;
	s6 =	sadd.s32 s21, s4  }
0x9e: {  	[timem:s8], [sflag:s22] =	dma.local [hbm:s6], s20  }
0x9f: {  	_ =	swait.ge [sflag:s22], s20  }
0xa0: {  	s5 =	ssub.s32 $0x0, s20;
	[sflag:s22] =	ssyncset.done $0x0  }
0xa1: {  	[sflag:s22] =	ssyncadd.s32 s5;
	_ =	sdelay $0x1  }
0xa2: {  	s23 =	simm.s32 $0x1B8B  }
0xa3: {  	_ =	swait.ge [sflag:s23], $0x1  }
0xa4: {  	[sflag:s23] =	ssyncset.done $0x0  }
0xa5: {  	s25 =	simm.s32 $0x1B8E;
	s24 =	sld [smem:$0x3FFE];
	[sflag:s23] =	ssyncadd.s32 $0xFFFFFFFF  }
0xa6: {  	s26 =	simm.s32 $execute0_lowered;
	[smem:$0x3FD2] =	sst s25  }
0xa7: {  	s6 =	sshll.u32 s26, $0x1;
	_ =	strace $0x80000046;
	[dreg:$0x1] =	wrdreg $0xFFFFFFFF  }
0xa8: {  	s28 =	simm.s32 $_size_execute0_lowered;
	s4 =	sadd.s32 s4, s6;
	[dreg:$0x0] =	wrdreg $0x0  }
0xa9: {  	s6 =	sshll.u32 s28, $0x1;
	[dreg:$0x2] =	wrdreg s4  }
0xaa: {  	[dreg:$0x3] =	wrdreg s6  }
0xab: {  	[dreg:$0x4] =	wrdreg $0xC0  }
0xac: {  	_ =	task [dreg:s8], $0x5FFFF  }
0xad: {  	[dreg:$0x1] =	wrdreg $0xFFFFFFFF  }
0xae: {  	[dreg:$0x0] =	wrdreg $0x60  }
0xaf: {  	[dreg:$0x2] =	wrdreg s24  }
0xb0: {  	[dreg:$0x3] =	wrdreg s2  }
0xb1: {  	[dreg:$0x4] =	wrdreg s18  }
0xb2: {  	[dreg:$0x5] =	wrdreg $0x9  }
0xb3: {  	_ =	task.clear_ibuf [dreg:s8], $0x6FFFF;
	_ =	strace $0x90000046  }
0xb4: {  	s29 =	simm.s32 $0x9;
	_ =	strace $0x80000048  }
0xb5: {  	_ =	swait.ge [sflag:s29], $0x1  }
0xb6: {  	[sflag:s29] =	ssyncadd.s32 $0xFFFFFFFF  }
0xb7: {  	_ =	strace $0x90000048  }
0xb8: {  	_ =	sfence  }
0xb9: {  	s30 =	sld [smem:$0x0];
	_ =	sdelay $0x2  }
0xba: {  	s31 =	sshll.u32 s1, $0xD;
	s1 =	sshrl.u32 s1, $0x2  }
0xbb: {  	s3 =	sand.u32 $0x4000, s31;
	s1 =	sadd.s32 s1, s30  }
0xbc: {  	s0 =	sor.u32 s3, s0;
	s1 =	sshll.u32 s1, $0x11  }
0xbd: {  	s0 =	sor.u32 s1, s0  }
0xbe: {  	s0 =	sadd.s32 $0x8F2B, s0  }
0xbf: {  	[sflag:s0] =	ssyncadd.remote.s32 $0x1  }
0xc0: {  	_ =	sfence.sel $0xFFFF  }
0xc1: {  	[dreg:$0x0] =	wrdreg $0xFFFFFFFF;
	(pc) =	sbr.abs _section_cstart, $3  }
0xc2: {  	[dreg:$0x1] =	wrdreg $0xFFFFFFFF  }
0xc3: {  	_ =	task.clear_ibuf [dreg:s8], $0x2FFFF;
	_ =	strace $0x9FFFFFFF  }
0xc4: {  	(tm) =	ssettm $0x7FFFFFFF  }
0xc5: {  	_ =	shalt  }
tec
execute0_lowered:
.L_overlay_start_1:
0x0: {  	(tag) =	ssettag $0x1  }
0x1: {  	s0 =	rddreg [dreg:$0x0];
	s1 =	srdreg.scid  }
0x2: {  	s14 =	stileid.u32;
	s6 =	rddreg [dreg:$0x1]  }
0x3: {  	s2 =	rddreg [dreg:$0x2];
	s15 =	simm.s32 $0x80;
	s30 =	simm.s32 $0x9A00  }
0x4: {  	s19 =	simm.s32 $0xFE00;
	s21 =	simm.s32 $0x11700;
	s22 =	simm.s32 $0x1  }
0x5: {  	s28 =	simm.s32 $0x3;
	s29 =	simm.s32 $0x4;
	s31 =	simm.s32 $0x5  }
0x6: {  	s16 =	simm.s32 $0x8;
	s17 =	simm.s32 $0x0;
	s10 =	smul.u32 $0x64000, s14  }
0x7: {  	s1 =	sand.u32 $0x1, s1;
	s3 =	sshll.u32 s14, $0x1;
	s24 =	smul.u32 $0x320000, s14  }
0x8: {  	s14 =	simm.s32 $0xCC00;
	s5 =	sor.u32 s1, s3;
	s13 =	smul.u32 $0x32000, s1  }
0x9: {  	s3 =	simm.s32 $0x0;
	s9 =	ssub.s32 $0x2, s1;
	s1 =	smul.u32 $0x190000, s1  }
0xa: {  	s4 =	smul.u32 $0xD00, s5;
	[smem:$0x7FF] =	sst s3;
	s8 =	sshll.u32 s5, $0x6  }
0xb: {  	s12 =	sshrl.u32 s9, $0x1;
	s5 =	sadd.s32 $0x1AE00, s0;
	s26 =	sadd.s32 s10, s2  }
0xc: {  	_ =	strace $0x80000047;
	s11 =	sadd.s32 s8, s0;
	s23 =	ssub.s32 s9, s12  }
0xd: {  	s6 =	sadd.s32 s6, s8;
	s10 =	sadd.s32 s13, s26;
	s12 =	simm.s32 $0xA  }
0xe: {  	s26 =	simm.s32 $0x2;
	s7 =	sadd.s32 s4, s0;
	s4 =	sadd.s32 $0xF43200, s0  }
0xf: {  	[dreg:$0x5] =	wrdreg s6;
	s25 =	sadd.s32 $0x1CE00, s11;
	s9 =	smax.u32 s23, $0x1  }
0x10: {  	s6 =	sadd.s32 s1, s24;
	s23 =	simm.s32 $0x9;
	s24 =	simm.s32 $0x64  }
0x11: {  	s1 =	simm.s32 $0x6;
	s7 =	sadd.s32 $0xE00, s7;
	[dreg:$0x6] =	wrdreg s25  }
0x12: {  	s0 =	simm.s32 $0x7;
	s25 =	simm.s32 $0x6800;
	[dreg:$0x4] =	wrdreg s7  }
.LBB2_1:
0x13: {  	s7 =	rddreg [dreg:$0x4]  }
0x14: {  	[tilespmem:s3], [sflag:$0xA] =	stream.linear.gather [hbm4b:s7+s3], $0x6800, $0x38;
	[tilespmem:$0x1B400] =	vst v63  }
0x15: {  	_ =	swait.ge [sflag:s12], $0x6800  }
0x16: {  	[sflag:s12] =	ssyncset.done $0x0  }
0x17: {  	s8 =	simm.s32 $0x1B000;
	s18 =	rddreg [dreg:$0x5];
	[sflag:s12] =	ssyncadd.s32 $0xFFFF9800  }
0x18: {  	[tilespmem:s8], [sflag:$0xA] =	stream.linear.gather [hbm4b:s18+s3], $0x200, $0x38;
	[tilespmem:$0x1B400] =	vst v63  }
0x19: {  	_ =	swait.ge [sflag:s12], $0x200  }
0x1a: {  	[sflag:s12] =	ssyncset.done $0x0  }
0x1b: {  	s11 =	simm.s32 $0x1B200;
	s20 =	rddreg [dreg:$0x6];
	[sflag:s12] =	ssyncadd.s32 $0xFFFFFE00  }
0x1c: {  	[tilespmem:s11], [sflag:$0xA] =	stream.linear.gather [hbm4b:s20+s3], $0x200, $0x38;
	[tilespmem:$0x1B400] =	vst v63  }
0x1d: {  	_ =	swait.ge [sflag:s12], $0x200  }
0x1e: {  	[sflag:s12] =	ssyncset.done $0x0  }
0x1f: {  	s13 =	simm.s32 $0x13000;
	[sflag:s12] =	ssyncadd.s32 $0xFFFFFE00  }
0x20: {  	[tilespmem:s13], [sflag:$0x9] =	stream.indirect.gather [hbm4b:s5+s15], $0x40, s8, s15, $0xb8;
	[tilespmem:$0x1B400] =	vst v63  }
0x21: {  	s18 =	simm.s32 $0x1B080;
	s20 =	simm.s32 $0x15000  }
0x22: {  	[tilespmem:s20], [sflag:$0x9] =	stream.indirect.gather [hbm4b:s5+s15], $0x40, s18, s15, $0xb8;
	[tilespmem:$0x1B400] =	vst v63  }
0x23: {  	s11 =	simm.s32 $0x1B100;
	s13 =	simm.s32 $0x17000  }
0x24: {  	[tilespmem:s13], [sflag:$0x9] =	stream.indirect.gather [hbm4b:s5+s15], $0x40, s11, s15, $0xb8;
	[tilespmem:$0x1B400] =	vst v63  }
0x25: {  	s18 =	simm.s32 $0x1B180;
	s20 =	simm.s32 $0x19000  }
0x26: {  	[tilespmem:s20], [sflag:$0x9] =	stream.indirect.gather [hbm4b:s5+s15], $0x40, s18, s15, $0xb8;
	[tilespmem:$0x1B400] =	vst v63  }
0x27: {  	_ =	swait.ge [sflag:s23], $0x2000  }
0x28: {  	[sflag:s23] =	ssyncset.done $0x0  }
0x29: {  	[sflag:s23] =	ssyncadd.s32 $0xFFFFE000  }
0x2a: {  	_ =	swait.ge [sflag:s23], $0x2000  }
0x2b: {  	[sflag:s23] =	ssyncset.done $0x0  }
0x2c: {  	[sflag:s23] =	ssyncadd.s32 $0xFFFFE000  }
0x2d: {  	_ =	swait.ge [sflag:s23], $0x2000  }
0x2e: {  	[sflag:s23] =	ssyncset.done $0x0  }
0x2f: {  	[sflag:s23] =	ssyncadd.s32 $0xFFFFE000  }
0x30: {  	_ =	swait.ge [sflag:s23], $0x2000  }
0x31: {  	[sflag:s23] =	ssyncset.done $0x0  }
0x32: {  	[sflag:s23] =	ssyncadd.s32 $0xFFFFE000  }
0x33: {  	[tilespmem:s25], [sflag:$0x1] =	stream.indirect.gather [hbm4b:s4+s24], $0x40, s3, s24, $0xb8;
	[tilespmem:$0x1B400] =	vst v63  }
0x34: {  	s8 =	simm.s32 $0x68;
	s11 =	simm.s32 $0x8100  }
0x35: {  	[tilespmem:s11], [sflag:$0x1] =	stream.indirect.gather [hbm4b:s4+s24], $0x40, s8, s24, $0xb8;
	[tilespmem:$0x1B400] =	vst v63  }
0x36: {  	s13 =	simm.s32 $0xD0  }
0x37: {  	[tilespmem:s30], [sflag:$0x2] =	stream.indirect.gather [hbm4b:s4+s24], $0x40, s13, s24, $0xb8;
	[tilespmem:$0x1B400] =	vst v63  }
0x38: {  	s18 =	simm.s32 $0x138;
	s20 =	simm.s32 $0xB300  }
0x39: {  	[tilespmem:s20], [sflag:$0x2] =	stream.indirect.gather [hbm4b:s4+s24], $0x40, s18, s24, $0xb8;
	[tilespmem:$0x1B400] =	vst v63  }
0x3a: {  	s8 =	simm.s32 $0x1A0  }
0x3b: {  	[tilespmem:s14], [sflag:$0x3] =	stream.indirect.gather [hbm4b:s4+s24], $0x40, s8, s24, $0xb8;
	[tilespmem:$0x1B400] =	vst v63  }
0x3c: {  	s11 =	simm.s32 $0x208;
	s13 =	simm.s32 $0xE500  }
0x3d: {  	[tilespmem:s13], [sflag:$0x3] =	stream.indirect.gather [hbm4b:s4+s24], $0x40, s11, s24, $0xb8;
	[tilespmem:$0x1B400] =	vst v63  }
0x3e: {  	s18 =	simm.s32 $0x270  }
0x3f: {  	[tilespmem:s19], [sflag:$0x4] =	stream.indirect.gather [hbm4b:s4+s24], $0x40, s18, s24, $0xb8;
	[tilespmem:$0x1B400] =	vst v63  }
0x40: {  	s20 =	simm.s32 $0x2D8;
	s11 =	smov.u32 s10;
	s13 =	simm.s32 $0x0  }
0x41: {  	[tilespmem:s21], [sflag:$0x4] =	stream.indirect.gather [hbm4b:s4+s24], $0x40, s20, s24, $0xb8;
	[tilespmem:$0x1B400] =	vst v63  }
.LBB2_2:
0x42: {  	_ =	swait.ge [sflag:s22], $0x1900  }
0x43: {  	[sflag:s22] =	ssyncset.done $0x0  }
0x44: {  	[sflag:s22] =	ssyncadd.s32 $0xFFFFE700  }
0x45: {  	_ =	swait.ge [sflag:s22], $0x1900  }
0x46: {  	p0 =	seq.s32 s13, $0x19300;
	[sflag:s22] =	ssyncset.done $0x0  }
0x47: {  	s18 =	simm.s32 @!p0 $0x5;
	[sflag:s22] =	ssyncadd.s32 $0xFFFFE700  }
0x48: {  	[hbm4b:s11+s3] =	stream.linear.scatter [tilespmem:s25], [sflag:$0x5], $0x3200, $0x38;
	[tilespmem:$0x1B400] =	vst v63  }
0x49: {  	_ =	swait.ge @!p0 [sflag:s18], $0x3200  }
0x4a: {  	[sflag:s18] =	ssyncset.done @!p0 $0x0  }
0x4b: {  	[sflag:s18] =	ssyncadd.s32 @!p0 $0xFFFFCE00;
	s18 =	sshra.s32 @!p0 s13, $0x2  }
0x4c: {  	s7 =	simm.s32 @!p0 $0x64;
	s8 =	simm.s32 @!p0 $0x6800;
	s20 =	sadd.s32 @!p0 $0x340, s18  }
0x4d: {  	[tilespmem:s8], [sflag:$0x1] =	stream.indirect.gather @!p0 [hbm4b:s4+s7], $0x40, s20, s7, $0xb8;
	[tilespmem:$0x1B400] =	vst v63  }
0x4e: {  	s8 =	sadd.s32 @!p0 $0x3A8, s18;
	s20 =	simm.s32 @!p0 $0x8100  }
0x4f: {  	[tilespmem:s20], [sflag:$0x1] =	stream.indirect.gather @!p0 [hbm4b:s4+s7], $0x40, s8, s7, $0xb8;
	[tilespmem:$0x1B400] =	vst v63  }
0x50: {  	_ =	swait.ge [sflag:s26], $0x1900  }
0x51: {  	[sflag:s26] =	ssyncset.done $0x0  }
0x52: {  	[sflag:s26] =	ssyncadd.s32 $0xFFFFE700  }
0x53: {  	_ =	swait.ge [sflag:s26], $0x1900  }
0x54: {  	[sflag:s26] =	ssyncset.done $0x0  }
0x55: {  	s20 =	sadd.s32 $0x640, s11;
	s8 =	simm.s32 @!p0 $0x6;
	[sflag:s26] =	ssyncadd.s32 $0xFFFFE700  }
0x56: {  	[hbm4b:s20+s3] =	stream.linear.scatter [tilespmem:s30], [sflag:$0x6], $0x3200, $0x38;
	[tilespmem:$0x1B400] =	vst v63  }
0x57: {  	_ =	swait.ge @!p0 [sflag:s8], $0x3200  }
0x58: {  	[sflag:s8] =	ssyncset.done @!p0 $0x0  }
0x59: {  	s20 =	simm.s32 @!p0 $0x9A00;
	[sflag:s8] =	ssyncadd.s32 @!p0 $0xFFFFCE00;
	s8 =	sadd.s32 @!p0 $0x410, s18  }
0x5a: {  	[tilespmem:s20], [sflag:$0x2] =	stream.indirect.gather @!p0 [hbm4b:s4+s7], $0x40, s8, s7, $0xb8;
	[tilespmem:$0x1B400] =	vst v63  }
0x5b: {  	s8 =	sadd.s32 @!p0 $0x478, s18;
	s20 =	simm.s32 @!p0 $0xB300  }
0x5c: {  	[tilespmem:s20], [sflag:$0x2] =	stream.indirect.gather @!p0 [hbm4b:s4+s7], $0x40, s8, s7, $0xb8;
	[tilespmem:$0x1B400] =	vst v63  }
0x5d: {  	_ =	swait.ge [sflag:s28], $0x1900  }
0x5e: {  	[sflag:s28] =	ssyncset.done $0x0  }
0x5f: {  	[sflag:s28] =	ssyncadd.s32 $0xFFFFE700  }
0x60: {  	_ =	swait.ge [sflag:s28], $0x1900  }
0x61: {  	[sflag:s28] =	ssyncset.done $0x0  }
0x62: {  	s20 =	sadd.s32 $0xC80, s11;
	s8 =	simm.s32 @!p0 $0x7;
	[sflag:s28] =	ssyncadd.s32 $0xFFFFE700  }
0x63: {  	[hbm4b:s20+s3] =	stream.linear.scatter [tilespmem:s14], [sflag:$0x7], $0x3200, $0x38;
	[tilespmem:$0x1B400] =	vst v63  }
0x64: {  	_ =	swait.ge @!p0 [sflag:s8], $0x3200  }
0x65: {  	[sflag:s8] =	ssyncset.done @!p0 $0x0  }
0x66: {  	s20 =	simm.s32 @!p0 $0xCC00;
	[sflag:s8] =	ssyncadd.s32 @!p0 $0xFFFFCE00;
	s8 =	sadd.s32 @!p0 $0x4E0, s18  }
0x67: {  	[tilespmem:s20], [sflag:$0x3] =	stream.indirect.gather @!p0 [hbm4b:s4+s7], $0x40, s8, s7, $0xb8;
	[tilespmem:$0x1B400] =	vst v63  }
0x68: {  	s8 =	sadd.s32 @!p0 $0x548, s18;
	s18 =	simm.s32 @!p0 $0xE500  }
0x69: {  	[tilespmem:s18], [sflag:$0x3] =	stream.indirect.gather @!p0 [hbm4b:s4+s7], $0x40, s8, s7, $0xb8;
	[tilespmem:$0x1B400] =	vst v63  }
0x6a: {  	_ =	swait.ge [sflag:s29], $0x1900  }
0x6b: {  	[sflag:s29] =	ssyncset.done $0x0  }
.Ltmp0:
0x6c: {  	[sflag:s29] =	ssyncadd.s32 $0xFFFFE700;
	(pc) =	sbr.rel @p0 .LBB2_4-.Ltmp0, $4  }
0x6d: {  	_ =	swait.ge [sflag:s29], $0x1900  }
0x6e: {  	[sflag:s29] =	ssyncset.done $0x0  }
0x6f: {  	s20 =	sadd.s32 $0x12C0, s11;
	[sflag:s29] =	ssyncadd.s32 $0xFFFFE700  }
0x70: {  	[hbm4b:s20+s3] =	stream.linear.scatter [tilespmem:s19], [sflag:$0x8], $0x3200, $0x38;
	[tilespmem:$0x1B400] =	vst v63  }
0x71: {  	_ =	swait.ge [sflag:s16], $0x3200  }
.Ltmp1:
0x72: {  	s7 =	sshra.s32 s13, $0x2;
	[sflag:s16] =	ssyncset.done $0x0;
	(pc) =	sbr.rel .LBB2_2-.Ltmp1, $4  }
0x73: {  	s8 =	sadd.s32 $0x5B0, s7;
	[sflag:s16] =	ssyncadd.s32 $0xFFFFCE00  }
0x74: {  	[tilespmem:s19], [sflag:$0x4] =	stream.indirect.gather [hbm4b:s4+s24], $0x40, s8, s24, $0xb8;
	[tilespmem:$0x1B400] =	vst v63  }
0x75: {  	s13 =	sadd.s32 $0xD00, s13;
	s11 =	sadd.s32 $0x1900, s11;
	s7 =	sadd.s32 $0x618, s7  }
0x76: {  	[tilespmem:s21], [sflag:$0x4] =	stream.indirect.gather [hbm4b:s4+s24], $0x40, s7, s24, $0xb8;
	[tilespmem:$0x1B400] =	vst v63  }
.LBB2_4:
0x77: {  	_ =	swait.ge [sflag:s31], $0x3200  }
0x78: {  	[sflag:s31] =	ssyncset.done $0x0  }
0x79: {  	[sflag:s31] =	ssyncadd.s32 $0xFFFFCE00  }
0x7a: {  	_ =	swait.ge [sflag:s1], $0x3200  }
0x7b: {  	[sflag:s1] =	ssyncset.done $0x0  }
0x7c: {  	[sflag:s1] =	ssyncadd.s32 $0xFFFFCE00  }
0x7d: {  	_ =	swait.ge [sflag:s0], $0x3200  }
0x7e: {  	[sflag:s0] =	ssyncset.done $0x0  }
0x7f: {  	[sflag:s0] =	ssyncadd.s32 $0xFFFFCE00  }
0x80: {  	_ =	swait.ge [sflag:s16], $0x3200  }
0x81: {  	[sflag:s16] =	ssyncset.done $0x0  }
0x82: {  	s18 =	simm.s32 $0x1B200;
	[sflag:s16] =	ssyncadd.s32 $0xFFFFCE00  }
0x83: {  	v0 =	vld [tilespmem:s18+$0x0];
	_ =	sdelay $0x4  }
0x84: {  	v0 =	vshll.u32 v0, $0x6  }
0x85: {  	v0 =	vadd.s32 s6, v0  }
0x86: {  	v1 =	vshrl.u32 v0, $0x3  }
0x87: {  	v1 =	vadd.s32 s2, v1  }
0x88: {  	(v2sf) =	vpush v1, $0x0;
	_ =	sdelay $0x1  }
0x89: {  	(v2sf) =	vpush v1, $0x1;
	_ =	sdelay $0x1  }
0x8a: {  	(v2sf) =	vpush v1, $0x2  }
0x8b: {  	v2 =	vadd.s32 $0x3200, v0  }
0x8c: {  	v2 =	vshrl.u32 v2, $0x3;
	(v2sf) =	vpush v1, $0x3  }
0x8d: {  	v61 =	vadd.s32 s2, v2  }
0x8e: {  	(v2sf) =	vpush v61, $0x4;
	_ =	sdelay $0x1  }
0x8f: {  	(v2sf) =	vpush v61, $0x5;
	_ =	sdelay $0x1  }
0x90: {  	(v2sf) =	vpush v61, $0x6  }
0x91: {  	v62 =	vadd.s32 $0x6400, v0  }
0x92: {  	v2 =	vshrl.u32 v62, $0x3;
	(v2sf) =	vpush v61, $0x7  }
0x93: {  	s7 =	simm.s32 $0x13000;
	v63 =	vadd.s32 s2, v2;
	s8 =	spop (v2sf)  }
0x94: {  	(v2sf) =	vpush v63, $0x8;
	[hbm4b:s8+s3] =	stream.linear.scatter [tilespmem:s7], [sflag:$0x9], $0x40, $0x38;
	[tilespmem:$0x1B400] =	vst v63  }
0x95: {  	s13 =	simm.s32 $0x13040;
	s20 =	spop (v2sf)  }
0x96: {  	(v2sf) =	vpush v63, $0x9;
	[hbm4b:s20+s3] =	stream.linear.scatter [tilespmem:s13], [sflag:$0x9], $0x40, $0x38;
	[tilespmem:$0x1B400] =	vst v63  }
0x97: {  	s8 =	simm.s32 $0x13080;
	s11 =	spop (v2sf)  }
0x98: {  	(v2sf) =	vpush v63, $0xA;
	[hbm4b:s11+s3] =	stream.linear.scatter [tilespmem:s8], [sflag:$0x9], $0x40, $0x38;
	[tilespmem:$0x1B400] =	vst v63  }
0x99: {  	v0 =	vadd.s32 $0x9600, v0;
	s13 =	simm.s32 $0x130C0;
	s20 =	spop (v2sf)  }
0x9a: {  	v0 =	vshrl.u32 v0, $0x3;
	(v2sf) =	vpush v63, $0xB;
	[hbm4b:s20+s3] =	stream.linear.scatter [tilespmem:s13], [sflag:$0x9], $0x40, $0x38;
	[tilespmem:$0x1B400] =	vst v63  }
0x9b: {  	v0 =	vadd.s32 s2, v0;
	s8 =	simm.s32 $0x13100;
	s11 =	spop (v2sf)  }
0x9c: {  	(v2sf) =	vpush v0, $0xC;
	[hbm4b:s11+s3] =	stream.linear.scatter [tilespmem:s8], [sflag:$0x9], $0x40, $0x38;
	[tilespmem:$0x1B400] =	vst v63  }
0x9d: {  	s13 =	simm.s32 $0x13140;
	s20 =	spop (v2sf)  }
0x9e: {  	(v2sf) =	vpush v0, $0xD;
	[hbm4b:s20+s3] =	stream.linear.scatter [tilespmem:s13], [sflag:$0x9], $0x40, $0x38;
	[tilespmem:$0x1B400] =	vst v63  }
0x9f: {  	s8 =	simm.s32 $0x13180;
	s11 =	spop (v2sf)  }
0xa0: {  	(v2sf) =	vpush v0, $0xE;
	[hbm4b:s11+s3] =	stream.linear.scatter [tilespmem:s8], [sflag:$0x9], $0x40, $0x38;
	[tilespmem:$0x1B400] =	vst v63  }
0xa1: {  	s13 =	simm.s32 $0x131C0;
	s20 =	spop (v2sf)  }
0xa2: {  	(v2sf) =	vpush v0, $0xF;
	[hbm4b:s20+s3] =	stream.linear.scatter [tilespmem:s13], [sflag:$0x9], $0x40, $0x38;
	[tilespmem:$0x1B400] =	vst v63  }
0xa3: {  	s8 =	simm.s32 $0x13200;
	s11 =	spop (v2sf)  }
0xa4: {  	[hbm4b:s11+s3] =	stream.linear.scatter [tilespmem:s8], [sflag:$0x9], $0x40, $0x38;
	[tilespmem:$0x1B400] =	vst v63  }
0xa5: {  	s13 =	simm.s32 $0x13240;
	s20 =	spop (v2sf)  }
0xa6: {  	[hbm4b:s20+s3] =	stream.linear.scatter [tilespmem:s13], [sflag:$0x9], $0x40, $0x38;
	[tilespmem:$0x1B400] =	vst v63  }
0xa7: {  	s8 =	simm.s32 $0x13280;
	s11 =	spop (v2sf)  }
0xa8: {  	[hbm4b:s11+s3] =	stream.linear.scatter [tilespmem:s8], [sflag:$0x9], $0x40, $0x38;
	[tilespmem:$0x1B400] =	vst v63  }
0xa9: {  	s13 =	simm.s32 $0x132C0;
	s20 =	spop (v2sf)  }
0xaa: {  	[hbm4b:s20+s3] =	stream.linear.scatter [tilespmem:s13], [sflag:$0x9], $0x40, $0x38;
	[tilespmem:$0x1B400] =	vst v63  }
0xab: {  	s8 =	simm.s32 $0x13300;
	s11 =	spop (v2sf)  }
0xac: {  	[hbm4b:s11+s3] =	stream.linear.scatter [tilespmem:s8], [sflag:$0x9], $0x40, $0x38;
	[tilespmem:$0x1B400] =	vst v63  }
0xad: {  	s13 =	simm.s32 $0x13340;
	s20 =	spop (v2sf)  }
0xae: {  	[hbm4b:s20+s3] =	stream.linear.scatter [tilespmem:s13], [sflag:$0x9], $0x40, $0x38;
	[tilespmem:$0x1B400] =	vst v63  }
0xaf: {  	s8 =	simm.s32 $0x13380;
	s11 =	spop (v2sf)  }
0xb0: {  	[hbm4b:s11+s3] =	stream.linear.scatter [tilespmem:s8], [sflag:$0x9], $0x40, $0x38;
	[tilespmem:$0x1B400] =	vst v63  }
0xb1: {  	s13 =	simm.s32 $0x133C0;
	s20 =	spop (v2sf)  }
0xb2: {  	[hbm4b:s20+s3] =	stream.linear.scatter [tilespmem:s13], [sflag:$0x9], $0x40, $0x38;
	[tilespmem:$0x1B400] =	vst v63  }
0xb3: {  	_ =	swait.ge [sflag:s23], $0x40  }
0xb4: {  	[sflag:s23] =	ssyncset.done $0x0  }
0xb5: {  	[sflag:s23] =	ssyncadd.s32 $0xFFFFFFC0  }
0xb6: {  	_ =	swait.ge [sflag:s23], $0x40  }
0xb7: {  	[sflag:s23] =	ssyncset.done $0x0  }
0xb8: {  	[sflag:s23] =	ssyncadd.s32 $0xFFFFFFC0  }
0xb9: {  	_ =	swait.ge [sflag:s23], $0x40  }
0xba: {  	[sflag:s23] =	ssyncset.done $0x0  }
0xbb: {  	[sflag:s23] =	ssyncadd.s32 $0xFFFFFFC0  }
0xbc: {  	_ =	swait.ge [sflag:s23], $0x40  }
0xbd: {  	[sflag:s23] =	ssyncset.done $0x0  }
0xbe: {  	[sflag:s23] =	ssyncadd.s32 $0xFFFFFFC0  }
0xbf: {  	_ =	swait.ge [sflag:s23], $0x40  }
0xc0: {  	[sflag:s23] =	ssyncset.done $0x0  }
0xc1: {  	[sflag:s23] =	ssyncadd.s32 $0xFFFFFFC0  }
0xc2: {  	_ =	swait.ge [sflag:s23], $0x40  }
0xc3: {  	[sflag:s23] =	ssyncset.done $0x0  }
0xc4: {  	[sflag:s23] =	ssyncadd.s32 $0xFFFFFFC0  }
0xc5: {  	_ =	swait.ge [sflag:s23], $0x40  }
0xc6: {  	[sflag:s23] =	ssyncset.done $0x0  }
0xc7: {  	[sflag:s23] =	ssyncadd.s32 $0xFFFFFFC0  }
0xc8: {  	_ =	swait.ge [sflag:s23], $0x40  }
0xc9: {  	[sflag:s23] =	ssyncset.done $0x0  }
0xca: {  	[sflag:s23] =	ssyncadd.s32 $0xFFFFFFC0  }
0xcb: {  	_ =	swait.ge [sflag:s23], $0x40  }
0xcc: {  	[sflag:s23] =	ssyncset.done $0x0  }
0xcd: {  	[sflag:s23] =	ssyncadd.s32 $0xFFFFFFC0  }
0xce: {  	_ =	swait.ge [sflag:s23], $0x40  }
0xcf: {  	[sflag:s23] =	ssyncset.done $0x0  }
0xd0: {  	[sflag:s23] =	ssyncadd.s32 $0xFFFFFFC0  }
0xd1: {  	_ =	swait.ge [sflag:s23], $0x40  }
0xd2: {  	[sflag:s23] =	ssyncset.done $0x0  }
0xd3: {  	[sflag:s23] =	ssyncadd.s32 $0xFFFFFFC0  }
0xd4: {  	_ =	swait.ge [sflag:s23], $0x40  }
0xd5: {  	[sflag:s23] =	ssyncset.done $0x0  }
0xd6: {  	[sflag:s23] =	ssyncadd.s32 $0xFFFFFFC0  }
0xd7: {  	_ =	swait.ge [sflag:s23], $0x40  }
0xd8: {  	[sflag:s23] =	ssyncset.done $0x0  }
0xd9: {  	[sflag:s23] =	ssyncadd.s32 $0xFFFFFFC0  }
0xda: {  	_ =	swait.ge [sflag:s23], $0x40  }
0xdb: {  	[sflag:s23] =	ssyncset.done $0x0  }
0xdc: {  	[sflag:s23] =	ssyncadd.s32 $0xFFFFFFC0  }
0xdd: {  	_ =	swait.ge [sflag:s23], $0x40  }
0xde: {  	[sflag:s23] =	ssyncset.done $0x0  }
0xdf: {  	[sflag:s23] =	ssyncadd.s32 $0xFFFFFFC0  }
0xe0: {  	_ =	swait.ge [sflag:s23], $0x40  }
0xe1: {  	s11 =	smov.u32 s6;
	s20 =	simm.s32 $0x1000;
	[sflag:s23] =	ssyncset.done $0x0  }
.LBB2_5:
0xe2: {  	[sflag:s23] =	ssyncadd.s32 $0xFFFFFFC0;
	s11 =	sadd.s32 $0xC800, s11;
	s18 =	sadd.s32 $0x10, s18  }
0xe3: {  	p0 =	sne.s32 s20, $0x1F000;
	s7 =	smov.u32 s20;
	s20 =	sadd.s32 $0x1000, s20;
	v0 =	vld [tilespmem:s18+$0x0]  }
0xe4: {  	_ =	sdelay $0x3  }
0xe5: {  	v0 =	vshll.u32 v0, $0x6  }
0xe6: {  	v0 =	vadd.s32 s11, v0  }
0xe7: {  	v1 =	vshrl.u32 v0, $0x3;
	v2 =	vadd.s32 $0x3200, v0;
	v3 =	vadd.s32 $0x6400, v0  }
0xe8: {  	v1 =	vadd.s32 s2, v1;
	v2 =	vshrl.u32 v2, $0x3;
	v3 =	vshrl.u32 v3, $0x3  }
0xe9: {  	v2 =	vadd.s32 s2, v2;
	v3 =	vadd.s32 s2, v3;
	(v2sf) =	vpush v1, $0x0  }
0xea: {  	v0 =	vadd.s32 $0x9600, v0  }
0xeb: {  	v0 =	vshrl.u32 v0, $0x3;
	(v2sf) =	vpush v1, $0x1  }
0xec: {  	v0 =	vadd.s32 s2, v0  }
0xed: {  	(v2sf) =	vpush v1, $0x2;
	_ =	sdelay $0x1  }
0xee: {  	(v2sf) =	vpush v1, $0x3;
	_ =	sdelay $0x1  }
0xef: {  	(v2sf) =	vpush v2, $0x4;
	_ =	sdelay $0x1  }
0xf0: {  	(v2sf) =	vpush v2, $0x5;
	_ =	sdelay $0x1  }
0xf1: {  	(v2sf) =	vpush v2, $0x6;
	_ =	sdelay $0x1  }
0xf2: {  	s13 =	sshra.s32 s7, $0x2;
	(v2sf) =	vpush v2, $0x7  }
0xf3: {  	s7 =	sadd.s32 $0x13000, s13;
	s8 =	spop (v2sf)  }
0xf4: {  	[hbm4b:s8+s3] =	stream.linear.scatter [tilespmem:s7], [sflag:$0x9], $0x40, $0x38;
	(v2sf) =	vpush v3, $0x8;
	[tilespmem:$0x1B400] =	vst v63  }
0xf5: {  	s7 =	sadd.s32 $0x13040, s13;
	s8 =	spop (v2sf)  }
0xf6: {  	[hbm4b:s8+s3] =	stream.linear.scatter [tilespmem:s7], [sflag:$0x9], $0x40, $0x38;
	(v2sf) =	vpush v3, $0x9;
	[tilespmem:$0x1B400] =	vst v63  }
0xf7: {  	s7 =	sadd.s32 $0x13080, s13;
	s8 =	spop (v2sf)  }
0xf8: {  	[hbm4b:s8+s3] =	stream.linear.scatter [tilespmem:s7], [sflag:$0x9], $0x40, $0x38;
	(v2sf) =	vpush v3, $0xA;
	[tilespmem:$0x1B400] =	vst v63  }
0xf9: {  	s7 =	sadd.s32 $0x130C0, s13;
	s8 =	spop (v2sf)  }
0xfa: {  	[hbm4b:s8+s3] =	stream.linear.scatter [tilespmem:s7], [sflag:$0x9], $0x40, $0x38;
	(v2sf) =	vpush v3, $0xB;
	[tilespmem:$0x1B400] =	vst v63  }
0xfb: {  	s7 =	sadd.s32 $0x13100, s13;
	s8 =	spop (v2sf)  }
0xfc: {  	[hbm4b:s8+s3] =	stream.linear.scatter [tilespmem:s7], [sflag:$0x9], $0x40, $0x38;
	(v2sf) =	vpush v0, $0xC;
	[tilespmem:$0x1B400] =	vst v63  }
0xfd: {  	s7 =	sadd.s32 $0x13140, s13;
	s8 =	spop (v2sf)  }
0xfe: {  	[hbm4b:s8+s3] =	stream.linear.scatter [tilespmem:s7], [sflag:$0x9], $0x40, $0x38;
	(v2sf) =	vpush v0, $0xD;
	[tilespmem:$0x1B400] =	vst v63  }
0xff: {  	s7 =	sadd.s32 $0x13180, s13;
	s8 =	spop (v2sf)  }
0x100: {  	[hbm4b:s8+s3] =	stream.linear.scatter [tilespmem:s7], [sflag:$0x9], $0x40, $0x38;
	(v2sf) =	vpush v0, $0xE;
	[tilespmem:$0x1B400] =	vst v63  }
0x101: {  	s7 =	sadd.s32 $0x131C0, s13;
	s8 =	spop (v2sf)  }
0x102: {  	[hbm4b:s8+s3] =	stream.linear.scatter [tilespmem:s7], [sflag:$0x9], $0x40, $0x38;
	(v2sf) =	vpush v0, $0xF;
	[tilespmem:$0x1B400] =	vst v63  }
0x103: {  	s7 =	sadd.s32 $0x13200, s13;
	s8 =	spop (v2sf)  }
0x104: {  	[hbm4b:s8+s3] =	stream.linear.scatter [tilespmem:s7], [sflag:$0x9], $0x40, $0x38;
	[tilespmem:$0x1B400] =	vst v63  }
0x105: {  	s7 =	sadd.s32 $0x13240, s13;
	s8 =	spop (v2sf)  }
0x106: {  	[hbm4b:s8+s3] =	stream.linear.scatter [tilespmem:s7], [sflag:$0x9], $0x40, $0x38;
	[tilespmem:$0x1B400] =	vst v63  }
0x107: {  	s7 =	sadd.s32 $0x13280, s13;
	s8 =	spop (v2sf)  }
0x108: {  	[hbm4b:s8+s3] =	stream.linear.scatter [tilespmem:s7], [sflag:$0x9], $0x40, $0x38;
	[tilespmem:$0x1B400] =	vst v63  }
0x109: {  	s7 =	sadd.s32 $0x132C0, s13;
	s8 =	spop (v2sf)  }
0x10a: {  	[hbm4b:s8+s3] =	stream.linear.scatter [tilespmem:s7], [sflag:$0x9], $0x40, $0x38;
	[tilespmem:$0x1B400] =	vst v63  }
0x10b: {  	s7 =	sadd.s32 $0x13300, s13;
	s8 =	spop (v2sf)  }
0x10c: {  	[hbm4b:s8+s3] =	stream.linear.scatter [tilespmem:s7], [sflag:$0x9], $0x40, $0x38;
	[tilespmem:$0x1B400] =	vst v63  }
0x10d: {  	s7 =	sadd.s32 $0x13340, s13;
	s8 =	spop (v2sf)  }
0x10e: {  	[hbm4b:s8+s3] =	stream.linear.scatter [tilespmem:s7], [sflag:$0x9], $0x40, $0x38;
	[tilespmem:$0x1B400] =	vst v63  }
0x10f: {  	s7 =	sadd.s32 $0x13380, s13;
	s8 =	spop (v2sf)  }
0x110: {  	[hbm4b:s8+s3] =	stream.linear.scatter [tilespmem:s7], [sflag:$0x9], $0x40, $0x38;
	[tilespmem:$0x1B400] =	vst v63  }
0x111: {  	s7 =	sadd.s32 $0x133C0, s13;
	s8 =	spop (v2sf)  }
0x112: {  	[hbm4b:s8+s3] =	stream.linear.scatter [tilespmem:s7], [sflag:$0x9], $0x40, $0x38;
	[tilespmem:$0x1B400] =	vst v63  }
0x113: {  	_ =	swait.ge [sflag:s23], $0x40  }
0x114: {  	[sflag:s23] =	ssyncset.done $0x0  }
0x115: {  	[sflag:s23] =	ssyncadd.s32 $0xFFFFFFC0  }
0x116: {  	_ =	swait.ge [sflag:s23], $0x40  }
0x117: {  	[sflag:s23] =	ssyncset.done $0x0  }
0x118: {  	[sflag:s23] =	ssyncadd.s32 $0xFFFFFFC0  }
0x119: {  	_ =	swait.ge [sflag:s23], $0x40  }
0x11a: {  	[sflag:s23] =	ssyncset.done $0x0  }
0x11b: {  	[sflag:s23] =	ssyncadd.s32 $0xFFFFFFC0  }
0x11c: {  	_ =	swait.ge [sflag:s23], $0x40  }
0x11d: {  	[sflag:s23] =	ssyncset.done $0x0  }
0x11e: {  	[sflag:s23] =	ssyncadd.s32 $0xFFFFFFC0  }
0x11f: {  	_ =	swait.ge [sflag:s23], $0x40  }
0x120: {  	[sflag:s23] =	ssyncset.done $0x0  }
0x121: {  	[sflag:s23] =	ssyncadd.s32 $0xFFFFFFC0  }
0x122: {  	_ =	swait.ge [sflag:s23], $0x40  }
0x123: {  	[sflag:s23] =	ssyncset.done $0x0  }
0x124: {  	[sflag:s23] =	ssyncadd.s32 $0xFFFFFFC0  }
0x125: {  	_ =	swait.ge [sflag:s23], $0x40  }
0x126: {  	[sflag:s23] =	ssyncset.done $0x0  }
0x127: {  	[sflag:s23] =	ssyncadd.s32 $0xFFFFFFC0  }
0x128: {  	_ =	swait.ge [sflag:s23], $0x40  }
0x129: {  	[sflag:s23] =	ssyncset.done $0x0  }
0x12a: {  	[sflag:s23] =	ssyncadd.s32 $0xFFFFFFC0  }
0x12b: {  	_ =	swait.ge [sflag:s23], $0x40  }
0x12c: {  	[sflag:s23] =	ssyncset.done $0x0  }
0x12d: {  	[sflag:s23] =	ssyncadd.s32 $0xFFFFFFC0  }
0x12e: {  	_ =	swait.ge [sflag:s23], $0x40  }
0x12f: {  	[sflag:s23] =	ssyncset.done $0x0  }
0x130: {  	[sflag:s23] =	ssyncadd.s32 $0xFFFFFFC0  }
0x131: {  	_ =	swait.ge [sflag:s23], $0x40  }
0x132: {  	[sflag:s23] =	ssyncset.done $0x0  }
0x133: {  	[sflag:s23] =	ssyncadd.s32 $0xFFFFFFC0  }
0x134: {  	_ =	swait.ge [sflag:s23], $0x40  }
0x135: {  	[sflag:s23] =	ssyncset.done $0x0  }
0x136: {  	[sflag:s23] =	ssyncadd.s32 $0xFFFFFFC0  }
0x137: {  	_ =	swait.ge [sflag:s23], $0x40  }
0x138: {  	[sflag:s23] =	ssyncset.done $0x0  }
0x139: {  	[sflag:s23] =	ssyncadd.s32 $0xFFFFFFC0  }
0x13a: {  	_ =	swait.ge [sflag:s23], $0x40  }
0x13b: {  	[sflag:s23] =	ssyncset.done $0x0  }
0x13c: {  	[sflag:s23] =	ssyncadd.s32 $0xFFFFFFC0  }
.Ltmp2:
0x13d: {  	_ =	swait.ge [sflag:s23], $0x40;
	(pc) =	sbr.rel @p0 .LBB2_5-.Ltmp2, $4  }
0x13e: {  	[sflag:s23] =	ssyncset.done $0x0  }
0x13f: {  	[sflag:s23] =	ssyncadd.s32 $0xFFFFFFC0  }
0x140: {  	_ =	swait.ge [sflag:s23], $0x40  }
0x141: {  	[sflag:s23] =	ssyncset.done $0x0  }
0x142: {  	s17 =	sadd.s32 $0x1, s17  }
0x143: {  	p0 =	sne.s32 s17, s9  }
.Ltmp3:
0x144: {  	_ = 	snop;
	(pc) =	sbr.rel @p0 .LBB2_1-.Ltmp3, $2  }
0x145: {  	_ =	sdelay $0x2  }
0x146: {  	[sflag:s23] =	ssyncadd.s32 $0xFFFFFFC0  }
0x147: {  	_ =	sfence.sel $0x180000  }
0x148: {  	[bflag:$0x0] =	sbarrier.arrive $0xFFFF  }
0x149: {  	_ =	strace $0x90000047  }
0x14a: {  	s0 =	stileid.u32;
	[bflag:$0x2] =	sbarrier.arrive $0xFFFF  }
0x14b: {  	p0 =	sne.s32 s0, $0x0;
	s0 =	rddreg [dreg:$0x3]  }
0x14c: {  	s0 =	sadd.s32 @!p0 $0x100000, s0  }
0x14d: {  	[sflag:s0] =	ssyncadd.tile.s32 @!p0 $0x1;
	_ =	shalt  }
.Lfunc_end2:
_tile_overlayer_lowered:
.L_overlay_start_2:
0x14e: {  	(tag) =	ssettag $0x2  }
0x14f: {  	s0 =	rddreg [dreg:$0x0];
	s2 =	stileid.u32  }
0x150: {  	s1 =	rddreg [dreg:$0x1];
	p0 =	sne.s32 s2, $0x0  }
0x151: {  	s3 =	rddreg [dreg:$0x2];
	[bflag:$0x3] =	sbarrier.arrive $0xFFFF;
	s2 =	simm.s32 @!p0 $0x1C0A  }
0x152: {  	[timem:s3], [sflag:s2] =	dma.local @!p0 [hbm:s0], s1  }
0x153: {  	s0 =	simm.s32 @!p0 $0xA  }
0x154: {  	_ =	swait.ge @!p0 [sflag:s0], s1  }
0x155: {  	s1 =	ssub.s32 @!p0 $0x0, s1;
	[sflag:s0] =	ssyncset.done @!p0 $0x0  }
0x156: {  	[sflag:s0] =	ssyncadd.s32 @!p0 s1  }
0x157: {  	[bflag:$0x3] =	sbarrier.arrive $0xFFFF  }
0x158: {  	_ =	shalt  }

// kernel: sparse-core-data-format-call.cloned.1.call-start
scs
called_computation_lowered:
.L_overlay_start_0:
0x0: {  	s2 =	sld [smem:$0x3FD9]  }
0x1: {  	s3 =	sld [smem:$0x3FFE];
	_ =	sdelay $0x1  }
0x2: {  	s1 =	srdreg.scid  }
0x3: {  	s0 =	sand.u32 $0x1, s1  }
0x4: {  	s18 =	sshll.u32 s0, $0xA;
	s2 =	sadd.s32 s3, s2  }
0x5: {  	s2 =	sadd.s32 s2, s18  }
0x6: {  	[smem:$0x3FC3] =	sst s2  }
0x7: {  	_ = 	snop  }
0x8: {  	s2 =	sld [smem:$0x3FD0];
	(tm) =	ssettm $0x1  }
0x9: {  	s19 =	sld [smem:$0x3FFB];
	_ =	sdelay $0x3  }
0xa: {  	_ =	strace s19  }
0xb: {  	s3 =	sld [smem:$0x3FFC];
	_ =	sdelay $0x3  }
0xc: {  	_ =	strace s3  }
0xd: {  	s3 =	sld [smem:$0x3FFD];
	_ =	sdelay $0x3  }
0xe: {  	_ =	strace s3  }
0xf: {  	_ =	strace $0x8FFFFFFF  }
0x10: {  	s20 =	sld [smem:$0x3FDB];
	_ =	sdelay $0x1  }
0x11: {  	s4 =	simm.s32 $_scs_section_size  }
0x12: {  	s5 =	simm.s32 $_size__tile_overlayer_lowered;
	s6 =	simm.s32 $_tile_overlayer_lowered  }
0x13: {  	s23 =	simm.s32 $0x1BFF;
	s22 =	sshll.u32 s6, $0x1;
	s3 =	sadd.s32 s4, s20  }
0x14: {  	s7 =	simm.s32 $0x0;
	s21 =	sshll.u32 s5, $0x1;
	s5 =	sadd.s32 s22, s3  }
0x15: {  	[timem:s7], [sflag:s23] =	dma.local [hbm:s5], s21  }
0x16: {  	_ =	swait.ge [sflag:s23], s21  }
0x17: {  	s4 =	ssub.s32 $0x0, s21;
	[sflag:s23] =	ssyncset.done $0x0  }
0x18: {  	[sflag:s23] =	ssyncadd.s32 s4;
	_ =	sdelay $0x1  }
0x19: {  	s24 =	simm.s32 $0x1B8B  }
0x1a: {  	_ =	swait.ge [sflag:s24], $0x1  }
0x1b: {  	[sflag:s24] =	ssyncset.done $0x0  }
0x1c: {  	s26 =	simm.s32 $0x1B8E;
	s25 =	sld [smem:$0x3FFE];
	[sflag:s24] =	ssyncadd.s32 $0xFFFFFFFF  }
0x1d: {  	s27 =	simm.s32 $execute0_lowered;
	[smem:$0x3FD2] =	sst s26  }
0x1e: {  	s5 =	sshll.u32 s27, $0x1;
	_ =	strace $0x80000049;
	[dreg:$0x1] =	wrdreg $0xFFFFFFFF  }
0x1f: {  	s28 =	simm.s32 $_size_execute0_lowered;
	s3 =	sadd.s32 s3, s5;
	[dreg:$0x0] =	wrdreg $0x0  }
0x20: {  	s5 =	sshll.u32 s28, $0x1;
	[dreg:$0x2] =	wrdreg s3  }
0x21: {  	[dreg:$0x3] =	wrdreg s5  }
0x22: {  	[dreg:$0x4] =	wrdreg $0xC0  }
0x23: {  	_ =	task [dreg:s7], $0x5FFFF  }
0x24: {  	[dreg:$0x1] =	wrdreg $0xFFFFFFFF  }
0x25: {  	[dreg:$0x0] =	wrdreg $0x60  }
0x26: {  	[dreg:$0x2] =	wrdreg s25  }
0x27: {  	[dreg:$0x3] =	wrdreg s2  }
0x28: {  	[dreg:$0x4] =	wrdreg $0x9  }
0x29: {  	_ =	task.clear_ibuf [dreg:s7], $0x5FFFF;
	_ =	strace $0x90000049  }
0x2a: {  	s29 =	simm.s32 $0x9;
	_ =	strace $0x8000004B  }
0x2b: {  	_ =	swait.ge [sflag:s29], $0x1  }
0x2c: {  	[sflag:s29] =	ssyncadd.s32 $0xFFFFFFFF  }
0x2d: {  	_ =	strace $0x9000004B  }
0x2e: {  	_ =	sfence  }
0x2f: {  	s30 =	sld [smem:$0x0];
	_ =	sdelay $0x2  }
0x30: {  	s31 =	sshll.u32 s1, $0xD;
	s1 =	sshrl.u32 s1, $0x2  }
0x31: {  	s3 =	sand.u32 $0x4000, s31;
	s1 =	sadd.s32 s1, s30  }
0x32: {  	s0 =	sor.u32 s3, s0;
	s1 =	sshll.u32 s1, $0x11  }
0x33: {  	s0 =	sor.u32 s1, s0  }
0x34: {  	s0 =	sadd.s32 $0x8F2B, s0  }
0x35: {  	[sflag:s0] =	ssyncadd.remote.s32 $0x1  }
0x36: {  	_ =	sfence.sel $0xFFFF  }
0x37: {  	[dreg:$0x0] =	wrdreg $0xFFFFFFFF;
	(pc) =	sbr.abs _section_cstart, $3  }
0x38: {  	[dreg:$0x1] =	wrdreg $0xFFFFFFFF  }
0x39: {  	_ =	task.clear_ibuf [dreg:s7], $0x2FFFF;
	_ =	strace $0x9FFFFFFF  }
0x3a: {  	(tm) =	ssettm $0x7FFFFFFF  }
0x3b: {  	_ =	shalt  }
tec
execute0_lowered:
.L_overlay_start_1:
0x0: {  	(tag) =	ssettag $0x1  }
0x1: {  	s0 =	srdreg.scid  }
0x2: {  	s1 =	sshll.u32 s0, $0x4  }
0x3: {  	s0 =	stileid.u32;
	s1 =	sand.u32 $0x10, s1  }
0x4: {  	s1 =	sor.u32 s0, s1  }
0x5: {  	s6 =	rddreg [dreg:$0x0];
	s4 =	simm.s32 $0x1;
	s2 =	sshll.u32 s1, $0x7  }
0x6: {  	s7 =	simm.s32 $0x2;
	s12 =	simm.s32 $0x0;
	s1 =	ssub.s32 $0x1000, s2  }
0x7: {  	s8 =	simm.s32 $0x8000;
	s13 =	simm.s32 $0x0;
	s3 =	sand.u32 $0xF80, s1  }
0x8: {  	s9 =	simm.s32 $0x0;
	s5 =	sshrl.u32 s1, $0xC;
	p0 =	sne.s32 s3, $0x0  }
.Ltmp0:
0x9: {  	s1 =	rddreg [dreg:$0x2];
	s4 =	simm.s32 @!p0 $0x0;
	(pc) =	sbr.rel .LBB1_1-.Ltmp0, $4  }
0xa: {  	s11 =	simm.s32 $0x0;
	s3 =	rddreg [dreg:$0x1];
	s5 =	sadd.s32 s4, s5  }
0xb: {  	_ =	strace $0x8000004A;
	s4 =	simm.s32 $0x1;
	s5 =	smul.u32 $0xC8, s5  }
0xc: {  	s6 =	sadd.s32 $0xE00, s6;
	s10 =	smov.u32 s2;
	[sflag:s4] =	ssyncpa.u1 $0x0  }
0xd: {  	p0 =	por $0x0, $0x0;
	[sflag:s7] =	ssyncpa.u1 $0x0;
	s7 =	sor.u32 $0x1, s5  }
.LBB1_4:
0xe: {  	s16 =	sshll.u32 s13, $0x3;
	s17 =	sand.u32 $0x78, s13  }
0xf: {  	s30 =	sand.u32 $0x7E00, s13;
	s12 =	sshll.u32 s12, $0xF;
	s16 =	sand.u32 $0xC00, s16  }
0x10: {  	[tilespmem:s15+$0x810 ss:$0x81] =	vst.msk $0xffff, v2;
	s31 =	sand.u32 $0x7, s13;
	s16 =	sor.u32 s17, s16;
	s17 =	sadd.s32 s3, s30  }
0x11: {  	[tilespmem:s15+$0x1020 ss:$0x81] =	vst.msk $0xffff, v0;
	s13 =	sshll.u32 s31, $0x12;
	s12 =	sadd.s32 s12, s17;
	s16 =	sshrl.u32 s16, $0x3  }
0x12: {  	[tilespmem:s15+$0x0 ss:$0x81] =	vst.msk $0xffff, v1;
	s13 =	sor.u32 $0x400, s13;
	s12 =	sadd.s32 s16, s12  }
0x13: {  	[hbm4b:s12+s13] =	stream.strided.scatter [tilespmem:s14], [sflag:$0x2], $0x2000, s8, s13, $0x20;
	[tilespmem:$0x8080] =	vst v63  }
.LBB1_5:
0x14: {  	s14 =	sadd.s32 $0x1, s9  }
0x15: {  	s12 =	sadd.s32 $0x1000, s10;
	s16 =	smov.u32 s10;
	p2 =	sgt.s32 s14, $0xC7  }
0x16: {  	s16 =	smov.u32 @p2 s12  }
0x17: {  	s14 =	simm.s32 @p2 $0x0;
	p2 =	sgt.s32 s16, $0xFFF  }
0x18: {  	s16 =	smov.u32 @p2 s2;
	p2 =	sne.s32 s11, s7  }
.Ltmp1:
0x19: {  	p1 =	slt.u32 s11, $0x2;
	(pc) =	sbr.rel @!p2 .LBB1_6-.Ltmp1, $4  }
0x1a: {  	s15 =	simm.s32 @!p1 $0x2  }
0x1b: {  	s13 =	smov.u32 s10;
	p0 =	por !p0, !p0;
	_ =	swait.ge @!p1 [sflag:s15], $0x2000  }
0x1c: {  	s12 =	smov.u32 s9;
	[sflag:s15] =	ssyncset.done @!p1 $0x0;
	s9 =	smov.u32 s14  }
0x1d: {  	s11 =	sadd.s32 $0x1, s11;
	[sflag:s15] =	ssyncadd.s32 @!p1 $0xFFFFE000;
	s10 =	smov.u32 s16  }
.LBB1_1:
0x1e: {  	p1 =	sge.u32 s11, s5  }
0x1f: {  	s14 =	sand.u32 @!p1 $0x1FFFFFF, s9  }
0x20: {  	s15 =	smulhi.u32 @!p1 $0x147AE15, s14;
	_ =	sdelay $0x1  }
0x21: {  	s15 =	smul.u32 @!p1 $0xC8, s15  }
0x22: {  	s16 =	sxor.u32 @!p1 $0xFFFFFFFF, s11;
	s17 =	smul.u32 @!p1 $0xC80, s10  }
0x23: {  	s31 =	sadd.s32 $0xFFFFFFFF, s11;
	s16 =	sshll.u32 @!p1 s16, $0xD;
	s14 =	ssub.s32 @!p1 s14, s15  }
0x24: {  	s15 =	sand.u32 @!p1 $0x2000, s16;
	s16 =	sadd.s32 @!p1 s6, s17;
	s14 =	sshll.u32 @!p1 s14, $0x4  }
0x25: {  	s17 =	simm.s32 @!p1 $0x6400;
	s14 =	sadd.s32 @!p1 s14, s16;
	s16 =	simm.s32 @!p1 $0x40  }
0x26: {  	[tilespmem:s15], [sflag:$0x1] =	stream.strided.gather @!p1 [hbm4b:s14+s16], $0x2000, s17, s16, $0x38;
	[tilespmem:$0x8080] =	vst v63  }
0x27: {  	p1 =	sge.u32 s31, s5  }
.Ltmp2:
0x28: {  	_ = 	snop;
	(pc) =	sbr.rel @p1 .LBB1_5-.Ltmp2, $1  }
0x29: {  	_ =	sdelay $0x3  }
0x2a: {  	s14 =	simm.s32 $0x1  }
0x2b: {  	_ =	swait.ge [sflag:s4], $0x2000;
	s14 =	simm.s32 @!p0 $0x0  }
0x2c: {  	[sflag:s4] =	ssyncset.done $0x0;
	s15 =	sshll.u32 s14, $0xD  }
0x2d: {  	[sflag:s4] =	ssyncadd.s32 $0xFFFFE000;
	s18 =	sor.u32 $0x20, s15  }
0x2e: {  	s14 =	smul.u32 $0x8100, s14;
	v3 =	vld [tilespmem:s18+$0x10]  }
0x2f: {  	s30 =	sand.u32 $0x1, s11;
	v2 =	vld [tilespmem:s18+$0xFFFFFFF0]  }
0x30: {  	s15 =	smul.u32 $0x8100, s30;
	s14 =	sshrl.u32 s14, $0x2;
	v0 =	vld [tilespmem:s18+$0x0]  }
0x31: {  	v1 =	vld [tilespmem:s18+$0xFFFFFFE0];
	s16 =	sor.u32 $0x4000, s14  }
0x32: {  	s31 =	sshrl.u32 s15, $0x2;
	s15 =	sadd.s32 $0x0, s16  }
0x33: {  	s17 =	simm.s32 $0x4;
	s18 =	sadd.s32 $0x40, s18;
	s14 =	sor.u32 $0x4000, s31;
	[tilespmem:s15+$0x1830 ss:$0x81] =	vst.msk $0xffff, v3  }
.LBB1_3:
0x34: {  	v3 =	vld [tilespmem:s18+$0x10];
	p1 =	sne.s32 s17, $0x1FC;
	[tilespmem:s15+$0x810 ss:$0x81] =	vst.msk $0xffff, v2;
	s19 =	smov.u32 s17;
	s17 =	sadd.s32 $0x4, s17  }
.Ltmp3:
0x35: {  	v2 =	vld [tilespmem:s18+$0xFFFFFFF0];
	[tilespmem:s15+$0x1020 ss:$0x81] =	vst.msk $0xffff, v0;
	(pc) =	sbr.rel @p1 .LBB1_3-.Ltmp3, $4  }
0x36: {  	v0 =	vld [tilespmem:s18+$0x0];
	[tilespmem:s15+$0x0 ss:$0x81] =	vst.msk $0xffff, v1  }
0x37: {  	s15 =	sshra.s32 s19, $0x2;
	v1 =	vld [tilespmem:s18+$0xFFFFFFE0]  }
0x38: {  	s15 =	sadd.s32 s15, s16  }
0x39: {  	s18 =	sadd.s32 $0x40, s18;
	[tilespmem:s15+$0x1830 ss:$0x81] =	vst.msk $0xffff, v3  }
.Ltmp4:
0x3a: {  	_ = 	snop;
	(pc) =	sbr.rel .LBB1_4-.Ltmp4, $1  }
0x3b: {  	_ =	sdelay $0x3  }
.LBB1_6:
0x3c: {  	_ =	sfence.sel $0x180000  }
0x3d: {  	s2 =	simm.s32 $0x1;
	[bflag:$0x0] =	sbarrier.arrive $0xFFFF  }
0x3e: {  	s31 =	simm.s32 $0x2;
	[sflag:s2] =	ssyncpa.u1 $0x1  }
0x3f: {  	[sflag:s31] =	ssyncpa.u1 $0x1  }
0x40: {  	p0 =	sne.s32 s0, $0x0;
	_ =	strace $0x9000004A  }
0x41: {  	s0 =	sadd.s32 @!p0 $0x100000, s1;
	[bflag:$0x2] =	sbarrier.arrive $0xFFFF  }
0x42: {  	[sflag:s0] =	ssyncadd.tile.s32 @!p0 $0x1;
	_ =	shalt  }
.Lfunc_end1:
_tile_overlayer_lowered:
.L_overlay_start_2:
0x43: {  	(tag) =	ssettag $0x2  }
0x44: {  	s0 =	rddreg [dreg:$0x0];
	s2 =	stileid.u32  }
0x45: {  	s1 =	rddreg [dreg:$0x1];
	p0 =	sne.s32 s2, $0x0  }
0x46: {  	s3 =	rddreg [dreg:$0x2];
	[bflag:$0x3] =	sbarrier.arrive $0xFFFF;
	s2 =	simm.s32 @!p0 $0x1C01  }
0x47: {  	[timem:s3], [sflag:s2] =	dma.local @!p0 [hbm:s0], s1  }
0x48: {  	s0 =	simm.s32 @!p0 $0x1  }
0x49: {  	_ =	swait.ge @!p0 [sflag:s0], s1  }
0x4a: {  	s1 =	ssub.s32 @!p0 $0x0, s1;
	[sflag:s0] =	ssyncset.done @!p0 $0x0  }
0x4b: {  	[sflag:s0] =	ssyncadd.s32 @!p0 s1  }
0x4c: {  	[bflag:$0x3] =	sbarrier.arrive $0xFFFF  }
0x4d: {  	_ =	shalt  }

</sc_bundles>
